<compile_context>
chip_gen: v7x
topology: tpu7x:2x2x1
jax: 0.10.2.dev20260603
libtpu: 0.0.44.dev20260713+nightly
codegen_flags: <defaults>
</compile_context>

<pallas_src>
import functools

import jax
import jax.numpy as jnp
from jax import lax
from jax.experimental import pallas as pl
from jax.experimental.pallas import tpu as pltpu, tpu_sc as plsc

LEN_RULES = 100000
PAD_TOKEN = 100000
B = 16384
L = 200
NUM_CORES = 2
NUM_SUBCORES = 16
NW = NUM_CORES * NUM_SUBCORES
ROWS_PER_W = B // NW
CHUNK_ROWS = 128
NCHUNK = ROWS_PER_W // CHUNK_ROWS
GROUPS = CHUNK_ROWS // 16
PARTS = ((0, 72), (72, 64), (136, 64))
T_PAD = 100096
T_SLICE = T_PAD // NUM_SUBCORES


def _sc_body(rules_hbm, table_hbm, out_hbm,
             table_f, rules_v0, rules_v1, out_v, table_spm, sem0, sem1):
    cid = lax.axis_index("c")
    sid = lax.axis_index("s")
    wid = sid * NUM_CORES + cid
    base_row = wid * ROWS_PER_W

    bufs = (rules_v0, rules_v1)
    sems = (sem0, sem1)
    steps = [(c, off, ln) for c in range(NCHUNK) for off, ln in PARTS]

    def start(i):
        c, off, ln = steps[i]
        return pltpu.async_copy(
            rules_hbm.at[pl.ds(off, ln),
                         pl.ds(base_row + c * CHUNK_ROWS, CHUNK_ROWS)],
            bufs[i % 2].at[pl.ds(0, ln), :],
            sems[i % 2],
        )

    pending = start(0)

    t_off = sid * T_SLICE
    pltpu.sync_copy(table_hbm.at[pl.ds(t_off, T_SLICE)],
                    table_f.at[pl.ds(t_off, T_SLICE)])

    def xform(i, _):
        o = t_off + i * 16
        table_f[pl.ds(o, 16)] = 1.0 + jnp.exp(table_f[pl.ds(o, 16)])
        return 0

    lax.fori_loop(0, T_SLICE // 16, xform, 0, unroll=8)

    @pl.when(sid == PAD_TOKEN // T_SLICE)
    def _patch():
        v = table_f[pl.ds(PAD_TOKEN, 16)]
        v = jnp.where(lax.iota(jnp.int32, 16) == PAD_TOKEN % 16, 1.0, v)
        table_f[pl.ds(PAD_TOKEN, 16)] = v

    pltpu.sync_copy(table_f.at[pl.ds(t_off, T_SLICE)],
                    table_spm.at[pl.ds(t_off, T_SLICE)])
    plsc.subcore_barrier()
    pltpu.sync_copy(table_spm, table_f)

    dens = None
    for i, (c, off, ln) in enumerate(steps):
        pending.wait()
        if i + 1 < len(steps):
            nxt = start(i + 1)
        rules_v = bufs[i % 2]
        if off == 0:
            dens = [jnp.ones((16,), jnp.float32)] * GROUPS
        for gp in range(GROUPS // 4):
            col0 = gp * 64

            def step(l, dd):
                new = []
                for q in range(4):
                    rv = rules_v[l, pl.ds(col0 + q * 16, 16)]
                    f = plsc.load_gather(table_f, [rv])
                    new.append(dd[q] * f)
                return tuple(new)

            (dens[4 * gp], dens[4 * gp + 1],
             dens[4 * gp + 2], dens[4 * gp + 3]) = lax.fori_loop(
                0, ln, step,
                (dens[4 * gp], dens[4 * gp + 1],
                 dens[4 * gp + 2], dens[4 * gp + 3]), unroll=2)
        if off + ln == L:
            for g in range(GROUPS):
                res = jnp.clip(1.0 - 1.0 / dens[g], 0.0001, 0.99999)
                out_v[pl.ds(c * CHUNK_ROWS + g * 16, 16)] = res
        if i + 1 < len(steps):
            pending = nxt

    pltpu.sync_copy(out_v, out_hbm.at[pl.ds(base_row, ROWS_PER_W)])


@functools.partial(jax.jit, static_argnames=())
def kernel(rules, relation, table):
    del relation
    table_p = jnp.pad(table.reshape(-1), (0, T_PAD - (LEN_RULES + 1)))
    mesh = plsc.VectorSubcoreMesh(core_axis_name="c", subcore_axis_name="s")
    out = pl.kernel(
        _sc_body,
        out_type=jax.ShapeDtypeStruct((B,), jnp.float32),
        mesh=mesh,
        scratch_types=[
            pltpu.VMEM((T_PAD,), jnp.float32),
            pltpu.VMEM((72, CHUNK_ROWS), jnp.int32),
            pltpu.VMEM((72, CHUNK_ROWS), jnp.int32),
            pltpu.VMEM((ROWS_PER_W,), jnp.float32),
            pltpu.VMEM_SHARED((T_PAD,), jnp.float32),
            pltpu.SemaphoreType.DMA,
            pltpu.SemaphoreType.DMA,
        ],
        compiler_params=pltpu.CompilerParams(needs_layout_passes=False,
                                             skip_device_barrier=True),
    )(rules.T, table_p)
    return out.reshape(B, 1)

# --- scband reference (transcript-rebuilt; emitter-appended) ---
"""Pipeline reference for scband-noisy-or-aggregator-11544872092074 (READ-ONLY COPY).

The authoritative reference and input builder live on the scoring server;
editing this copy changes nothing except your own understanding.
"""

import jax, jax.numpy as jnp
import numpy as np

LEN_RULES = 100000
PAD_TOK = 100000  # padding_idx = last row of the (LEN_RULES+1)-row table


def setup_inputs(seed: int = 0) -> dict:
    key = jax.random.key(seed)
    k1, k2, k3 = jax.random.split(key, 3)
    # rules indices in [0, LEN_RULES]; value == PAD_TOK marks padding
    rules = jax.random.randint(k1, (16384, 200), 0, LEN_RULES + 1, dtype=jnp.int32)
    relation = jax.random.randint(k2, (16384,), 0, 200, dtype=jnp.int32)
    # learned per-rule logit table, shape [LEN_RULES+1, 1] (embedding_dim=1)
    table = jax.random.normal(k3, (LEN_RULES + 1, 1), dtype=jnp.float32) * 0.5
    # padding row would be zero in torch; it is masked out anyway, but zero it for fidelity
    table = table.at[PAD_TOK].set(0.0)
    return {"rules": rules, "relation": relation, "table": table}


def reference(rules, relation, table):
    # relation is unused by the module's forward (kept for signature fidelity)
    mask = rules == PAD_TOK  # [B, L]
    emb = jnp.take(table, rules, axis=0)  # gather -> [B, L, 1]
    emb = jnp.where(mask[..., None], -jnp.inf, emb)  # masked_fill_(-inf)
    # noisy-or: 1 - prod(1 - sigmoid(logit)) over the rule dimension
    no = 1.0 - jnp.prod(1.0 - jax.nn.sigmoid(emb), axis=1)  # [B, 1]
    return jnp.clip(no, 0.0001, 0.99999)

if __name__ == "__main__":
    import jax
    _d = setup_inputs()
    print(jax.jit(kernel)(*tuple(_d.values())))

</pallas_src>

<mosaic_0001>
#map = affine_map<(d0, d1) -> (0, 0)>
#map1 = affine_map<(d0, d1) -> (0)>
module attributes {stable_mosaic.version = 14 : i64} {
  func.func @_sc_body(%arg0: i32, %arg1: i32, %arg2: memref<200x16384xi32, #tpu.memory_space<hbm>>, %arg3: memref<100096xf32, #tpu.memory_space<hbm>>, %arg4: memref<16384xf32, #tpu.memory_space<hbm>>, %arg5: memref<100096xf32, #tpu.memory_space<vmem>>, %arg6: memref<72x128xi32, #tpu.memory_space<vmem>>, %arg7: memref<72x128xi32, #tpu.memory_space<vmem>>, %arg8: memref<512xf32, #tpu.memory_space<vmem>>, %arg9: memref<100096xf32, #tpu.memory_space<vmem_shared>>, %arg10: memref<!tpu.dma_semaphore, #tpu.memory_space<semaphore_mem>>, %arg11: memref<!tpu.dma_semaphore, #tpu.memory_space<semaphore_mem>>) attributes {dimension_semantics = [#tpu.dimension_semantics<core_parallel>, #tpu.dimension_semantics<subcore_parallel>], iteration_bounds = array<i64: 2, 16>, scalar_prefetch = 0 : i64, scratch_operands = 7 : i64, tpu.core_type = #tpu.core_type<sc_vector_subcore>, window_params = [{transform_indices = #map}, {transform_indices = #map1}, {transform_indices = #map1}]} {
    %mul3A = arith.constant 2 : i32
    %mul3A_0 = arith.muli %arg1, %mul3A : i32
    %add3A = arith.addi %mul3A_0, %arg0 : i32
    %mul3A_1 = arith.constant 512 : i32
    %mul3A_2 = arith.muli %add3A, %mul3A_1 : i32
    %add3A_3 = arith.constant 0 : i32
    %add3A_4 = arith.addi %mul3A_2, %add3A_3 : i32
    %dma_start3A = arith.constant 0 : i32
    %dma_start3A_5 = arith.constant 0 : i32
    %dma_start3A_6 = tpu.memref_slice %arg6[%dma_start3A, %dma_start3A_5] : memref<72x128xi32, #tpu.memory_space<vmem>> -> memref<72x128xi32, #tpu.memory_space<vmem>>
    %dma_start3A_7 = arith.constant 0 : i32
    %dma_start3A_8 = tpu.memref_slice %arg2[%dma_start3A_7, %add3A_4] : memref<200x16384xi32, #tpu.memory_space<hbm>> -> memref<72x128xi32, #tpu.memory_space<hbm>>
    %dma_start3A_9 = arith.constant 0 : i32
    %dma_start3A_10 = arith.constant 0 : i32
    %dma_start3A_11 = tpu.memref_slice %arg6[%dma_start3A_9, %dma_start3A_10] : memref<72x128xi32, #tpu.memory_space<vmem>> -> memref<72x128xi32, #tpu.memory_space<vmem>>
    %dma_start3A_12 = arith.constant 0 : i32
    %dma_start3A_13 = tpu.memref_slice %arg2[%dma_start3A_12, %add3A_4] : memref<200x16384xi32, #tpu.memory_space<hbm>> -> memref<72x128xi32, #tpu.memory_space<hbm>>
    tpu.enqueue_dma source(%dma_start3A_13 : memref<72x128xi32, #tpu.memory_space<hbm>>) target(%dma_start3A_11 : memref<72x128xi32, #tpu.memory_space<vmem>>) target_semaphore(%arg10 : memref<!tpu.dma_semaphore, #tpu.memory_space<semaphore_mem>>)
    %mul3A_14 = arith.constant 6256 : i32
    %mul3A_15 = arith.muli %arg1, %mul3A_14 : i32
    "tpu.region"() ({
      %run_scoped3A = tpu.sem_alloc : memref<!tpu.dma_semaphore, #tpu.memory_space<semaphore_mem>>
      %dma_start3A_964 = tpu.memref_slice %arg5[%mul3A_15] : memref<100096xf32, #tpu.memory_space<vmem>> -> memref<6256xf32, #tpu.memory_space<vmem>>
      %dma_start3A_965 = tpu.memref_slice %arg3[%mul3A_15] : memref<100096xf32, #tpu.memory_space<hbm>> -> memref<6256xf32, #tpu.memory_space<hbm>>
      %dma_start3A_966 = tpu.memref_slice %arg5[%mul3A_15] : memref<100096xf32, #tpu.memory_space<vmem>> -> memref<6256xf32, #tpu.memory_space<vmem>>
      %dma_start3A_967 = tpu.memref_slice %arg3[%mul3A_15] : memref<100096xf32, #tpu.memory_space<hbm>> -> memref<6256xf32, #tpu.memory_space<hbm>>
      tpu.enqueue_dma source(%dma_start3A_967 : memref<6256xf32, #tpu.memory_space<hbm>>) target(%dma_start3A_966 : memref<6256xf32, #tpu.memory_space<vmem>>) target_semaphore(%run_scoped3A : memref<!tpu.dma_semaphore, #tpu.memory_space<semaphore_mem>>)
      %dma_wait3A_968 = tpu.memref_slice %arg5[%mul3A_15] : memref<100096xf32, #tpu.memory_space<vmem>> -> memref<6256xf32, #tpu.memory_space<vmem>>
      %dma_wait3A_969 = tpu.memref_slice %arg3[%mul3A_15] : memref<100096xf32, #tpu.memory_space<hbm>> -> memref<6256xf32, #tpu.memory_space<hbm>>
      %dma_wait3A_970 = tpu.memref_slice %arg5[%mul3A_15] : memref<100096xf32, #tpu.memory_space<vmem>> -> memref<6256xf32, #tpu.memory_space<vmem>>
      %dma_wait3A_971 = tpu.memref_slice %arg3[%mul3A_15] : memref<100096xf32, #tpu.memory_space<hbm>> -> memref<6256xf32, #tpu.memory_space<hbm>>
      tpu.wait_dma2 semaphore(%run_scoped3A : memref<!tpu.dma_semaphore, #tpu.memory_space<semaphore_mem>>) src(%dma_wait3A_971 : memref<6256xf32, #tpu.memory_space<hbm>>) dst(%dma_wait3A_970 : memref<6256xf32, #tpu.memory_space<vmem>>)
      tpu.yield
    }) : () -> ()
    %scan3A = arith.constant 0 : i32
    %scan3A_16 = arith.constant 0 : i32
    %scan3A_17 = arith.constant 384 : i32
    %scan3A_18 = arith.addi %scan3A_16, %scan3A_17 : i32
    %scan3A_19 = arith.constant 8 : i32
    %scan3A_20 = scf.for %scan3A_964 = %scan3A_16 to %scan3A_18 step %scan3A_19 iter_args(%scan3A_965 = %scan3A) -> (i32)  : i32 {
      %mul3A_966 = arith.constant 16 : i32
      %mul3A_967 = arith.muli %scan3A_964, %mul3A_966 : i32
      %add3A_968 = arith.addi %mul3A_15, %mul3A_967 : i32
      %get3A_969 = arith.index_cast %add3A_968 : i32 to index
      %get3A_970 = tpu.vector_load %arg5[%get3A_969] {strides = array<i32>} : memref<100096xf32, #tpu.memory_space<vmem>>, vector<16xf32>,
      %exp3A_971 = math.exp %get3A_970 : vector<16xf32>
      %add3A_972 = arith.constant 1.000000e+00 : f32
      %add3A_973 = vector.broadcast %add3A_972 : f32 to vector<16xf32>
      %add3A_974 = arith.addf %add3A_973, %exp3A_971 : vector<16xf32>
      %swap3A_975 = arith.index_cast %add3A_968 : i32 to index
      %swap3A_976 = tpu.vector_load %arg5[%swap3A_975] {strides = array<i32>} : memref<100096xf32, #tpu.memory_space<vmem>>, vector<16xf32>,
      tpu.vector_store %arg5[%swap3A_975], %add3A_974 {strides = array<i32>} : memref<100096xf32, #tpu.memory_space<vmem>>, vector<16xf32>,
      %scan3A_977 = arith.constant 0 : i32
      %scan3A_978 = arith.constant 1 : i32
      %scan3A_979 = arith.addi %scan3A_964, %scan3A_978 : i32
      %mul3A_980 = arith.constant 16 : i32
      %mul3A_981 = arith.muli %scan3A_979, %mul3A_980 : i32
      %add3A_982 = arith.addi %mul3A_15, %mul3A_981 : i32
      %get3A_983 = arith.index_cast %add3A_982 : i32 to index
      %get3A_984 = tpu.vector_load %arg5[%get3A_983] {strides = array<i32>} : memref<100096xf32, #tpu.memory_space<vmem>>, vector<16xf32>,
      %exp3A_985 = math.exp %get3A_984 : vector<16xf32>
      %add3A_986 = arith.constant 1.000000e+00 : f32
      %add3A_987 = vector.broadcast %add3A_986 : f32 to vector<16xf32>
      %add3A_988 = arith.addf %add3A_987, %exp3A_985 : vector<16xf32>
      %swap3A_989 = arith.index_cast %add3A_982 : i32 to index
      %swap3A_990 = tpu.vector_load %arg5[%swap3A_989] {strides = array<i32>} : memref<100096xf32, #tpu.memory_space<vmem>>, vector<16xf32>,
      tpu.vector_store %arg5[%swap3A_989], %add3A_988 {strides = array<i32>} : memref<100096xf32, #tpu.memory_space<vmem>>, vector<16xf32>,
      %scan3A_991 = arith.constant 0 : i32
      %scan3A_992 = arith.constant 2 : i32
      %scan3A_993 = arith.addi %scan3A_964, %scan3A_992 : i32
      %mul3A_994 = arith.constant 16 : i32
      %mul3A_995 = arith.muli %scan3A_993, %mul3A_994 : i32
      %add3A_996 = arith.addi %mul3A_15, %mul3A_995 : i32
      %get3A_997 = arith.index_cast %add3A_996 : i32 to index
      %get3A_998 = tpu.vector_load %arg5[%get3A_997] {strides = array<i32>} : memref<100096xf32, #tpu.memory_space<vmem>>, vector<16xf32>,
      %exp3A_999 = math.exp %get3A_998 : vector<16xf32>
      %add3A_1000 = arith.constant 1.000000e+00 : f32
      %add3A_1001 = vector.broadcast %add3A_1000 : f32 to vector<16xf32>
      %add3A_1002 = arith.addf %add3A_1001, %exp3A_999 : vector<16xf32>
      %swap3A_1003 = arith.index_cast %add3A_996 : i32 to index
      %swap3A_1004 = tpu.vector_load %arg5[%swap3A_1003] {strides = array<i32>} : memref<100096xf32, #tpu.memory_space<vmem>>, vector<16xf32>,
      tpu.vector_store %arg5[%swap3A_1003], %add3A_1002 {strides = array<i32>} : memref<100096xf32, #tpu.memory_space<vmem>>, vector<16xf32>,
      %scan3A_1005 = arith.constant 0 : i32
      %scan3A_1006 = arith.constant 3 : i32
      %scan3A_1007 = arith.addi %scan3A_964, %scan3A_1006 : i32
      %mul3A_1008 = arith.constant 16 : i32
      %mul3A_1009 = arith.muli %scan3A_1007, %mul3A_1008 : i32
      %add3A_1010 = arith.addi %mul3A_15, %mul3A_1009 : i32
      %get3A_1011 = arith.index_cast %add3A_1010 : i32 to index
      %get3A_1012 = tpu.vector_load %arg5[%get3A_1011] {strides = array<i32>} : memref<100096xf32, #tpu.memory_space<vmem>>, vector<16xf32>,
      %exp3A_1013 = math.exp %get3A_1012 : vector<16xf32>
      %add3A_1014 = arith.constant 1.000000e+00 : f32
      %add3A_1015 = vector.broadcast %add3A_1014 : f32 to vector<16xf32>
      %add3A_1016 = arith.addf %add3A_1015, %exp3A_1013 : vector<16xf32>
      %swap3A_1017 = arith.index_cast %add3A_1010 : i32 to index
      %swap3A_1018 = tpu.vector_load %arg5[%swap3A_1017] {strides = array<i32>} : memref<100096xf32, #tpu.memory_space<vmem>>, vector<16xf32>,
      tpu.vector_store %arg5[%swap3A_1017], %add3A_1016 {strides = array<i32>} : memref<100096xf32, #tpu.memory_space<vmem>>, vector<16xf32>,
      %scan3A_1019 = arith.constant 0 : i32
      %scan3A_1020 = arith.constant 4 : i32
      %scan3A_1021 = arith.addi %scan3A_964, %scan3A_1020 : i32
      %mul3A_1022 = arith.constant 16 : i32
      %mul3A_1023 = arith.muli %scan3A_1021, %mul3A_1022 : i32
      %add3A_1024 = arith.addi %mul3A_15, %mul3A_1023 : i32
      %get3A_1025 = arith.index_cast %add3A_1024 : i32 to index
      %get3A_1026 = tpu.vector_load %arg5[%get3A_1025] {strides = array<i32>} : memref<100096xf32, #tpu.memory_space<vmem>>, vector<16xf32>,
      %exp3A_1027 = math.exp %get3A_1026 : vector<16xf32>
      %add3A_1028 = arith.constant 1.000000e+00 : f32
      %add3A_1029 = vector.broadcast %add3A_1028 : f32 to vector<16xf32>
      %add3A_1030 = arith.addf %add3A_1029, %exp3A_1027 : vector<16xf32>
      %swap3A_1031 = arith.index_cast %add3A_1024 : i32 to index
      %swap3A_1032 = tpu.vector_load %arg5[%swap3A_1031] {strides = array<i32>} : memref<100096xf32, #tpu.memory_space<vmem>>, vector<16xf32>,
      tpu.vector_store %arg5[%swap3A_1031], %add3A_1030 {strides = array<i32>} : memref<100096xf32, #tpu.memory_space<vmem>>, vector<16xf32>,
      %scan3A_1033 = arith.constant 0 : i32
      %scan3A_1034 = arith.constant 5 : i32
      %scan3A_1035 = arith.addi %scan3A_964, %scan3A_1034 : i32
      %mul3A_1036 = arith.constant 16 : i32
      %mul3A_1037 = arith.muli %scan3A_1035, %mul3A_1036 : i32
      %add3A_1038 = arith.addi %mul3A_15, %mul3A_1037 : i32
      %get3A_1039 = arith.index_cast %add3A_1038 : i32 to index
      %get3A_1040 = tpu.vector_load %arg5[%get3A_1039] {strides = array<i32>} : memref<100096xf32, #tpu.memory_space<vmem>>, vector<16xf32>,
      %exp3A_1041 = math.exp %get3A_1040 : vector<16xf32>
      %add3A_1042 = arith.constant 1.000000e+00 : f32
      %add3A_1043 = vector.broadcast %add3A_1042 : f32 to vector<16xf32>
      %add3A_1044 = arith.addf %add3A_1043, %exp3A_1041 : vector<16xf32>
      %swap3A_1045 = arith.index_cast %add3A_1038 : i32 to index
      %swap3A_1046 = tpu.vector_load %arg5[%swap3A_1045] {strides = array<i32>} : memref<100096xf32, #tpu.memory_space<vmem>>, vector<16xf32>,
      tpu.vector_store %arg5[%swap3A_1045], %add3A_1044 {strides = array<i32>} : memref<100096xf32, #tpu.memory_space<vmem>>, vector<16xf32>,
      %scan3A_1047 = arith.constant 0 : i32
      %scan3A_1048 = arith.constant 6 : i32
      %scan3A_1049 = arith.addi %scan3A_964, %scan3A_1048 : i32
      %mul3A_1050 = arith.constant 16 : i32
      %mul3A_1051 = arith.muli %scan3A_1049, %mul3A_1050 : i32
      %add3A_1052 = arith.addi %mul3A_15, %mul3A_1051 : i32
      %get3A_1053 = arith.index_cast %add3A_1052 : i32 to index
      %get3A_1054 = tpu.vector_load %arg5[%get3A_1053] {strides = array<i32>} : memref<100096xf32, #tpu.memory_space<vmem>>, vector<16xf32>,
      %exp3A_1055 = math.exp %get3A_1054 : vector<16xf32>
      %add3A_1056 = arith.constant 1.000000e+00 : f32
      %add3A_1057 = vector.broadcast %add3A_1056 : f32 to vector<16xf32>
      %add3A_1058 = arith.addf %add3A_1057, %exp3A_1055 : vector<16xf32>
      %swap3A_1059 = arith.index_cast %add3A_1052 : i32 to index
      %swap3A_1060 = tpu.vector_load %arg5[%swap3A_1059] {strides = array<i32>} : memref<100096xf32, #tpu.memory_space<vmem>>, vector<16xf32>,
      tpu.vector_store %arg5[%swap3A_1059], %add3A_1058 {strides = array<i32>} : memref<100096xf32, #tpu.memory_space<vmem>>, vector<16xf32>,
      %scan3A_1061 = arith.constant 0 : i32
      %scan3A_1062 = arith.constant 7 : i32
      %scan3A_1063 = arith.addi %scan3A_964, %scan3A_1062 : i32
      %mul3A_1064 = arith.constant 16 : i32
      %mul3A_1065 = arith.muli %scan3A_1063, %mul3A_1064 : i32
      %add3A_1066 = arith.addi %mul3A_15, %mul3A_1065 : i32
      %get3A_1067 = arith.index_cast %add3A_1066 : i32 to index
      %get3A_1068 = tpu.vector_load %arg5[%get3A_1067] {strides = array<i32>} : memref<100096xf32, #tpu.memory_space<vmem>>, vector<16xf32>,
      %exp3A_1069 = math.exp %get3A_1068 : vector<16xf32>
      %add3A_1070 = arith.constant 1.000000e+00 : f32
      %add3A_1071 = vector.broadcast %add3A_1070 : f32 to vector<16xf32>
      %add3A_1072 = arith.addf %add3A_1071, %exp3A_1069 : vector<16xf32>
      %swap3A_1073 = arith.index_cast %add3A_1066 : i32 to index
      %swap3A_1074 = tpu.vector_load %arg5[%swap3A_1073] {strides = array<i32>} : memref<100096xf32, #tpu.memory_space<vmem>>, vector<16xf32>,
      tpu.vector_store %arg5[%swap3A_1073], %add3A_1072 {strides = array<i32>} : memref<100096xf32, #tpu.memory_space<vmem>>, vector<16xf32>,
      %scan3A_1075 = arith.constant 0 : i32
      scf.yield %scan3A_1075 : i32
    }
    %scan3A_21 = arith.constant 384 : i32
    %scan3A_22 = arith.addi %scan3A_16, %scan3A_21 : i32
    %mul3A_23 = arith.constant 16 : i32
    %mul3A_24 = arith.muli %scan3A_22, %mul3A_23 : i32
    %add3A_25 = arith.addi %mul3A_15, %mul3A_24 : i32
    %get3A = arith.index_cast %add3A_25 : i32 to index
    %get3A_26 = tpu.vector_load %arg5[%get3A] {strides = array<i32>} : memref<100096xf32, #tpu.memory_space<vmem>>, vector<16xf32>,
    %exp3A = math.exp %get3A_26 : vector<16xf32>
    %add3A_27 = arith.constant 1.000000e+00 : f32
    %add3A_28 = vector.broadcast %add3A_27 : f32 to vector<16xf32>
    %add3A_29 = arith.addf %add3A_28, %exp3A : vector<16xf32>
    %swap3A = arith.index_cast %add3A_25 : i32 to index
    %swap3A_30 = tpu.vector_load %arg5[%swap3A] {strides = array<i32>} : memref<100096xf32, #tpu.memory_space<vmem>>, vector<16xf32>,
    tpu.vector_store %arg5[%swap3A], %add3A_29 {strides = array<i32>} : memref<100096xf32, #tpu.memory_space<vmem>>, vector<16xf32>,
    %scan3A_31 = arith.constant 0 : i32
    %scan3A_32 = arith.constant 385 : i32
    %scan3A_33 = arith.addi %scan3A_16, %scan3A_32 : i32
    %mul3A_34 = arith.constant 16 : i32
    %mul3A_35 = arith.muli %scan3A_33, %mul3A_34 : i32
    %add3A_36 = arith.addi %mul3A_15, %mul3A_35 : i32
    %get3A_37 = arith.index_cast %add3A_36 : i32 to index
    %get3A_38 = tpu.vector_load %arg5[%get3A_37] {strides = array<i32>} : memref<100096xf32, #tpu.memory_space<vmem>>, vector<16xf32>,
    %exp3A_39 = math.exp %get3A_38 : vector<16xf32>
    %add3A_40 = arith.constant 1.000000e+00 : f32
    %add3A_41 = vector.broadcast %add3A_40 : f32 to vector<16xf32>
    %add3A_42 = arith.addf %add3A_41, %exp3A_39 : vector<16xf32>
    %swap3A_43 = arith.index_cast %add3A_36 : i32 to index
    %swap3A_44 = tpu.vector_load %arg5[%swap3A_43] {strides = array<i32>} : memref<100096xf32, #tpu.memory_space<vmem>>, vector<16xf32>,
    tpu.vector_store %arg5[%swap3A_43], %add3A_42 {strides = array<i32>} : memref<100096xf32, #tpu.memory_space<vmem>>, vector<16xf32>,
    %scan3A_45 = arith.constant 0 : i32
    %scan3A_46 = arith.constant 386 : i32
    %scan3A_47 = arith.addi %scan3A_16, %scan3A_46 : i32
    %mul3A_48 = arith.constant 16 : i32
    %mul3A_49 = arith.muli %scan3A_47, %mul3A_48 : i32
    %add3A_50 = arith.addi %mul3A_15, %mul3A_49 : i32
    %get3A_51 = arith.index_cast %add3A_50 : i32 to index
    %get3A_52 = tpu.vector_load %arg5[%get3A_51] {strides = array<i32>} : memref<100096xf32, #tpu.memory_space<vmem>>, vector<16xf32>,
    %exp3A_53 = math.exp %get3A_52 : vector<16xf32>
    %add3A_54 = arith.constant 1.000000e+00 : f32
    %add3A_55 = vector.broadcast %add3A_54 : f32 to vector<16xf32>
    %add3A_56 = arith.addf %add3A_55, %exp3A_53 : vector<16xf32>
    %swap3A_57 = arith.index_cast %add3A_50 : i32 to index
    %swap3A_58 = tpu.vector_load %arg5[%swap3A_57] {strides = array<i32>} : memref<100096xf32, #tpu.memory_space<vmem>>, vector<16xf32>,
    tpu.vector_store %arg5[%swap3A_57], %add3A_56 {strides = array<i32>} : memref<100096xf32, #tpu.memory_space<vmem>>, vector<16xf32>,
    %scan3A_59 = arith.constant 0 : i32
    %scan3A_60 = arith.constant 387 : i32
    %scan3A_61 = arith.addi %scan3A_16, %scan3A_60 : i32
    %mul3A_62 = arith.constant 16 : i32
    %mul3A_63 = arith.muli %scan3A_61, %mul3A_62 : i32
    %add3A_64 = arith.addi %mul3A_15, %mul3A_63 : i32
    %get3A_65 = arith.index_cast %add3A_64 : i32 to index
    %get3A_66 = tpu.vector_load %arg5[%get3A_65] {strides = array<i32>} : memref<100096xf32, #tpu.memory_space<vmem>>, vector<16xf32>,
    %exp3A_67 = math.exp %get3A_66 : vector<16xf32>
    %add3A_68 = arith.constant 1.000000e+00 : f32
    %add3A_69 = vector.broadcast %add3A_68 : f32 to vector<16xf32>
    %add3A_70 = arith.addf %add3A_69, %exp3A_67 : vector<16xf32>
    %swap3A_71 = arith.index_cast %add3A_64 : i32 to index
    %swap3A_72 = tpu.vector_load %arg5[%swap3A_71] {strides = array<i32>} : memref<100096xf32, #tpu.memory_space<vmem>>, vector<16xf32>,
    tpu.vector_store %arg5[%swap3A_71], %add3A_70 {strides = array<i32>} : memref<100096xf32, #tpu.memory_space<vmem>>, vector<16xf32>,
    %scan3A_73 = arith.constant 0 : i32
    %scan3A_74 = arith.constant 388 : i32
    %scan3A_75 = arith.addi %scan3A_16, %scan3A_74 : i32
    %mul3A_76 = arith.constant 16 : i32
    %mul3A_77 = arith.muli %scan3A_75, %mul3A_76 : i32
    %add3A_78 = arith.addi %mul3A_15, %mul3A_77 : i32
    %get3A_79 = arith.index_cast %add3A_78 : i32 to index
    %get3A_80 = tpu.vector_load %arg5[%get3A_79] {strides = array<i32>} : memref<100096xf32, #tpu.memory_space<vmem>>, vector<16xf32>,
    %exp3A_81 = math.exp %get3A_80 : vector<16xf32>
    %add3A_82 = arith.constant 1.000000e+00 : f32
    %add3A_83 = vector.broadcast %add3A_82 : f32 to vector<16xf32>
    %add3A_84 = arith.addf %add3A_83, %exp3A_81 : vector<16xf32>
    %swap3A_85 = arith.index_cast %add3A_78 : i32 to index
    %swap3A_86 = tpu.vector_load %arg5[%swap3A_85] {strides = array<i32>} : memref<100096xf32, #tpu.memory_space<vmem>>, vector<16xf32>,
    tpu.vector_store %arg5[%swap3A_85], %add3A_84 {strides = array<i32>} : memref<100096xf32, #tpu.memory_space<vmem>>, vector<16xf32>,
    %scan3A_87 = arith.constant 0 : i32
    %scan3A_88 = arith.constant 389 : i32
    %scan3A_89 = arith.addi %scan3A_16, %scan3A_88 : i32
    %mul3A_90 = arith.constant 16 : i32
    %mul3A_91 = arith.muli %scan3A_89, %mul3A_90 : i32
    %add3A_92 = arith.addi %mul3A_15, %mul3A_91 : i32
    %get3A_93 = arith.index_cast %add3A_92 : i32 to index
    %get3A_94 = tpu.vector_load %arg5[%get3A_93] {strides = array<i32>} : memref<100096xf32, #tpu.memory_space<vmem>>, vector<16xf32>,
    %exp3A_95 = math.exp %get3A_94 : vector<16xf32>
    %add3A_96 = arith.constant 1.000000e+00 : f32
    %add3A_97 = vector.broadcast %add3A_96 : f32 to vector<16xf32>
    %add3A_98 = arith.addf %add3A_97, %exp3A_95 : vector<16xf32>
    %swap3A_99 = arith.index_cast %add3A_92 : i32 to index
    %swap3A_100 = tpu.vector_load %arg5[%swap3A_99] {strides = array<i32>} : memref<100096xf32, #tpu.memory_space<vmem>>, vector<16xf32>,
    tpu.vector_store %arg5[%swap3A_99], %add3A_98 {strides = array<i32>} : memref<100096xf32, #tpu.memory_space<vmem>>, vector<16xf32>,
    %scan3A_101 = arith.constant 0 : i32
    %scan3A_102 = arith.constant 390 : i32
    %scan3A_103 = arith.addi %scan3A_16, %scan3A_102 : i32
    %mul3A_104 = arith.constant 16 : i32
    %mul3A_105 = arith.muli %scan3A_103, %mul3A_104 : i32
    %add3A_106 = arith.addi %mul3A_15, %mul3A_105 : i32
    %get3A_107 = arith.index_cast %add3A_106 : i32 to index
    %get3A_108 = tpu.vector_load %arg5[%get3A_107] {strides = array<i32>} : memref<100096xf32, #tpu.memory_space<vmem>>, vector<16xf32>,
    %exp3A_109 = math.exp %get3A_108 : vector<16xf32>
    %add3A_110 = arith.constant 1.000000e+00 : f32
    %add3A_111 = vector.broadcast %add3A_110 : f32 to vector<16xf32>
    %add3A_112 = arith.addf %add3A_111, %exp3A_109 : vector<16xf32>
    %swap3A_113 = arith.index_cast %add3A_106 : i32 to index
    %swap3A_114 = tpu.vector_load %arg5[%swap3A_113] {strides = array<i32>} : memref<100096xf32, #tpu.memory_space<vmem>>, vector<16xf32>,
    tpu.vector_store %arg5[%swap3A_113], %add3A_112 {strides = array<i32>} : memref<100096xf32, #tpu.memory_space<vmem>>, vector<16xf32>,
    %scan3A_115 = arith.constant 0 : i32
    %scan3A_116 = arith.constant 391 : i32
    %eq3A = arith.constant 15 : i32
    %eq3A_117 = arith.cmpi eq, %arg1, %eq3A : i32
    %convert_element_type3A = arith.extui %eq3A_117 : i1 to i32
    %cond3A = arith.constant 0 : i32
    %cond3A_118 = arith.cmpi ne, %convert_element_type3A, %cond3A : i32
    scf.if %cond3A_118 {
      %get3A_964 = arith.constant 100000 : index
      %get3A_965 = tpu.vector_load %arg5[%get3A_964] {strides = array<i32>} : memref<100096xf32, #tpu.memory_space<vmem>>, vector<16xf32>,
      %iota3A = tpu.iota {dimensions = array<i32: 0>} : vector<16xi32>
      %eq3A_966 = arith.constant 0 : i32
      %eq3A_967 = vector.broadcast %eq3A_966 : i32 to vector<16xi32>
      %eq3A_968 = arith.cmpi eq, %iota3A, %eq3A_967 : vector<16xi32>
      %jit3A_969 = arith.constant 1.000000e+00 : f32
      %broadcast_in_dim3A_970 = vector.broadcast %jit3A_969 : f32 to vector<16xf32>
      %select_n3A = arith.select %eq3A_968, %broadcast_in_dim3A_970, %get3A_965 : vector<16xi1>, vector<16xf32>
      %swap3A_971 = arith.constant 100000 : index
      %swap3A_972 = tpu.vector_load %arg5[%swap3A_971] {strides = array<i32>} : memref<100096xf32, #tpu.memory_space<vmem>>, vector<16xf32>,
      tpu.vector_store %arg5[%swap3A_971], %select_n3A {strides = array<i32>} : memref<100096xf32, #tpu.memory_space<vmem>>, vector<16xf32>,
    } else {
    }
    "tpu.region"() ({
      %run_scoped3A = tpu.sem_alloc : memref<!tpu.dma_semaphore, #tpu.memory_space<semaphore_mem>>
      %dma_start3A_964 = tpu.memref_slice %arg5[%mul3A_15] : memref<100096xf32, #tpu.memory_space<vmem>> -> memref<6256xf32, #tpu.memory_space<vmem>>
      %dma_start3A_965 = tpu.memref_slice %arg9[%mul3A_15] : memref<100096xf32, #tpu.memory_space<vmem_shared>> -> memref<6256xf32, #tpu.memory_space<vmem_shared>>
      %dma_start3A_966 = tpu.memref_slice %arg9[%mul3A_15] : memref<100096xf32, #tpu.memory_space<vmem_shared>> -> memref<6256xf32, #tpu.memory_space<vmem_shared>>
      %dma_start3A_967 = tpu.memref_slice %arg5[%mul3A_15] : memref<100096xf32, #tpu.memory_space<vmem>> -> memref<6256xf32, #tpu.memory_space<vmem>>
      tpu.enqueue_dma source(%dma_start3A_967 : memref<6256xf32, #tpu.memory_space<vmem>>) target(%dma_start3A_966 : memref<6256xf32, #tpu.memory_space<vmem_shared>>) target_semaphore(%run_scoped3A : memref<!tpu.dma_semaphore, #tpu.memory_space<semaphore_mem>>)
      %dma_wait3A_968 = tpu.memref_slice %arg5[%mul3A_15] : memref<100096xf32, #tpu.memory_space<vmem>> -> memref<6256xf32, #tpu.memory_space<vmem>>
      %dma_wait3A_969 = tpu.memref_slice %arg9[%mul3A_15] : memref<100096xf32, #tpu.memory_space<vmem_shared>> -> memref<6256xf32, #tpu.memory_space<vmem_shared>>
      %dma_wait3A_970 = tpu.memref_slice %arg9[%mul3A_15] : memref<100096xf32, #tpu.memory_space<vmem_shared>> -> memref<6256xf32, #tpu.memory_space<vmem_shared>>
      %dma_wait3A_971 = tpu.memref_slice %arg5[%mul3A_15] : memref<100096xf32, #tpu.memory_space<vmem>> -> memref<6256xf32, #tpu.memory_space<vmem>>
      tpu.wait_dma2 semaphore(%run_scoped3A : memref<!tpu.dma_semaphore, #tpu.memory_space<semaphore_mem>>) src(%dma_wait3A_971 : memref<6256xf32, #tpu.memory_space<vmem>>) dst(%dma_wait3A_970 : memref<6256xf32, #tpu.memory_space<vmem_shared>>)
      tpu.yield
    }) : () -> ()
    %barrier3A = arith.constant 0 : index
    tpu.barrier barrier_id(%barrier3A)
    "tpu.region"() ({
      %run_scoped3A = tpu.sem_alloc : memref<!tpu.dma_semaphore, #tpu.memory_space<semaphore_mem>>
      tpu.enqueue_dma source(%arg9 : memref<100096xf32, #tpu.memory_space<vmem_shared>>) target(%arg5 : memref<100096xf32, #tpu.memory_space<vmem>>) target_semaphore(%run_scoped3A : memref<!tpu.dma_semaphore, #tpu.memory_space<semaphore_mem>>)
      tpu.wait_dma2 semaphore(%run_scoped3A : memref<!tpu.dma_semaphore, #tpu.memory_space<semaphore_mem>>) src(%arg9 : memref<100096xf32, #tpu.memory_space<vmem_shared>>) dst(%arg5 : memref<100096xf32, #tpu.memory_space<vmem>>)
      tpu.yield
    }) : () -> ()
    %dma_wait3A = arith.constant 0 : i32
    %dma_wait3A_119 = arith.constant 0 : i32
    %dma_wait3A_120 = tpu.memref_slice %arg6[%dma_wait3A, %dma_wait3A_119] : memref<72x128xi32, #tpu.memory_space<vmem>> -> memref<72x128xi32, #tpu.memory_space<vmem>>
    %dma_wait3A_121 = arith.constant 0 : i32
    %dma_wait3A_122 = tpu.memref_slice %arg2[%dma_wait3A_121, %add3A_4] : memref<200x16384xi32, #tpu.memory_space<hbm>> -> memref<72x128xi32, #tpu.memory_space<hbm>>
    %dma_wait3A_123 = arith.constant 0 : i32
    %dma_wait3A_124 = arith.constant 0 : i32
    %dma_wait3A_125 = tpu.memref_slice %arg6[%dma_wait3A_123, %dma_wait3A_124] : memref<72x128xi32, #tpu.memory_space<vmem>> -> memref<72x128xi32, #tpu.memory_space<vmem>>
    %dma_wait3A_126 = arith.constant 0 : i32
    %dma_wait3A_127 = tpu.memref_slice %arg2[%dma_wait3A_126, %add3A_4] : memref<200x16384xi32, #tpu.memory_space<hbm>> -> memref<72x128xi32, #tpu.memory_space<hbm>>
    tpu.wait_dma2 semaphore(%arg10 : memref<!tpu.dma_semaphore, #tpu.memory_space<semaphore_mem>>) src(%dma_wait3A_127 : memref<72x128xi32, #tpu.memory_space<hbm>>) dst(%dma_wait3A_125 : memref<72x128xi32, #tpu.memory_space<vmem>>)
    %add3A_128 = arith.constant 0 : i32
    %add3A_129 = arith.addi %mul3A_2, %add3A_128 : i32
    %dma_start3A_130 = arith.constant 0 : i32
    %dma_start3A_131 = arith.constant 0 : i32
    %dma_start3A_132 = tpu.memref_slice %arg7[%dma_start3A_130, %dma_start3A_131] : memref<72x128xi32, #tpu.memory_space<vmem>> -> memref<64x128xi32, #tpu.memory_space<vmem>>
    %dma_start3A_133 = arith.constant 72 : i32
    %dma_start3A_134 = tpu.memref_slice %arg2[%dma_start3A_133, %add3A_129] : memref<200x16384xi32, #tpu.memory_space<hbm>> -> memref<64x128xi32, #tpu.memory_space<hbm>>
    %dma_start3A_135 = arith.constant 0 : i32
    %dma_start3A_136 = arith.constant 0 : i32
    %dma_start3A_137 = tpu.memref_slice %arg7[%dma_start3A_135, %dma_start3A_136] : memref<72x128xi32, #tpu.memory_space<vmem>> -> memref<64x128xi32, #tpu.memory_space<vmem>>
    %dma_start3A_138 = arith.constant 72 : i32
    %dma_start3A_139 = tpu.memref_slice %arg2[%dma_start3A_138, %add3A_129] : memref<200x16384xi32, #tpu.memory_space<hbm>> -> memref<64x128xi32, #tpu.memory_space<hbm>>
    tpu.enqueue_dma source(%dma_start3A_139 : memref<64x128xi32, #tpu.memory_space<hbm>>) target(%dma_start3A_137 : memref<64x128xi32, #tpu.memory_space<vmem>>) target_semaphore(%arg11 : memref<!tpu.dma_semaphore, #tpu.memory_space<semaphore_mem>>)
    %broadcast_in_dim3A = arith.constant 1.000000e+00 : f32
    %broadcast_in_dim3A_140 = vector.broadcast %broadcast_in_dim3A : f32 to vector<16xf32>
    %scan3A_141 = arith.constant 0 : i32
    %scan3A_142 = arith.constant 72 : i32
    %scan3A_143 = arith.addi %scan3A_141, %scan3A_142 : i32
    %scan3A_144 = arith.constant 2 : i32
    %scan3A_145:4 = scf.for %scan3A_964 = %scan3A_141 to %scan3A_143 step %scan3A_144 iter_args(%scan3A_965 = %broadcast_in_dim3A_140, %scan3A_966 = %broadcast_in_dim3A_140, %scan3A_967 = %broadcast_in_dim3A_140, %scan3A_968 = %broadcast_in_dim3A_140) -> (vector<16xf32>, vector<16xf32>, vector<16xf32>, vector<16xf32>)  : i32 {
      %get3A_969 = arith.index_cast %scan3A_964 : i32 to index
      %get3A_970 = arith.constant 0 : index
      %get3A_971 = tpu.vector_load %arg6[%get3A_969, %get3A_970] {strides = array<i32>} : memref<72x128xi32, #tpu.memory_space<vmem>>, vector<16xi32>,
      %gather3A = tpu.vector_load_idx %arg5[%get3A_971] : memref<100096xf32, #tpu.memory_space<vmem>>[vector<16xi32>], vector<16xf32>,
      %mul3A_972 = arith.mulf %scan3A_965, %gather3A : vector<16xf32>
      %get3A_973 = arith.index_cast %scan3A_964 : i32 to index
      %get3A_974 = arith.constant 16 : index
      %get3A_975 = tpu.vector_load %arg6[%get3A_973, %get3A_974] {strides = array<i32>} : memref<72x128xi32, #tpu.memory_space<vmem>>, vector<16xi32>,
      %gather3A_976 = tpu.vector_load_idx %arg5[%get3A_975] : memref<100096xf32, #tpu.memory_space<vmem>>[vector<16xi32>], vector<16xf32>,
      %mul3A_977 = arith.mulf %scan3A_966, %gather3A_976 : vector<16xf32>
      %get3A_978 = arith.index_cast %scan3A_964 : i32 to index
      %get3A_979 = arith.constant 32 : index
      %get3A_980 = tpu.vector_load %arg6[%get3A_978, %get3A_979] {strides = array<i32>} : memref<72x128xi32, #tpu.memory_space<vmem>>, vector<16xi32>,
      %gather3A_981 = tpu.vector_load_idx %arg5[%get3A_980] : memref<100096xf32, #tpu.memory_space<vmem>>[vector<16xi32>], vector<16xf32>,
      %mul3A_982 = arith.mulf %scan3A_967, %gather3A_981 : vector<16xf32>
      %get3A_983 = arith.index_cast %scan3A_964 : i32 to index
      %get3A_984 = arith.constant 48 : index
      %get3A_985 = tpu.vector_load %arg6[%get3A_983, %get3A_984] {strides = array<i32>} : memref<72x128xi32, #tpu.memory_space<vmem>>, vector<16xi32>,
      %gather3A_986 = tpu.vector_load_idx %arg5[%get3A_985] : memref<100096xf32, #tpu.memory_space<vmem>>[vector<16xi32>], vector<16xf32>,
      %mul3A_987 = arith.mulf %scan3A_968, %gather3A_986 : vector<16xf32>
      %scan3A_988 = arith.constant 1 : i32
      %scan3A_989 = arith.addi %scan3A_964, %scan3A_988 : i32
      %get3A_990 = arith.index_cast %scan3A_989 : i32 to index
      %get3A_991 = arith.constant 0 : index
      %get3A_992 = tpu.vector_load %arg6[%get3A_990, %get3A_991] {strides = array<i32>} : memref<72x128xi32, #tpu.memory_space<vmem>>, vector<16xi32>,
      %gather3A_993 = tpu.vector_load_idx %arg5[%get3A_992] : memref<100096xf32, #tpu.memory_space<vmem>>[vector<16xi32>], vector<16xf32>,
      %mul3A_994 = arith.mulf %mul3A_972, %gather3A_993 : vector<16xf32>
      %get3A_995 = arith.index_cast %scan3A_989 : i32 to index
      %get3A_996 = arith.constant 16 : index
      %get3A_997 = tpu.vector_load %arg6[%get3A_995, %get3A_996] {strides = array<i32>} : memref<72x128xi32, #tpu.memory_space<vmem>>, vector<16xi32>,
      %gather3A_998 = tpu.vector_load_idx %arg5[%get3A_997] : memref<100096xf32, #tpu.memory_space<vmem>>[vector<16xi32>], vector<16xf32>,
      %mul3A_999 = arith.mulf %mul3A_977, %gather3A_998 : vector<16xf32>
      %get3A_1000 = arith.index_cast %scan3A_989 : i32 to index
      %get3A_1001 = arith.constant 32 : index
      %get3A_1002 = tpu.vector_load %arg6[%get3A_1000, %get3A_1001] {strides = array<i32>} : memref<72x128xi32, #tpu.memory_space<vmem>>, vector<16xi32>,
      %gather3A_1003 = tpu.vector_load_idx %arg5[%get3A_1002] : memref<100096xf32, #tpu.memory_space<vmem>>[vector<16xi32>], vector<16xf32>,
      %mul3A_1004 = arith.mulf %mul3A_982, %gather3A_1003 : vector<16xf32>
      %get3A_1005 = arith.index_cast %scan3A_989 : i32 to index
      %get3A_1006 = arith.constant 48 : index
      %get3A_1007 = tpu.vector_load %arg6[%get3A_1005, %get3A_1006] {strides = array<i32>} : memref<72x128xi32, #tpu.memory_space<vmem>>, vector<16xi32>,
      %gather3A_1008 = tpu.vector_load_idx %arg5[%get3A_1007] : memref<100096xf32, #tpu.memory_space<vmem>>[vector<16xi32>], vector<16xf32>,
      %mul3A_1009 = arith.mulf %mul3A_987, %gather3A_1008 : vector<16xf32>
      scf.yield %mul3A_994, %mul3A_999, %mul3A_1004, %mul3A_1009 : vector<16xf32>, vector<16xf32>, vector<16xf32>, vector<16xf32>
    }
    %scan3A_146 = arith.constant 72 : i32
    %scan3A_147 = arith.constant 0 : i32
    %scan3A_148 = arith.constant 72 : i32
    %scan3A_149 = arith.addi %scan3A_147, %scan3A_148 : i32
    %scan3A_150 = arith.constant 2 : i32
    %scan3A_151:4 = scf.for %scan3A_964 = %scan3A_147 to %scan3A_149 step %scan3A_150 iter_args(%scan3A_965 = %broadcast_in_dim3A_140, %scan3A_966 = %broadcast_in_dim3A_140, %scan3A_967 = %broadcast_in_dim3A_140, %scan3A_968 = %broadcast_in_dim3A_140) -> (vector<16xf32>, vector<16xf32>, vector<16xf32>, vector<16xf32>)  : i32 {
      %get3A_969 = arith.index_cast %scan3A_964 : i32 to index
      %get3A_970 = arith.constant 64 : index
      %get3A_971 = tpu.vector_load %arg6[%get3A_969, %get3A_970] {strides = array<i32>} : memref<72x128xi32, #tpu.memory_space<vmem>>, vector<16xi32>,
      %gather3A = tpu.vector_load_idx %arg5[%get3A_971] : memref<100096xf32, #tpu.memory_space<vmem>>[vector<16xi32>], vector<16xf32>,
      %mul3A_972 = arith.mulf %scan3A_965, %gather3A : vector<16xf32>
      %get3A_973 = arith.index_cast %scan3A_964 : i32 to index
      %get3A_974 = arith.constant 80 : index
      %get3A_975 = tpu.vector_load %arg6[%get3A_973, %get3A_974] {strides = array<i32>} : memref<72x128xi32, #tpu.memory_space<vmem>>, vector<16xi32>,
      %gather3A_976 = tpu.vector_load_idx %arg5[%get3A_975] : memref<100096xf32, #tpu.memory_space<vmem>>[vector<16xi32>], vector<16xf32>,
      %mul3A_977 = arith.mulf %scan3A_966, %gather3A_976 : vector<16xf32>
      %get3A_978 = arith.index_cast %scan3A_964 : i32 to index
      %get3A_979 = arith.constant 96 : index
      %get3A_980 = tpu.vector_load %arg6[%get3A_978, %get3A_979] {strides = array<i32>} : memref<72x128xi32, #tpu.memory_space<vmem>>, vector<16xi32>,
      %gather3A_981 = tpu.vector_load_idx %arg5[%get3A_980] : memref<100096xf32, #tpu.memory_space<vmem>>[vector<16xi32>], vector<16xf32>,
      %mul3A_982 = arith.mulf %scan3A_967, %gather3A_981 : vector<16xf32>
      %get3A_983 = arith.index_cast %scan3A_964 : i32 to index
      %get3A_984 = arith.constant 112 : index
      %get3A_985 = tpu.vector_load %arg6[%get3A_983, %get3A_984] {strides = array<i32>} : memref<72x128xi32, #tpu.memory_space<vmem>>, vector<16xi32>,
      %gather3A_986 = tpu.vector_load_idx %arg5[%get3A_985] : memref<100096xf32, #tpu.memory_space<vmem>>[vector<16xi32>], vector<16xf32>,
      %mul3A_987 = arith.mulf %scan3A_968, %gather3A_986 : vector<16xf32>
      %scan3A_988 = arith.constant 1 : i32
      %scan3A_989 = arith.addi %scan3A_964, %scan3A_988 : i32
      %get3A_990 = arith.index_cast %scan3A_989 : i32 to index
      %get3A_991 = arith.constant 64 : index
      %get3A_992 = tpu.vector_load %arg6[%get3A_990, %get3A_991] {strides = array<i32>} : memref<72x128xi32, #tpu.memory_space<vmem>>, vector<16xi32>,
      %gather3A_993 = tpu.vector_load_idx %arg5[%get3A_992] : memref<100096xf32, #tpu.memory_space<vmem>>[vector<16xi32>], vector<16xf32>,
      %mul3A_994 = arith.mulf %mul3A_972, %gather3A_993 : vector<16xf32>
      %get3A_995 = arith.index_cast %scan3A_989 : i32 to index
      %get3A_996 = arith.constant 80 : index
      %get3A_997 = tpu.vector_load %arg6[%get3A_995, %get3A_996] {strides = array<i32>} : memref<72x128xi32, #tpu.memory_space<vmem>>, vector<16xi32>,
      %gather3A_998 = tpu.vector_load_idx %arg5[%get3A_997] : memref<100096xf32, #tpu.memory_space<vmem>>[vector<16xi32>], vector<16xf32>,
      %mul3A_999 = arith.mulf %mul3A_977, %gather3A_998 : vector<16xf32>
      %get3A_1000 = arith.index_cast %scan3A_989 : i32 to index
      %get3A_1001 = arith.constant 96 : index
      %get3A_1002 = tpu.vector_load %arg6[%get3A_1000, %get3A_1001] {strides = array<i32>} : memref<72x128xi32, #tpu.memory_space<vmem>>, vector<16xi32>,
      %gather3A_1003 = tpu.vector_load_idx %arg5[%get3A_1002] : memref<100096xf32, #tpu.memory_space<vmem>>[vector<16xi32>], vector<16xf32>,
      %mul3A_1004 = arith.mulf %mul3A_982, %gather3A_1003 : vector<16xf32>
      %get3A_1005 = arith.index_cast %scan3A_989 : i32 to index
      %get3A_1006 = arith.constant 112 : index
      %get3A_1007 = tpu.vector_load %arg6[%get3A_1005, %get3A_1006] {strides = array<i32>} : memref<72x128xi32, #tpu.memory_space<vmem>>, vector<16xi32>,
      %gather3A_1008 = tpu.vector_load_idx %arg5[%get3A_1007] : memref<100096xf32, #tpu.memory_space<vmem>>[vector<16xi32>], vector<16xf32>,
      %mul3A_1009 = arith.mulf %mul3A_987, %gather3A_1008 : vector<16xf32>
      scf.yield %mul3A_994, %mul3A_999, %mul3A_1004, %mul3A_1009 : vector<16xf32>, vector<16xf32>, vector<16xf32>, vector<16xf32>
    }
    %scan3A_152 = arith.constant 72 : i32
    %dma_wait3A_153 = arith.constant 0 : i32
    %dma_wait3A_154 = arith.constant 0 : i32
    %dma_wait3A_155 = tpu.memref_slice %arg7[%dma_wait3A_153, %dma_wait3A_154] : memref<72x128xi32, #tpu.memory_space<vmem>> -> memref<64x128xi32, #tpu.memory_space<vmem>>
    %dma_wait3A_156 = arith.constant 72 : i32
    %dma_wait3A_157 = tpu.memref_slice %arg2[%dma_wait3A_156, %add3A_129] : memref<200x16384xi32, #tpu.memory_space<hbm>> -> memref<64x128xi32, #tpu.memory_space<hbm>>
    %dma_wait3A_158 = arith.constant 0 : i32
    %dma_wait3A_159 = arith.constant 0 : i32
    %dma_wait3A_160 = tpu.memref_slice %arg7[%dma_wait3A_158, %dma_wait3A_159] : memref<72x128xi32, #tpu.memory_space<vmem>> -> memref<64x128xi32, #tpu.memory_space<vmem>>
    %dma_wait3A_161 = arith.constant 72 : i32
    %dma_wait3A_162 = tpu.memref_slice %arg2[%dma_wait3A_161, %add3A_129] : memref<200x16384xi32, #tpu.memory_space<hbm>> -> memref<64x128xi32, #tpu.memory_space<hbm>>
    tpu.wait_dma2 semaphore(%arg11 : memref<!tpu.dma_semaphore, #tpu.memory_space<semaphore_mem>>) src(%dma_wait3A_162 : memref<64x128xi32, #tpu.memory_space<hbm>>) dst(%dma_wait3A_160 : memref<64x128xi32, #tpu.memory_space<vmem>>)
    %add3A_163 = arith.constant 0 : i32
    %add3A_164 = arith.addi %mul3A_2, %add3A_163 : i32
    %dma_start3A_165 = arith.constant 0 : i32
    %dma_start3A_166 = arith.constant 0 : i32
    %dma_start3A_167 = tpu.memref_slice %arg6[%dma_start3A_165, %dma_start3A_166] : memref<72x128xi32, #tpu.memory_space<vmem>> -> memref<64x128xi32, #tpu.memory_space<vmem>>
    %dma_start3A_168 = arith.constant 136 : i32
    %dma_start3A_169 = tpu.memref_slice %arg2[%dma_start3A_168, %add3A_164] : memref<200x16384xi32, #tpu.memory_space<hbm>> -> memref<64x128xi32, #tpu.memory_space<hbm>>
    %dma_start3A_170 = arith.constant 0 : i32
    %dma_start3A_171 = arith.constant 0 : i32
    %dma_start3A_172 = tpu.memref_slice %arg6[%dma_start3A_170, %dma_start3A_171] : memref<72x128xi32, #tpu.memory_space<vmem>> -> memref<64x128xi32, #tpu.memory_space<vmem>>
    %dma_start3A_173 = arith.constant 136 : i32
    %dma_start3A_174 = tpu.memref_slice %arg2[%dma_start3A_173, %add3A_164] : memref<200x16384xi32, #tpu.memory_space<hbm>> -> memref<64x128xi32, #tpu.memory_space<hbm>>
    tpu.enqueue_dma source(%dma_start3A_174 : memref<64x128xi32, #tpu.memory_space<hbm>>) target(%dma_start3A_172 : memref<64x128xi32, #tpu.memory_space<vmem>>) target_semaphore(%arg10 : memref<!tpu.dma_semaphore, #tpu.memory_space<semaphore_mem>>)
    %scan3A_175 = arith.constant 0 : i32
    %scan3A_176 = arith.constant 64 : i32
    %scan3A_177 = arith.addi %scan3A_175, %scan3A_176 : i32
    %scan3A_178 = arith.constant 2 : i32
    %scan3A_179:4 = scf.for %scan3A_964 = %scan3A_175 to %scan3A_177 step %scan3A_178 iter_args(%scan3A_965 = %scan3A_145#0, %scan3A_966 = %scan3A_145#1, %scan3A_967 = %scan3A_145#2, %scan3A_968 = %scan3A_145#3) -> (vector<16xf32>, vector<16xf32>, vector<16xf32>, vector<16xf32>)  : i32 {
      %get3A_969 = arith.index_cast %scan3A_964 : i32 to index
      %get3A_970 = arith.constant 0 : index
      %get3A_971 = tpu.vector_load %arg7[%get3A_969, %get3A_970] {strides = array<i32>} : memref<72x128xi32, #tpu.memory_space<vmem>>, vector<16xi32>,
      %gather3A = tpu.vector_load_idx %arg5[%get3A_971] : memref<100096xf32, #tpu.memory_space<vmem>>[vector<16xi32>], vector<16xf32>,
      %mul3A_972 = arith.mulf %scan3A_965, %gather3A : vector<16xf32>
      %get3A_973 = arith.index_cast %scan3A_964 : i32 to index
      %get3A_974 = arith.constant 16 : index
      %get3A_975 = tpu.vector_load %arg7[%get3A_973, %get3A_974] {strides = array<i32>} : memref<72x128xi32, #tpu.memory_space<vmem>>, vector<16xi32>,
      %gather3A_976 = tpu.vector_load_idx %arg5[%get3A_975] : memref<100096xf32, #tpu.memory_space<vmem>>[vector<16xi32>], vector<16xf32>,
      %mul3A_977 = arith.mulf %scan3A_966, %gather3A_976 : vector<16xf32>
      %get3A_978 = arith.index_cast %scan3A_964 : i32 to index
      %get3A_979 = arith.constant 32 : index
      %get3A_980 = tpu.vector_load %arg7[%get3A_978, %get3A_979] {strides = array<i32>} : memref<72x128xi32, #tpu.memory_space<vmem>>, vector<16xi32>,
      %gather3A_981 = tpu.vector_load_idx %arg5[%get3A_980] : memref<100096xf32, #tpu.memory_space<vmem>>[vector<16xi32>], vector<16xf32>,
      %mul3A_982 = arith.mulf %scan3A_967, %gather3A_981 : vector<16xf32>
      %get3A_983 = arith.index_cast %scan3A_964 : i32 to index
      %get3A_984 = arith.constant 48 : index
      %get3A_985 = tpu.vector_load %arg7[%get3A_983, %get3A_984] {strides = array<i32>} : memref<72x128xi32, #tpu.memory_space<vmem>>, vector<16xi32>,
      %gather3A_986 = tpu.vector_load_idx %arg5[%get3A_985] : memref<100096xf32, #tpu.memory_space<vmem>>[vector<16xi32>], vector<16xf32>,
      %mul3A_987 = arith.mulf %scan3A_968, %gather3A_986 : vector<16xf32>
      %scan3A_988 = arith.constant 1 : i32
      %scan3A_989 = arith.addi %scan3A_964, %scan3A_988 : i32
      %get3A_990 = arith.index_cast %scan3A_989 : i32 to index
      %get3A_991 = arith.constant 0 : index
      %get3A_992 = tpu.vector_load %arg7[%get3A_990, %get3A_991] {strides = array<i32>} : memref<72x128xi32, #tpu.memory_space<vmem>>, vector<16xi32>,
      %gather3A_993 = tpu.vector_load_idx %arg5[%get3A_992] : memref<100096xf32, #tpu.memory_space<vmem>>[vector<16xi32>], vector<16xf32>,
      %mul3A_994 = arith.mulf %mul3A_972, %gather3A_993 : vector<16xf32>
      %get3A_995 = arith.index_cast %scan3A_989 : i32 to index
      %get3A_996 = arith.constant 16 : index
      %get3A_997 = tpu.vector_load %arg7[%get3A_995, %get3A_996] {strides = array<i32>} : memref<72x128xi32, #tpu.memory_space<vmem>>, vector<16xi32>,
      %gather3A_998 = tpu.vector_load_idx %arg5[%get3A_997] : memref<100096xf32, #tpu.memory_space<vmem>>[vector<16xi32>], vector<16xf32>,
      %mul3A_999 = arith.mulf %mul3A_977, %gather3A_998 : vector<16xf32>
      %get3A_1000 = arith.index_cast %scan3A_989 : i32 to index
      %get3A_1001 = arith.constant 32 : index
      %get3A_1002 = tpu.vector_load %arg7[%get3A_1000, %get3A_1001] {strides = array<i32>} : memref<72x128xi32, #tpu.memory_space<vmem>>, vector<16xi32>,
      %gather3A_1003 = tpu.vector_load_idx %arg5[%get3A_1002] : memref<100096xf32, #tpu.memory_space<vmem>>[vector<16xi32>], vector<16xf32>,
      %mul3A_1004 = arith.mulf %mul3A_982, %gather3A_1003 : vector<16xf32>
      %get3A_1005 = arith.index_cast %scan3A_989 : i32 to index
      %get3A_1006 = arith.constant 48 : index
      %get3A_1007 = tpu.vector_load %arg7[%get3A_1005, %get3A_1006] {strides = array<i32>} : memref<72x128xi32, #tpu.memory_space<vmem>>, vector<16xi32>,
      %gather3A_1008 = tpu.vector_load_idx %arg5[%get3A_1007] : memref<100096xf32, #tpu.memory_space<vmem>>[vector<16xi32>], vector<16xf32>,
      %mul3A_1009 = arith.mulf %mul3A_987, %gather3A_1008 : vector<16xf32>
      scf.yield %mul3A_994, %mul3A_999, %mul3A_1004, %mul3A_1009 : vector<16xf32>, vector<16xf32>, vector<16xf32>, vector<16xf32>
    }
    %scan3A_180 = arith.constant 64 : i32
    %scan3A_181 = arith.constant 0 : i32
    %scan3A_182 = arith.constant 64 : i32
    %scan3A_183 = arith.addi %scan3A_181, %scan3A_182 : i32
    %scan3A_184 = arith.constant 2 : i32
    %scan3A_185:4 = scf.for %scan3A_964 = %scan3A_181 to %scan3A_183 step %scan3A_184 iter_args(%scan3A_965 = %scan3A_151#0, %scan3A_966 = %scan3A_151#1, %scan3A_967 = %scan3A_151#2, %scan3A_968 = %scan3A_151#3) -> (vector<16xf32>, vector<16xf32>, vector<16xf32>, vector<16xf32>)  : i32 {
      %get3A_969 = arith.index_cast %scan3A_964 : i32 to index
      %get3A_970 = arith.constant 64 : index
      %get3A_971 = tpu.vector_load %arg7[%get3A_969, %get3A_970] {strides = array<i32>} : memref<72x128xi32, #tpu.memory_space<vmem>>, vector<16xi32>,
      %gather3A = tpu.vector_load_idx %arg5[%get3A_971] : memref<100096xf32, #tpu.memory_space<vmem>>[vector<16xi32>], vector<16xf32>,
      %mul3A_972 = arith.mulf %scan3A_965, %gather3A : vector<16xf32>
      %get3A_973 = arith.index_cast %scan3A_964 : i32 to index
      %get3A_974 = arith.constant 80 : index
      %get3A_975 = tpu.vector_load %arg7[%get3A_973, %get3A_974] {strides = array<i32>} : memref<72x128xi32, #tpu.memory_space<vmem>>, vector<16xi32>,
      %gather3A_976 = tpu.vector_load_idx %arg5[%get3A_975] : memref<100096xf32, #tpu.memory_space<vmem>>[vector<16xi32>], vector<16xf32>,
      %mul3A_977 = arith.mulf %scan3A_966, %gather3A_976 : vector<16xf32>
      %get3A_978 = arith.index_cast %scan3A_964 : i32 to index
      %get3A_979 = arith.constant 96 : index
      %get3A_980 = tpu.vector_load %arg7[%get3A_978, %get3A_979] {strides = array<i32>} : memref<72x128xi32, #tpu.memory_space<vmem>>, vector<16xi32>,
      %gather3A_981 = tpu.vector_load_idx %arg5[%get3A_980] : memref<100096xf32, #tpu.memory_space<vmem>>[vector<16xi32>], vector<16xf32>,
      %mul3A_982 = arith.mulf %scan3A_967, %gather3A_981 : vector<16xf32>
      %get3A_983 = arith.index_cast %scan3A_964 : i32 to index
      %get3A_984 = arith.constant 112 : index
      %get3A_985 = tpu.vector_load %arg7[%get3A_983, %get3A_984] {strides = array<i32>} : memref<72x128xi32, #tpu.memory_space<vmem>>, vector<16xi32>,
      %gather3A_986 = tpu.vector_load_idx %arg5[%get3A_985] : memref<100096xf32, #tpu.memory_space<vmem>>[vector<16xi32>], vector<16xf32>,
      %mul3A_987 = arith.mulf %scan3A_968, %gather3A_986 : vector<16xf32>
      %scan3A_988 = arith.constant 1 : i32
      %scan3A_989 = arith.addi %scan3A_964, %scan3A_988 : i32
      %get3A_990 = arith.index_cast %scan3A_989 : i32 to index
      %get3A_991 = arith.constant 64 : index
      %get3A_992 = tpu.vector_load %arg7[%get3A_990, %get3A_991] {strides = array<i32>} : memref<72x128xi32, #tpu.memory_space<vmem>>, vector<16xi32>,
      %gather3A_993 = tpu.vector_load_idx %arg5[%get3A_992] : memref<100096xf32, #tpu.memory_space<vmem>>[vector<16xi32>], vector<16xf32>,
      %mul3A_994 = arith.mulf %mul3A_972, %gather3A_993 : vector<16xf32>
      %get3A_995 = arith.index_cast %scan3A_989 : i32 to index
      %get3A_996 = arith.constant 80 : index
      %get3A_997 = tpu.vector_load %arg7[%get3A_995, %get3A_996] {strides = array<i32>} : memref<72x128xi32, #tpu.memory_space<vmem>>, vector<16xi32>,
      %gather3A_998 = tpu.vector_load_idx %arg5[%get3A_997] : memref<100096xf32, #tpu.memory_space<vmem>>[vector<16xi32>], vector<16xf32>,
      %mul3A_999 = arith.mulf %mul3A_977, %gather3A_998 : vector<16xf32>
      %get3A_1000 = arith.index_cast %scan3A_989 : i32 to index
      %get3A_1001 = arith.constant 96 : index
      %get3A_1002 = tpu.vector_load %arg7[%get3A_1000, %get3A_1001] {strides = array<i32>} : memref<72x128xi32, #tpu.memory_space<vmem>>, vector<16xi32>,
      %gather3A_1003 = tpu.vector_load_idx %arg5[%get3A_1002] : memref<100096xf32, #tpu.memory_space<vmem>>[vector<16xi32>], vector<16xf32>,
      %mul3A_1004 = arith.mulf %mul3A_982, %gather3A_1003 : vector<16xf32>
      %get3A_1005 = arith.index_cast %scan3A_989 : i32 to index
      %get3A_1006 = arith.constant 112 : index
      %get3A_1007 = tpu.vector_load %arg7[%get3A_1005, %get3A_1006] {strides = array<i32>} : memref<72x128xi32, #tpu.memory_space<vmem>>, vector<16xi32>,
      %gather3A_1008 = tpu.vector_load_idx %arg5[%get3A_1007] : memref<100096xf32, #tpu.memory_space<vmem>>[vector<16xi32>], vector<16xf32>,
      %mul3A_1009 = arith.mulf %mul3A_987, %gather3A_1008 : vector<16xf32>
      scf.yield %mul3A_994, %mul3A_999, %mul3A_1004, %mul3A_1009 : vector<16xf32>, vector<16xf32>, vector<16xf32>, vector<16xf32>
    }
    %scan3A_186 = arith.constant 64 : i32
    %dma_wait3A_187 = arith.constant 0 : i32
    %dma_wait3A_188 = arith.constant 0 : i32
    %dma_wait3A_189 = tpu.memref_slice %arg6[%dma_wait3A_187, %dma_wait3A_188] : memref<72x128xi32, #tpu.memory_space<vmem>> -> memref<64x128xi32, #tpu.memory_space<vmem>>
    %dma_wait3A_190 = arith.constant 136 : i32
    %dma_wait3A_191 = tpu.memref_slice %arg2[%dma_wait3A_190, %add3A_164] : memref<200x16384xi32, #tpu.memory_space<hbm>> -> memref<64x128xi32, #tpu.memory_space<hbm>>
    %dma_wait3A_192 = arith.constant 0 : i32
    %dma_wait3A_193 = arith.constant 0 : i32
    %dma_wait3A_194 = tpu.memref_slice %arg6[%dma_wait3A_192, %dma_wait3A_193] : memref<72x128xi32, #tpu.memory_space<vmem>> -> memref<64x128xi32, #tpu.memory_space<vmem>>
    %dma_wait3A_195 = arith.constant 136 : i32
    %dma_wait3A_196 = tpu.memref_slice %arg2[%dma_wait3A_195, %add3A_164] : memref<200x16384xi32, #tpu.memory_space<hbm>> -> memref<64x128xi32, #tpu.memory_space<hbm>>
    tpu.wait_dma2 semaphore(%arg10 : memref<!tpu.dma_semaphore, #tpu.memory_space<semaphore_mem>>) src(%dma_wait3A_196 : memref<64x128xi32, #tpu.memory_space<hbm>>) dst(%dma_wait3A_194 : memref<64x128xi32, #tpu.memory_space<vmem>>)
    %add3A_197 = arith.constant 128 : i32
    %add3A_198 = arith.addi %mul3A_2, %add3A_197 : i32
    %dma_start3A_199 = arith.constant 0 : i32
    %dma_start3A_200 = arith.constant 0 : i32
    %dma_start3A_201 = tpu.memref_slice %arg7[%dma_start3A_199, %dma_start3A_200] : memref<72x128xi32, #tpu.memory_space<vmem>> -> memref<72x128xi32, #tpu.memory_space<vmem>>
    %dma_start3A_202 = arith.constant 0 : i32
    %dma_start3A_203 = tpu.memref_slice %arg2[%dma_start3A_202, %add3A_198] : memref<200x16384xi32, #tpu.memory_space<hbm>> -> memref<72x128xi32, #tpu.memory_space<hbm>>
    %dma_start3A_204 = arith.constant 0 : i32
    %dma_start3A_205 = arith.constant 0 : i32
    %dma_start3A_206 = tpu.memref_slice %arg7[%dma_start3A_204, %dma_start3A_205] : memref<72x128xi32, #tpu.memory_space<vmem>> -> memref<72x128xi32, #tpu.memory_space<vmem>>
    %dma_start3A_207 = arith.constant 0 : i32
    %dma_start3A_208 = tpu.memref_slice %arg2[%dma_start3A_207, %add3A_198] : memref<200x16384xi32, #tpu.memory_space<hbm>> -> memref<72x128xi32, #tpu.memory_space<hbm>>
    tpu.enqueue_dma source(%dma_start3A_208 : memref<72x128xi32, #tpu.memory_space<hbm>>) target(%dma_start3A_206 : memref<72x128xi32, #tpu.memory_space<vmem>>) target_semaphore(%arg11 : memref<!tpu.dma_semaphore, #tpu.memory_space<semaphore_mem>>)
    %scan3A_209 = arith.constant 0 : i32
    %scan3A_210 = arith.constant 64 : i32
    %scan3A_211 = arith.addi %scan3A_209, %scan3A_210 : i32
    %scan3A_212 = arith.constant 2 : i32
    %scan3A_213:4 = scf.for %scan3A_964 = %scan3A_209 to %scan3A_211 step %scan3A_212 iter_args(%scan3A_965 = %scan3A_179#0, %scan3A_966 = %scan3A_179#1, %scan3A_967 = %scan3A_179#2, %scan3A_968 = %scan3A_179#3) -> (vector<16xf32>, vector<16xf32>, vector<16xf32>, vector<16xf32>)  : i32 {
      %get3A_969 = arith.index_cast %scan3A_964 : i32 to index
      %get3A_970 = arith.constant 0 : index
      %get3A_971 = tpu.vector_load %arg6[%get3A_969, %get3A_970] {strides = array<i32>} : memref<72x128xi32, #tpu.memory_space<vmem>>, vector<16xi32>,
      %gather3A = tpu.vector_load_idx %arg5[%get3A_971] : memref<100096xf32, #tpu.memory_space<vmem>>[vector<16xi32>], vector<16xf32>,
      %mul3A_972 = arith.mulf %scan3A_965, %gather3A : vector<16xf32>
      %get3A_973 = arith.index_cast %scan3A_964 : i32 to index
      %get3A_974 = arith.constant 16 : index
      %get3A_975 = tpu.vector_load %arg6[%get3A_973, %get3A_974] {strides = array<i32>} : memref<72x128xi32, #tpu.memory_space<vmem>>, vector<16xi32>,
      %gather3A_976 = tpu.vector_load_idx %arg5[%get3A_975] : memref<100096xf32, #tpu.memory_space<vmem>>[vector<16xi32>], vector<16xf32>,
      %mul3A_977 = arith.mulf %scan3A_966, %gather3A_976 : vector<16xf32>
      %get3A_978 = arith.index_cast %scan3A_964 : i32 to index
      %get3A_979 = arith.constant 32 : index
      %get3A_980 = tpu.vector_load %arg6[%get3A_978, %get3A_979] {strides = array<i32>} : memref<72x128xi32, #tpu.memory_space<vmem>>, vector<16xi32>,
      %gather3A_981 = tpu.vector_load_idx %arg5[%get3A_980] : memref<100096xf32, #tpu.memory_space<vmem>>[vector<16xi32>], vector<16xf32>,
      %mul3A_982 = arith.mulf %scan3A_967, %gather3A_981 : vector<16xf32>
      %get3A_983 = arith.index_cast %scan3A_964 : i32 to index
      %get3A_984 = arith.constant 48 : index
      %get3A_985 = tpu.vector_load %arg6[%get3A_983, %get3A_984] {strides = array<i32>} : memref<72x128xi32, #tpu.memory_space<vmem>>, vector<16xi32>,
      %gather3A_986 = tpu.vector_load_idx %arg5[%get3A_985] : memref<100096xf32, #tpu.memory_space<vmem>>[vector<16xi32>], vector<16xf32>,
      %mul3A_987 = arith.mulf %scan3A_968, %gather3A_986 : vector<16xf32>
      %scan3A_988 = arith.constant 1 : i32
      %scan3A_989 = arith.addi %scan3A_964, %scan3A_988 : i32
      %get3A_990 = arith.index_cast %scan3A_989 : i32 to index
      %get3A_991 = arith.constant 0 : index
      %get3A_992 = tpu.vector_load %arg6[%get3A_990, %get3A_991] {strides = array<i32>} : memref<72x128xi32, #tpu.memory_space<vmem>>, vector<16xi32>,
      %gather3A_993 = tpu.vector_load_idx %arg5[%get3A_992] : memref<100096xf32, #tpu.memory_space<vmem>>[vector<16xi32>], vector<16xf32>,
      %mul3A_994 = arith.mulf %mul3A_972, %gather3A_993 : vector<16xf32>
      %get3A_995 = arith.index_cast %scan3A_989 : i32 to index
      %get3A_996 = arith.constant 16 : index
      %get3A_997 = tpu.vector_load %arg6[%get3A_995, %get3A_996] {strides = array<i32>} : memref<72x128xi32, #tpu.memory_space<vmem>>, vector<16xi32>,
      %gather3A_998 = tpu.vector_load_idx %arg5[%get3A_997] : memref<100096xf32, #tpu.memory_space<vmem>>[vector<16xi32>], vector<16xf32>,
      %mul3A_999 = arith.mulf %mul3A_977, %gather3A_998 : vector<16xf32>
      %get3A_1000 = arith.index_cast %scan3A_989 : i32 to index
      %get3A_1001 = arith.constant 32 : index
      %get3A_1002 = tpu.vector_load %arg6[%get3A_1000, %get3A_1001] {strides = array<i32>} : memref<72x128xi32, #tpu.memory_space<vmem>>, vector<16xi32>,
      %gather3A_1003 = tpu.vector_load_idx %arg5[%get3A_1002] : memref<100096xf32, #tpu.memory_space<vmem>>[vector<16xi32>], vector<16xf32>,
      %mul3A_1004 = arith.mulf %mul3A_982, %gather3A_1003 : vector<16xf32>
      %get3A_1005 = arith.index_cast %scan3A_989 : i32 to index
      %get3A_1006 = arith.constant 48 : index
      %get3A_1007 = tpu.vector_load %arg6[%get3A_1005, %get3A_1006] {strides = array<i32>} : memref<72x128xi32, #tpu.memory_space<vmem>>, vector<16xi32>,
      %gather3A_1008 = tpu.vector_load_idx %arg5[%get3A_1007] : memref<100096xf32, #tpu.memory_space<vmem>>[vector<16xi32>], vector<16xf32>,
      %mul3A_1009 = arith.mulf %mul3A_987, %gather3A_1008 : vector<16xf32>
      scf.yield %mul3A_994, %mul3A_999, %mul3A_1004, %mul3A_1009 : vector<16xf32>, vector<16xf32>, vector<16xf32>, vector<16xf32>
    }
    %scan3A_214 = arith.constant 64 : i32
    %scan3A_215 = arith.constant 0 : i32
    %scan3A_216 = arith.constant 64 : i32
    %scan3A_217 = arith.addi %scan3A_215, %scan3A_216 : i32
    %scan3A_218 = arith.constant 2 : i32
    %scan3A_219:4 = scf.for %scan3A_964 = %scan3A_215 to %scan3A_217 step %scan3A_218 iter_args(%scan3A_965 = %scan3A_185#0, %scan3A_966 = %scan3A_185#1, %scan3A_967 = %scan3A_185#2, %scan3A_968 = %scan3A_185#3) -> (vector<16xf32>, vector<16xf32>, vector<16xf32>, vector<16xf32>)  : i32 {
      %get3A_969 = arith.index_cast %scan3A_964 : i32 to index
      %get3A_970 = arith.constant 64 : index
      %get3A_971 = tpu.vector_load %arg6[%get3A_969, %get3A_970] {strides = array<i32>} : memref<72x128xi32, #tpu.memory_space<vmem>>, vector<16xi32>,
      %gather3A = tpu.vector_load_idx %arg5[%get3A_971] : memref<100096xf32, #tpu.memory_space<vmem>>[vector<16xi32>], vector<16xf32>,
      %mul3A_972 = arith.mulf %scan3A_965, %gather3A : vector<16xf32>
      %get3A_973 = arith.index_cast %scan3A_964 : i32 to index
      %get3A_974 = arith.constant 80 : index
      %get3A_975 = tpu.vector_load %arg6[%get3A_973, %get3A_974] {strides = array<i32>} : memref<72x128xi32, #tpu.memory_space<vmem>>, vector<16xi32>,
      %gather3A_976 = tpu.vector_load_idx %arg5[%get3A_975] : memref<100096xf32, #tpu.memory_space<vmem>>[vector<16xi32>], vector<16xf32>,
      %mul3A_977 = arith.mulf %scan3A_966, %gather3A_976 : vector<16xf32>
      %get3A_978 = arith.index_cast %scan3A_964 : i32 to index
      %get3A_979 = arith.constant 96 : index
      %get3A_980 = tpu.vector_load %arg6[%get3A_978, %get3A_979] {strides = array<i32>} : memref<72x128xi32, #tpu.memory_space<vmem>>, vector<16xi32>,
      %gather3A_981 = tpu.vector_load_idx %arg5[%get3A_980] : memref<100096xf32, #tpu.memory_space<vmem>>[vector<16xi32>], vector<16xf32>,
      %mul3A_982 = arith.mulf %scan3A_967, %gather3A_981 : vector<16xf32>
      %get3A_983 = arith.index_cast %scan3A_964 : i32 to index
      %get3A_984 = arith.constant 112 : index
      %get3A_985 = tpu.vector_load %arg6[%get3A_983, %get3A_984] {strides = array<i32>} : memref<72x128xi32, #tpu.memory_space<vmem>>, vector<16xi32>,
      %gather3A_986 = tpu.vector_load_idx %arg5[%get3A_985] : memref<100096xf32, #tpu.memory_space<vmem>>[vector<16xi32>], vector<16xf32>,
      %mul3A_987 = arith.mulf %scan3A_968, %gather3A_986 : vector<16xf32>
      %scan3A_988 = arith.constant 1 : i32
      %scan3A_989 = arith.addi %scan3A_964, %scan3A_988 : i32
      %get3A_990 = arith.index_cast %scan3A_989 : i32 to index
      %get3A_991 = arith.constant 64 : index
      %get3A_992 = tpu.vector_load %arg6[%get3A_990, %get3A_991] {strides = array<i32>} : memref<72x128xi32, #tpu.memory_space<vmem>>, vector<16xi32>,
      %gather3A_993 = tpu.vector_load_idx %arg5[%get3A_992] : memref<100096xf32, #tpu.memory_space<vmem>>[vector<16xi32>], vector<16xf32>,
      %mul3A_994 = arith.mulf %mul3A_972, %gather3A_993 : vector<16xf32>
      %get3A_995 = arith.index_cast %scan3A_989 : i32 to index
      %get3A_996 = arith.constant 80 : index
      %get3A_997 = tpu.vector_load %arg6[%get3A_995, %get3A_996] {strides = array<i32>} : memref<72x128xi32, #tpu.memory_space<vmem>>, vector<16xi32>,
      %gather3A_998 = tpu.vector_load_idx %arg5[%get3A_997] : memref<100096xf32, #tpu.memory_space<vmem>>[vector<16xi32>], vector<16xf32>,
      %mul3A_999 = arith.mulf %mul3A_977, %gather3A_998 : vector<16xf32>
      %get3A_1000 = arith.index_cast %scan3A_989 : i32 to index
      %get3A_1001 = arith.constant 96 : index
      %get3A_1002 = tpu.vector_load %arg6[%get3A_1000, %get3A_1001] {strides = array<i32>} : memref<72x128xi32, #tpu.memory_space<vmem>>, vector<16xi32>,
      %gather3A_1003 = tpu.vector_load_idx %arg5[%get3A_1002] : memref<100096xf32, #tpu.memory_space<vmem>>[vector<16xi32>], vector<16xf32>,
      %mul3A_1004 = arith.mulf %mul3A_982, %gather3A_1003 : vector<16xf32>
      %get3A_1005 = arith.index_cast %scan3A_989 : i32 to index
      %get3A_1006 = arith.constant 112 : index
      %get3A_1007 = tpu.vector_load %arg6[%get3A_1005, %get3A_1006] {strides = array<i32>} : memref<72x128xi32, #tpu.memory_space<vmem>>, vector<16xi32>,
      %gather3A_1008 = tpu.vector_load_idx %arg5[%get3A_1007] : memref<100096xf32, #tpu.memory_space<vmem>>[vector<16xi32>], vector<16xf32>,
      %mul3A_1009 = arith.mulf %mul3A_987, %gather3A_1008 : vector<16xf32>
      scf.yield %mul3A_994, %mul3A_999, %mul3A_1004, %mul3A_1009 : vector<16xf32>, vector<16xf32>, vector<16xf32>, vector<16xf32>
    }
    %scan3A_220 = arith.constant 64 : i32
    %div3A = arith.constant 1.000000e+00 : f32
    %div3A_221 = vector.broadcast %div3A : f32 to vector<16xf32>
    %div3A_222 = arith.divf %div3A_221, %scan3A_213#0 : vector<16xf32>
    %sub3A = arith.constant 1.000000e+00 : f32
    %sub3A_223 = vector.broadcast %sub3A : f32 to vector<16xf32>
    %sub3A_224 = arith.subf %sub3A_223, %div3A_222 : vector<16xf32>
    %jit3A = arith.constant 9.99999974E-5 : f32
    %jit3A_225 = arith.constant 0.999989986 : f32
    %max3A = vector.broadcast %jit3A : f32 to vector<16xf32>
    %max3A_226 = arith.maximumf %max3A, %sub3A_224 : vector<16xf32>
    %min3A = vector.broadcast %jit3A_225 : f32 to vector<16xf32>
    %min3A_227 = arith.minimumf %min3A, %max3A_226 : vector<16xf32>
    %swap3A_228 = arith.constant 0 : index
    %swap3A_229 = tpu.vector_load %arg8[%swap3A_228] {strides = array<i32>} : memref<512xf32, #tpu.memory_space<vmem>>, vector<16xf32>,
    tpu.vector_store %arg8[%swap3A_228], %min3A_227 {strides = array<i32>} : memref<512xf32, #tpu.memory_space<vmem>>, vector<16xf32>,
    %div3A_230 = arith.constant 1.000000e+00 : f32
    %div3A_231 = vector.broadcast %div3A_230 : f32 to vector<16xf32>
    %div3A_232 = arith.divf %div3A_231, %scan3A_213#1 : vector<16xf32>
    %sub3A_233 = arith.constant 1.000000e+00 : f32
    %sub3A_234 = vector.broadcast %sub3A_233 : f32 to vector<16xf32>
    %sub3A_235 = arith.subf %sub3A_234, %div3A_232 : vector<16xf32>
    %jit3A_236 = arith.constant 9.99999974E-5 : f32
    %jit3A_237 = arith.constant 0.999989986 : f32
    %max3A_238 = vector.broadcast %jit3A_236 : f32 to vector<16xf32>
    %max3A_239 = arith.maximumf %max3A_238, %sub3A_235 : vector<16xf32>
    %min3A_240 = vector.broadcast %jit3A_237 : f32 to vector<16xf32>
    %min3A_241 = arith.minimumf %min3A_240, %max3A_239 : vector<16xf32>
    %swap3A_242 = arith.constant 16 : index
    %swap3A_243 = tpu.vector_load %arg8[%swap3A_242] {strides = array<i32>} : memref<512xf32, #tpu.memory_space<vmem>>, vector<16xf32>,
    tpu.vector_store %arg8[%swap3A_242], %min3A_241 {strides = array<i32>} : memref<512xf32, #tpu.memory_space<vmem>>, vector<16xf32>,
    %div3A_244 = arith.constant 1.000000e+00 : f32
    %div3A_245 = vector.broadcast %div3A_244 : f32 to vector<16xf32>
    %div3A_246 = arith.divf %div3A_245, %scan3A_213#2 : vector<16xf32>
    %sub3A_247 = arith.constant 1.000000e+00 : f32
    %sub3A_248 = vector.broadcast %sub3A_247 : f32 to vector<16xf32>
    %sub3A_249 = arith.subf %sub3A_248, %div3A_246 : vector<16xf32>
    %jit3A_250 = arith.constant 9.99999974E-5 : f32
    %jit3A_251 = arith.constant 0.999989986 : f32
    %max3A_252 = vector.broadcast %jit3A_250 : f32 to vector<16xf32>
    %max3A_253 = arith.maximumf %max3A_252, %sub3A_249 : vector<16xf32>
    %min3A_254 = vector.broadcast %jit3A_251 : f32 to vector<16xf32>
    %min3A_255 = arith.minimumf %min3A_254, %max3A_253 : vector<16xf32>
    %swap3A_256 = arith.constant 32 : index
    %swap3A_257 = tpu.vector_load %arg8[%swap3A_256] {strides = array<i32>} : memref<512xf32, #tpu.memory_space<vmem>>, vector<16xf32>,
    tpu.vector_store %arg8[%swap3A_256], %min3A_255 {strides = array<i32>} : memref<512xf32, #tpu.memory_space<vmem>>, vector<16xf32>,
    %div3A_258 = arith.constant 1.000000e+00 : f32
    %div3A_259 = vector.broadcast %div3A_258 : f32 to vector<16xf32>
    %div3A_260 = arith.divf %div3A_259, %scan3A_213#3 : vector<16xf32>
    %sub3A_261 = arith.constant 1.000000e+00 : f32
    %sub3A_262 = vector.broadcast %sub3A_261 : f32 to vector<16xf32>
    %sub3A_263 = arith.subf %sub3A_262, %div3A_260 : vector<16xf32>
    %jit3A_264 = arith.constant 9.99999974E-5 : f32
    %jit3A_265 = arith.constant 0.999989986 : f32
    %max3A_266 = vector.broadcast %jit3A_264 : f32 to vector<16xf32>
    %max3A_267 = arith.maximumf %max3A_266, %sub3A_263 : vector<16xf32>
    %min3A_268 = vector.broadcast %jit3A_265 : f32 to vector<16xf32>
    %min3A_269 = arith.minimumf %min3A_268, %max3A_267 : vector<16xf32>
    %swap3A_270 = arith.constant 48 : index
    %swap3A_271 = tpu.vector_load %arg8[%swap3A_270] {strides = array<i32>} : memref<512xf32, #tpu.memory_space<vmem>>, vector<16xf32>,
    tpu.vector_store %arg8[%swap3A_270], %min3A_269 {strides = array<i32>} : memref<512xf32, #tpu.memory_space<vmem>>, vector<16xf32>,
    %div3A_272 = arith.constant 1.000000e+00 : f32
    %div3A_273 = vector.broadcast %div3A_272 : f32 to vector<16xf32>
    %div3A_274 = arith.divf %div3A_273, %scan3A_219#0 : vector<16xf32>
    %sub3A_275 = arith.constant 1.000000e+00 : f32
    %sub3A_276 = vector.broadcast %sub3A_275 : f32 to vector<16xf32>
    %sub3A_277 = arith.subf %sub3A_276, %div3A_274 : vector<16xf32>
    %jit3A_278 = arith.constant 9.99999974E-5 : f32
    %jit3A_279 = arith.constant 0.999989986 : f32
    %max3A_280 = vector.broadcast %jit3A_278 : f32 to vector<16xf32>
    %max3A_281 = arith.maximumf %max3A_280, %sub3A_277 : vector<16xf32>
    %min3A_282 = vector.broadcast %jit3A_279 : f32 to vector<16xf32>
    %min3A_283 = arith.minimumf %min3A_282, %max3A_281 : vector<16xf32>
    %swap3A_284 = arith.constant 64 : index
    %swap3A_285 = tpu.vector_load %arg8[%swap3A_284] {strides = array<i32>} : memref<512xf32, #tpu.memory_space<vmem>>, vector<16xf32>,
    tpu.vector_store %arg8[%swap3A_284], %min3A_283 {strides = array<i32>} : memref<512xf32, #tpu.memory_space<vmem>>, vector<16xf32>,
    %div3A_286 = arith.constant 1.000000e+00 : f32
    %div3A_287 = vector.broadcast %div3A_286 : f32 to vector<16xf32>
    %div3A_288 = arith.divf %div3A_287, %scan3A_219#1 : vector<16xf32>
    %sub3A_289 = arith.constant 1.000000e+00 : f32
    %sub3A_290 = vector.broadcast %sub3A_289 : f32 to vector<16xf32>
    %sub3A_291 = arith.subf %sub3A_290, %div3A_288 : vector<16xf32>
    %jit3A_292 = arith.constant 9.99999974E-5 : f32
    %jit3A_293 = arith.constant 0.999989986 : f32
    %max3A_294 = vector.broadcast %jit3A_292 : f32 to vector<16xf32>
    %max3A_295 = arith.maximumf %max3A_294, %sub3A_291 : vector<16xf32>
    %min3A_296 = vector.broadcast %jit3A_293 : f32 to vector<16xf32>
    %min3A_297 = arith.minimumf %min3A_296, %max3A_295 : vector<16xf32>
    %swap3A_298 = arith.constant 80 : index
    %swap3A_299 = tpu.vector_load %arg8[%swap3A_298] {strides = array<i32>} : memref<512xf32, #tpu.memory_space<vmem>>, vector<16xf32>,
    tpu.vector_store %arg8[%swap3A_298], %min3A_297 {strides = array<i32>} : memref<512xf32, #tpu.memory_space<vmem>>, vector<16xf32>,
    %div3A_300 = arith.constant 1.000000e+00 : f32
    %div3A_301 = vector.broadcast %div3A_300 : f32 to vector<16xf32>
    %div3A_302 = arith.divf %div3A_301, %scan3A_219#2 : vector<16xf32>
    %sub3A_303 = arith.constant 1.000000e+00 : f32
    %sub3A_304 = vector.broadcast %sub3A_303 : f32 to vector<16xf32>
    %sub3A_305 = arith.subf %sub3A_304, %div3A_302 : vector<16xf32>
    %jit3A_306 = arith.constant 9.99999974E-5 : f32
    %jit3A_307 = arith.constant 0.999989986 : f32
    %max3A_308 = vector.broadcast %jit3A_306 : f32 to vector<16xf32>
    %max3A_309 = arith.maximumf %max3A_308, %sub3A_305 : vector<16xf32>
    %min3A_310 = vector.broadcast %jit3A_307 : f32 to vector<16xf32>
    %min3A_311 = arith.minimumf %min3A_310, %max3A_309 : vector<16xf32>
    %swap3A_312 = arith.constant 96 : index
    %swap3A_313 = tpu.vector_load %arg8[%swap3A_312] {strides = array<i32>} : memref<512xf32, #tpu.memory_space<vmem>>, vector<16xf32>,
    tpu.vector_store %arg8[%swap3A_312], %min3A_311 {strides = array<i32>} : memref<512xf32, #tpu.memory_space<vmem>>, vector<16xf32>,
    %div3A_314 = arith.constant 1.000000e+00 : f32
    %div3A_315 = vector.broadcast %div3A_314 : f32 to vector<16xf32>
    %div3A_316 = arith.divf %div3A_315, %scan3A_219#3 : vector<16xf32>
    %sub3A_317 = arith.constant 1.000000e+00 : f32
    %sub3A_318 = vector.broadcast %sub3A_317 : f32 to vector<16xf32>
    %sub3A_319 = arith.subf %sub3A_318, %div3A_316 : vector<16xf32>
    %jit3A_320 = arith.constant 9.99999974E-5 : f32
    %jit3A_321 = arith.constant 0.999989986 : f32
    %max3A_322 = vector.broadcast %jit3A_320 : f32 to vector<16xf32>
    %max3A_323 = arith.maximumf %max3A_322, %sub3A_319 : vector<16xf32>
    %min3A_324 = vector.broadcast %jit3A_321 : f32 to vector<16xf32>
    %min3A_325 = arith.minimumf %min3A_324, %max3A_323 : vector<16xf32>
    %swap3A_326 = arith.constant 112 : index
    %swap3A_327 = tpu.vector_load %arg8[%swap3A_326] {strides = array<i32>} : memref<512xf32, #tpu.memory_space<vmem>>, vector<16xf32>,
    tpu.vector_store %arg8[%swap3A_326], %min3A_325 {strides = array<i32>} : memref<512xf32, #tpu.memory_space<vmem>>, vector<16xf32>,
    %dma_wait3A_328 = arith.constant 0 : i32
    %dma_wait3A_329 = arith.constant 0 : i32
    %dma_wait3A_330 = tpu.memref_slice %arg7[%dma_wait3A_328, %dma_wait3A_329] : memref<72x128xi32, #tpu.memory_space<vmem>> -> memref<72x128xi32, #tpu.memory_space<vmem>>
    %dma_wait3A_331 = arith.constant 0 : i32
    %dma_wait3A_332 = tpu.memref_slice %arg2[%dma_wait3A_331, %add3A_198] : memref<200x16384xi32, #tpu.memory_space<hbm>> -> memref<72x128xi32, #tpu.memory_space<hbm>>
    %dma_wait3A_333 = arith.constant 0 : i32
    %dma_wait3A_334 = arith.constant 0 : i32
    %dma_wait3A_335 = tpu.memref_slice %arg7[%dma_wait3A_333, %dma_wait3A_334] : memref<72x128xi32, #tpu.memory_space<vmem>> -> memref<72x128xi32, #tpu.memory_space<vmem>>
    %dma_wait3A_336 = arith.constant 0 : i32
    %dma_wait3A_337 = tpu.memref_slice %arg2[%dma_wait3A_336, %add3A_198] : memref<200x16384xi32, #tpu.memory_space<hbm>> -> memref<72x128xi32, #tpu.memory_space<hbm>>
    tpu.wait_dma2 semaphore(%arg11 : memref<!tpu.dma_semaphore, #tpu.memory_space<semaphore_mem>>) src(%dma_wait3A_337 : memref<72x128xi32, #tpu.memory_space<hbm>>) dst(%dma_wait3A_335 : memref<72x128xi32, #tpu.memory_space<vmem>>)
    %add3A_338 = arith.constant 128 : i32
    %add3A_339 = arith.addi %mul3A_2, %add3A_338 : i32
    %dma_start3A_340 = arith.constant 0 : i32
    %dma_start3A_341 = arith.constant 0 : i32
    %dma_start3A_342 = tpu.memref_slice %arg6[%dma_start3A_340, %dma_start3A_341] : memref<72x128xi32, #tpu.memory_space<vmem>> -> memref<64x128xi32, #tpu.memory_space<vmem>>
    %dma_start3A_343 = arith.constant 72 : i32
    %dma_start3A_344 = tpu.memref_slice %arg2[%dma_start3A_343, %add3A_339] : memref<200x16384xi32, #tpu.memory_space<hbm>> -> memref<64x128xi32, #tpu.memory_space<hbm>>
    %dma_start3A_345 = arith.constant 0 : i32
    %dma_start3A_346 = arith.constant 0 : i32
    %dma_start3A_347 = tpu.memref_slice %arg6[%dma_start3A_345, %dma_start3A_346] : memref<72x128xi32, #tpu.memory_space<vmem>> -> memref<64x128xi32, #tpu.memory_space<vmem>>
    %dma_start3A_348 = arith.constant 72 : i32
    %dma_start3A_349 = tpu.memref_slice %arg2[%dma_start3A_348, %add3A_339] : memref<200x16384xi32, #tpu.memory_space<hbm>> -> memref<64x128xi32, #tpu.memory_space<hbm>>
    tpu.enqueue_dma source(%dma_start3A_349 : memref<64x128xi32, #tpu.memory_space<hbm>>) target(%dma_start3A_347 : memref<64x128xi32, #tpu.memory_space<vmem>>) target_semaphore(%arg10 : memref<!tpu.dma_semaphore, #tpu.memory_space<semaphore_mem>>)
    %broadcast_in_dim3A_350 = arith.constant 1.000000e+00 : f32
    %broadcast_in_dim3A_351 = vector.broadcast %broadcast_in_dim3A_350 : f32 to vector<16xf32>
    %scan3A_352 = arith.constant 0 : i32
    %scan3A_353 = arith.constant 72 : i32
    %scan3A_354 = arith.addi %scan3A_352, %scan3A_353 : i32
    %scan3A_355 = arith.constant 2 : i32
    %scan3A_356:4 = scf.for %scan3A_964 = %scan3A_352 to %scan3A_354 step %scan3A_355 iter_args(%scan3A_965 = %broadcast_in_dim3A_351, %scan3A_966 = %broadcast_in_dim3A_351, %scan3A_967 = %broadcast_in_dim3A_351, %scan3A_968 = %broadcast_in_dim3A_351) -> (vector<16xf32>, vector<16xf32>, vector<16xf32>, vector<16xf32>)  : i32 {
      %get3A_969 = arith.index_cast %scan3A_964 : i32 to index
      %get3A_970 = arith.constant 0 : index
      %get3A_971 = tpu.vector_load %arg7[%get3A_969, %get3A_970] {strides = array<i32>} : memref<72x128xi32, #tpu.memory_space<vmem>>, vector<16xi32>,
      %gather3A = tpu.vector_load_idx %arg5[%get3A_971] : memref<100096xf32, #tpu.memory_space<vmem>>[vector<16xi32>], vector<16xf32>,
      %mul3A_972 = arith.mulf %scan3A_965, %gather3A : vector<16xf32>
      %get3A_973 = arith.index_cast %scan3A_964 : i32 to index
      %get3A_974 = arith.constant 16 : index
      %get3A_975 = tpu.vector_load %arg7[%get3A_973, %get3A_974] {strides = array<i32>} : memref<72x128xi32, #tpu.memory_space<vmem>>, vector<16xi32>,
      %gather3A_976 = tpu.vector_load_idx %arg5[%get3A_975] : memref<100096xf32, #tpu.memory_space<vmem>>[vector<16xi32>], vector<16xf32>,
      %mul3A_977 = arith.mulf %scan3A_966, %gather3A_976 : vector<16xf32>
      %get3A_978 = arith.index_cast %scan3A_964 : i32 to index
      %get3A_979 = arith.constant 32 : index
      %get3A_980 = tpu.vector_load %arg7[%get3A_978, %get3A_979] {strides = array<i32>} : memref<72x128xi32, #tpu.memory_space<vmem>>, vector<16xi32>,
      %gather3A_981 = tpu.vector_load_idx %arg5[%get3A_980] : memref<100096xf32, #tpu.memory_space<vmem>>[vector<16xi32>], vector<16xf32>,
      %mul3A_982 = arith.mulf %scan3A_967, %gather3A_981 : vector<16xf32>
      %get3A_983 = arith.index_cast %scan3A_964 : i32 to index
      %get3A_984 = arith.constant 48 : index
      %get3A_985 = tpu.vector_load %arg7[%get3A_983, %get3A_984] {strides = array<i32>} : memref<72x128xi32, #tpu.memory_space<vmem>>, vector<16xi32>,
      %gather3A_986 = tpu.vector_load_idx %arg5[%get3A_985] : memref<100096xf32, #tpu.memory_space<vmem>>[vector<16xi32>], vector<16xf32>,
      %mul3A_987 = arith.mulf %scan3A_968, %gather3A_986 : vector<16xf32>
      %scan3A_988 = arith.constant 1 : i32
      %scan3A_989 = arith.addi %scan3A_964, %scan3A_988 : i32
      %get3A_990 = arith.index_cast %scan3A_989 : i32 to index
      %get3A_991 = arith.constant 0 : index
      %get3A_992 = tpu.vector_load %arg7[%get3A_990, %get3A_991] {strides = array<i32>} : memref<72x128xi32, #tpu.memory_space<vmem>>, vector<16xi32>,
      %gather3A_993 = tpu.vector_load_idx %arg5[%get3A_992] : memref<100096xf32, #tpu.memory_space<vmem>>[vector<16xi32>], vector<16xf32>,
      %mul3A_994 = arith.mulf %mul3A_972, %gather3A_993 : vector<16xf32>
      %get3A_995 = arith.index_cast %scan3A_989 : i32 to index
      %get3A_996 = arith.constant 16 : index
      %get3A_997 = tpu.vector_load %arg7[%get3A_995, %get3A_996] {strides = array<i32>} : memref<72x128xi32, #tpu.memory_space<vmem>>, vector<16xi32>,
      %gather3A_998 = tpu.vector_load_idx %arg5[%get3A_997] : memref<100096xf32, #tpu.memory_space<vmem>>[vector<16xi32>], vector<16xf32>,
      %mul3A_999 = arith.mulf %mul3A_977, %gather3A_998 : vector<16xf32>
      %get3A_1000 = arith.index_cast %scan3A_989 : i32 to index
      %get3A_1001 = arith.constant 32 : index
      %get3A_1002 = tpu.vector_load %arg7[%get3A_1000, %get3A_1001] {strides = array<i32>} : memref<72x128xi32, #tpu.memory_space<vmem>>, vector<16xi32>,
      %gather3A_1003 = tpu.vector_load_idx %arg5[%get3A_1002] : memref<100096xf32, #tpu.memory_space<vmem>>[vector<16xi32>], vector<16xf32>,
      %mul3A_1004 = arith.mulf %mul3A_982, %gather3A_1003 : vector<16xf32>
      %get3A_1005 = arith.index_cast %scan3A_989 : i32 to index
      %get3A_1006 = arith.constant 48 : index
      %get3A_1007 = tpu.vector_load %arg7[%get3A_1005, %get3A_1006] {strides = array<i32>} : memref<72x128xi32, #tpu.memory_space<vmem>>, vector<16xi32>,
      %gather3A_1008 = tpu.vector_load_idx %arg5[%get3A_1007] : memref<100096xf32, #tpu.memory_space<vmem>>[vector<16xi32>], vector<16xf32>,
      %mul3A_1009 = arith.mulf %mul3A_987, %gather3A_1008 : vector<16xf32>
      scf.yield %mul3A_994, %mul3A_999, %mul3A_1004, %mul3A_1009 : vector<16xf32>, vector<16xf32>, vector<16xf32>, vector<16xf32>
    }
    %scan3A_357 = arith.constant 72 : i32
    %scan3A_358 = arith.constant 0 : i32
    %scan3A_359 = arith.constant 72 : i32
    %scan3A_360 = arith.addi %scan3A_358, %scan3A_359 : i32
    %scan3A_361 = arith.constant 2 : i32
    %scan3A_362:4 = scf.for %scan3A_964 = %scan3A_358 to %scan3A_360 step %scan3A_361 iter_args(%scan3A_965 = %broadcast_in_dim3A_351, %scan3A_966 = %broadcast_in_dim3A_351, %scan3A_967 = %broadcast_in_dim3A_351, %scan3A_968 = %broadcast_in_dim3A_351) -> (vector<16xf32>, vector<16xf32>, vector<16xf32>, vector<16xf32>)  : i32 {
      %get3A_969 = arith.index_cast %scan3A_964 : i32 to index
      %get3A_970 = arith.constant 64 : index
      %get3A_971 = tpu.vector_load %arg7[%get3A_969, %get3A_970] {strides = array<i32>} : memref<72x128xi32, #tpu.memory_space<vmem>>, vector<16xi32>,
      %gather3A = tpu.vector_load_idx %arg5[%get3A_971] : memref<100096xf32, #tpu.memory_space<vmem>>[vector<16xi32>], vector<16xf32>,
      %mul3A_972 = arith.mulf %scan3A_965, %gather3A : vector<16xf32>
      %get3A_973 = arith.index_cast %scan3A_964 : i32 to index
      %get3A_974 = arith.constant 80 : index
      %get3A_975 = tpu.vector_load %arg7[%get3A_973, %get3A_974] {strides = array<i32>} : memref<72x128xi32, #tpu.memory_space<vmem>>, vector<16xi32>,
      %gather3A_976 = tpu.vector_load_idx %arg5[%get3A_975] : memref<100096xf32, #tpu.memory_space<vmem>>[vector<16xi32>], vector<16xf32>,
      %mul3A_977 = arith.mulf %scan3A_966, %gather3A_976 : vector<16xf32>
      %get3A_978 = arith.index_cast %scan3A_964 : i32 to index
      %get3A_979 = arith.constant 96 : index
      %get3A_980 = tpu.vector_load %arg7[%get3A_978, %get3A_979] {strides = array<i32>} : memref<72x128xi32, #tpu.memory_space<vmem>>, vector<16xi32>,
      %gather3A_981 = tpu.vector_load_idx %arg5[%get3A_980] : memref<100096xf32, #tpu.memory_space<vmem>>[vector<16xi32>], vector<16xf32>,
      %mul3A_982 = arith.mulf %scan3A_967, %gather3A_981 : vector<16xf32>
      %get3A_983 = arith.index_cast %scan3A_964 : i32 to index
      %get3A_984 = arith.constant 112 : index
      %get3A_985 = tpu.vector_load %arg7[%get3A_983, %get3A_984] {strides = array<i32>} : memref<72x128xi32, #tpu.memory_space<vmem>>, vector<16xi32>,
      %gather3A_986 = tpu.vector_load_idx %arg5[%get3A_985] : memref<100096xf32, #tpu.memory_space<vmem>>[vector<16xi32>], vector<16xf32>,
      %mul3A_987 = arith.mulf %scan3A_968, %gather3A_986 : vector<16xf32>
      %scan3A_988 = arith.constant 1 : i32
      %scan3A_989 = arith.addi %scan3A_964, %scan3A_988 : i32
      %get3A_990 = arith.index_cast %scan3A_989 : i32 to index
      %get3A_991 = arith.constant 64 : index
      %get3A_992 = tpu.vector_load %arg7[%get3A_990, %get3A_991] {strides = array<i32>} : memref<72x128xi32, #tpu.memory_space<vmem>>, vector<16xi32>,
      %gather3A_993 = tpu.vector_load_idx %arg5[%get3A_992] : memref<100096xf32, #tpu.memory_space<vmem>>[vector<16xi32>], vector<16xf32>,
      %mul3A_994 = arith.mulf %mul3A_972, %gather3A_993 : vector<16xf32>
      %get3A_995 = arith.index_cast %scan3A_989 : i32 to index
      %get3A_996 = arith.constant 80 : index
      %get3A_997 = tpu.vector_load %arg7[%get3A_995, %get3A_996] {strides = array<i32>} : memref<72x128xi32, #tpu.memory_space<vmem>>, vector<16xi32>,
      %gather3A_998 = tpu.vector_load_idx %arg5[%get3A_997] : memref<100096xf32, #tpu.memory_space<vmem>>[vector<16xi32>], vector<16xf32>,
      %mul3A_999 = arith.mulf %mul3A_977, %gather3A_998 : vector<16xf32>
      %get3A_1000 = arith.index_cast %scan3A_989 : i32 to index
      %get3A_1001 = arith.constant 96 : index
      %get3A_1002 = tpu.vector_load %arg7[%get3A_1000, %get3A_1001] {strides = array<i32>} : memref<72x128xi32, #tpu.memory_space<vmem>>, vector<16xi32>,
      %gather3A_1003 = tpu.vector_load_idx %arg5[%get3A_1002] : memref<100096xf32, #tpu.memory_space<vmem>>[vector<16xi32>], vector<16xf32>,
      %mul3A_1004 = arith.mulf %mul3A_982, %gather3A_1003 : vector<16xf32>
      %get3A_1005 = arith.index_cast %scan3A_989 : i32 to index
      %get3A_1006 = arith.constant 112 : index
      %get3A_1007 = tpu.vector_load %arg7[%get3A_1005, %get3A_1006] {strides = array<i32>} : memref<72x128xi32, #tpu.memory_space<vmem>>, vector<16xi32>,
      %gather3A_1008 = tpu.vector_load_idx %arg5[%get3A_1007] : memref<100096xf32, #tpu.memory_space<vmem>>[vector<16xi32>], vector<16xf32>,
      %mul3A_1009 = arith.mulf %mul3A_987, %gather3A_1008 : vector<16xf32>
      scf.yield %mul3A_994, %mul3A_999, %mul3A_1004, %mul3A_1009 : vector<16xf32>, vector<16xf32>, vector<16xf32>, vector<16xf32>
    }
    %scan3A_363 = arith.constant 72 : i32
    %dma_wait3A_364 = arith.constant 0 : i32
    %dma_wait3A_365 = arith.constant 0 : i32
    %dma_wait3A_366 = tpu.memref_slice %arg6[%dma_wait3A_364, %dma_wait3A_365] : memref<72x128xi32, #tpu.memory_space<vmem>> -> memref<64x128xi32, #tpu.memory_space<vmem>>
    %dma_wait3A_367 = arith.constant 72 : i32
    %dma_wait3A_368 = tpu.memref_slice %arg2[%dma_wait3A_367, %add3A_339] : memref<200x16384xi32, #tpu.memory_space<hbm>> -> memref<64x128xi32, #tpu.memory_space<hbm>>
    %dma_wait3A_369 = arith.constant 0 : i32
    %dma_wait3A_370 = arith.constant 0 : i32
    %dma_wait3A_371 = tpu.memref_slice %arg6[%dma_wait3A_369, %dma_wait3A_370] : memref<72x128xi32, #tpu.memory_space<vmem>> -> memref<64x128xi32, #tpu.memory_space<vmem>>
    %dma_wait3A_372 = arith.constant 72 : i32
    %dma_wait3A_373 = tpu.memref_slice %arg2[%dma_wait3A_372, %add3A_339] : memref<200x16384xi32, #tpu.memory_space<hbm>> -> memref<64x128xi32, #tpu.memory_space<hbm>>
    tpu.wait_dma2 semaphore(%arg10 : memref<!tpu.dma_semaphore, #tpu.memory_space<semaphore_mem>>) src(%dma_wait3A_373 : memref<64x128xi32, #tpu.memory_space<hbm>>) dst(%dma_wait3A_371 : memref<64x128xi32, #tpu.memory_space<vmem>>)
    %add3A_374 = arith.constant 128 : i32
    %add3A_375 = arith.addi %mul3A_2, %add3A_374 : i32
    %dma_start3A_376 = arith.constant 0 : i32
    %dma_start3A_377 = arith.constant 0 : i32
    %dma_start3A_378 = tpu.memref_slice %arg7[%dma_start3A_376, %dma_start3A_377] : memref<72x128xi32, #tpu.memory_space<vmem>> -> memref<64x128xi32, #tpu.memory_space<vmem>>
    %dma_start3A_379 = arith.constant 136 : i32
    %dma_start3A_380 = tpu.memref_slice %arg2[%dma_start3A_379, %add3A_375] : memref<200x16384xi32, #tpu.memory_space<hbm>> -> memref<64x128xi32, #tpu.memory_space<hbm>>
    %dma_start3A_381 = arith.constant 0 : i32
    %dma_start3A_382 = arith.constant 0 : i32
    %dma_start3A_383 = tpu.memref_slice %arg7[%dma_start3A_381, %dma_start3A_382] : memref<72x128xi32, #tpu.memory_space<vmem>> -> memref<64x128xi32, #tpu.memory_space<vmem>>
    %dma_start3A_384 = arith.constant 136 : i32
    %dma_start3A_385 = tpu.memref_slice %arg2[%dma_start3A_384, %add3A_375] : memref<200x16384xi32, #tpu.memory_space<hbm>> -> memref<64x128xi32, #tpu.memory_space<hbm>>
    tpu.enqueue_dma source(%dma_start3A_385 : memref<64x128xi32, #tpu.memory_space<hbm>>) target(%dma_start3A_383 : memref<64x128xi32, #tpu.memory_space<vmem>>) target_semaphore(%arg11 : memref<!tpu.dma_semaphore, #tpu.memory_space<semaphore_mem>>)
    %scan3A_386 = arith.constant 0 : i32
    %scan3A_387 = arith.constant 64 : i32
    %scan3A_388 = arith.addi %scan3A_386, %scan3A_387 : i32
    %scan3A_389 = arith.constant 2 : i32
    %scan3A_390:4 = scf.for %scan3A_964 = %scan3A_386 to %scan3A_388 step %scan3A_389 iter_args(%scan3A_965 = %scan3A_356#0, %scan3A_966 = %scan3A_356#1, %scan3A_967 = %scan3A_356#2, %scan3A_968 = %scan3A_356#3) -> (vector<16xf32>, vector<16xf32>, vector<16xf32>, vector<16xf32>)  : i32 {
      %get3A_969 = arith.index_cast %scan3A_964 : i32 to index
      %get3A_970 = arith.constant 0 : index
      %get3A_971 = tpu.vector_load %arg6[%get3A_969, %get3A_970] {strides = array<i32>} : memref<72x128xi32, #tpu.memory_space<vmem>>, vector<16xi32>,
      %gather3A = tpu.vector_load_idx %arg5[%get3A_971] : memref<100096xf32, #tpu.memory_space<vmem>>[vector<16xi32>], vector<16xf32>,
      %mul3A_972 = arith.mulf %scan3A_965, %gather3A : vector<16xf32>
      %get3A_973 = arith.index_cast %scan3A_964 : i32 to index
      %get3A_974 = arith.constant 16 : index
      %get3A_975 = tpu.vector_load %arg6[%get3A_973, %get3A_974] {strides = array<i32>} : memref<72x128xi32, #tpu.memory_space<vmem>>, vector<16xi32>,
      %gather3A_976 = tpu.vector_load_idx %arg5[%get3A_975] : memref<100096xf32, #tpu.memory_space<vmem>>[vector<16xi32>], vector<16xf32>,
      %mul3A_977 = arith.mulf %scan3A_966, %gather3A_976 : vector<16xf32>
      %get3A_978 = arith.index_cast %scan3A_964 : i32 to index
      %get3A_979 = arith.constant 32 : index
      %get3A_980 = tpu.vector_load %arg6[%get3A_978, %get3A_979] {strides = array<i32>} : memref<72x128xi32, #tpu.memory_space<vmem>>, vector<16xi32>,
      %gather3A_981 = tpu.vector_load_idx %arg5[%get3A_980] : memref<100096xf32, #tpu.memory_space<vmem>>[vector<16xi32>], vector<16xf32>,
      %mul3A_982 = arith.mulf %scan3A_967, %gather3A_981 : vector<16xf32>
      %get3A_983 = arith.index_cast %scan3A_964 : i32 to index
      %get3A_984 = arith.constant 48 : index
      %get3A_985 = tpu.vector_load %arg6[%get3A_983, %get3A_984] {strides = array<i32>} : memref<72x128xi32, #tpu.memory_space<vmem>>, vector<16xi32>,
      %gather3A_986 = tpu.vector_load_idx %arg5[%get3A_985] : memref<100096xf32, #tpu.memory_space<vmem>>[vector<16xi32>], vector<16xf32>,
      %mul3A_987 = arith.mulf %scan3A_968, %gather3A_986 : vector<16xf32>
      %scan3A_988 = arith.constant 1 : i32
      %scan3A_989 = arith.addi %scan3A_964, %scan3A_988 : i32
      %get3A_990 = arith.index_cast %scan3A_989 : i32 to index
      %get3A_991 = arith.constant 0 : index
      %get3A_992 = tpu.vector_load %arg6[%get3A_990, %get3A_991] {strides = array<i32>} : memref<72x128xi32, #tpu.memory_space<vmem>>, vector<16xi32>,
      %gather3A_993 = tpu.vector_load_idx %arg5[%get3A_992] : memref<100096xf32, #tpu.memory_space<vmem>>[vector<16xi32>], vector<16xf32>,
      %mul3A_994 = arith.mulf %mul3A_972, %gather3A_993 : vector<16xf32>
      %get3A_995 = arith.index_cast %scan3A_989 : i32 to index
      %get3A_996 = arith.constant 16 : index
      %get3A_997 = tpu.vector_load %arg6[%get3A_995, %get3A_996] {strides = array<i32>} : memref<72x128xi32, #tpu.memory_space<vmem>>, vector<16xi32>,
      %gather3A_998 = tpu.vector_load_idx %arg5[%get3A_997] : memref<100096xf32, #tpu.memory_space<vmem>>[vector<16xi32>], vector<16xf32>,
      %mul3A_999 = arith.mulf %mul3A_977, %gather3A_998 : vector<16xf32>
      %get3A_1000 = arith.index_cast %scan3A_989 : i32 to index
      %get3A_1001 = arith.constant 32 : index
      %get3A_1002 = tpu.vector_load %arg6[%get3A_1000, %get3A_1001] {strides = array<i32>} : memref<72x128xi32, #tpu.memory_space<vmem>>, vector<16xi32>,
      %gather3A_1003 = tpu.vector_load_idx %arg5[%get3A_1002] : memref<100096xf32, #tpu.memory_space<vmem>>[vector<16xi32>], vector<16xf32>,
      %mul3A_1004 = arith.mulf %mul3A_982, %gather3A_1003 : vector<16xf32>
      %get3A_1005 = arith.index_cast %scan3A_989 : i32 to index
      %get3A_1006 = arith.constant 48 : index
      %get3A_1007 = tpu.vector_load %arg6[%get3A_1005, %get3A_1006] {strides = array<i32>} : memref<72x128xi32, #tpu.memory_space<vmem>>, vector<16xi32>,
      %gather3A_1008 = tpu.vector_load_idx %arg5[%get3A_1007] : memref<100096xf32, #tpu.memory_space<vmem>>[vector<16xi32>], vector<16xf32>,
      %mul3A_1009 = arith.mulf %mul3A_987, %gather3A_1008 : vector<16xf32>
      scf.yield %mul3A_994, %mul3A_999, %mul3A_1004, %mul3A_1009 : vector<16xf32>, vector<16xf32>, vector<16xf32>, vector<16xf32>
    }
    %scan3A_391 = arith.constant 64 : i32
    %scan3A_392 = arith.constant 0 : i32
    %scan3A_393 = arith.constant 64 : i32
    %scan3A_394 = arith.addi %scan3A_392, %scan3A_393 : i32
    %scan3A_395 = arith.constant 2 : i32
    %scan3A_396:4 = scf.for %scan3A_964 = %scan3A_392 to %scan3A_394 step %scan3A_395 iter_args(%scan3A_965 = %scan3A_362#0, %scan3A_966 = %scan3A_362#1, %scan3A_967 = %scan3A_362#2, %scan3A_968 = %scan3A_362#3) -> (vector<16xf32>, vector<16xf32>, vector<16xf32>, vector<16xf32>)  : i32 {
      %get3A_969 = arith.index_cast %scan3A_964 : i32 to index
      %get3A_970 = arith.constant 64 : index
      %get3A_971 = tpu.vector_load %arg6[%get3A_969, %get3A_970] {strides = array<i32>} : memref<72x128xi32, #tpu.memory_space<vmem>>, vector<16xi32>,
      %gather3A = tpu.vector_load_idx %arg5[%get3A_971] : memref<100096xf32, #tpu.memory_space<vmem>>[vector<16xi32>], vector<16xf32>,
      %mul3A_972 = arith.mulf %scan3A_965, %gather3A : vector<16xf32>
      %get3A_973 = arith.index_cast %scan3A_964 : i32 to index
      %get3A_974 = arith.constant 80 : index
      %get3A_975 = tpu.vector_load %arg6[%get3A_973, %get3A_974] {strides = array<i32>} : memref<72x128xi32, #tpu.memory_space<vmem>>, vector<16xi32>,
      %gather3A_976 = tpu.vector_load_idx %arg5[%get3A_975] : memref<100096xf32, #tpu.memory_space<vmem>>[vector<16xi32>], vector<16xf32>,
      %mul3A_977 = arith.mulf %scan3A_966, %gather3A_976 : vector<16xf32>
      %get3A_978 = arith.index_cast %scan3A_964 : i32 to index
      %get3A_979 = arith.constant 96 : index
      %get3A_980 = tpu.vector_load %arg6[%get3A_978, %get3A_979] {strides = array<i32>} : memref<72x128xi32, #tpu.memory_space<vmem>>, vector<16xi32>,
      %gather3A_981 = tpu.vector_load_idx %arg5[%get3A_980] : memref<100096xf32, #tpu.memory_space<vmem>>[vector<16xi32>], vector<16xf32>,
      %mul3A_982 = arith.mulf %scan3A_967, %gather3A_981 : vector<16xf32>
      %get3A_983 = arith.index_cast %scan3A_964 : i32 to index
      %get3A_984 = arith.constant 112 : index
      %get3A_985 = tpu.vector_load %arg6[%get3A_983, %get3A_984] {strides = array<i32>} : memref<72x128xi32, #tpu.memory_space<vmem>>, vector<16xi32>,
      %gather3A_986 = tpu.vector_load_idx %arg5[%get3A_985] : memref<100096xf32, #tpu.memory_space<vmem>>[vector<16xi32>], vector<16xf32>,
      %mul3A_987 = arith.mulf %scan3A_968, %gather3A_986 : vector<16xf32>
      %scan3A_988 = arith.constant 1 : i32
      %scan3A_989 = arith.addi %scan3A_964, %scan3A_988 : i32
      %get3A_990 = arith.index_cast %scan3A_989 : i32 to index
      %get3A_991 = arith.constant 64 : index
      %get3A_992 = tpu.vector_load %arg6[%get3A_990, %get3A_991] {strides = array<i32>} : memref<72x128xi32, #tpu.memory_space<vmem>>, vector<16xi32>,
      %gather3A_993 = tpu.vector_load_idx %arg5[%get3A_992] : memref<100096xf32, #tpu.memory_space<vmem>>[vector<16xi32>], vector<16xf32>,
      %mul3A_994 = arith.mulf %mul3A_972, %gather3A_993 : vector<16xf32>
      %get3A_995 = arith.index_cast %scan3A_989 : i32 to index
      %get3A_996 = arith.constant 80 : index
      %get3A_997 = tpu.vector_load %arg6[%get3A_995, %get3A_996] {strides = array<i32>} : memref<72x128xi32, #tpu.memory_space<vmem>>, vector<16xi32>,
      %gather3A_998 = tpu.vector_load_idx %arg5[%get3A_997] : memref<100096xf32, #tpu.memory_space<vmem>>[vector<16xi32>], vector<16xf32>,
      %mul3A_999 = arith.mulf %mul3A_977, %gather3A_998 : vector<16xf32>
      %get3A_1000 = arith.index_cast %scan3A_989 : i32 to index
      %get3A_1001 = arith.constant 96 : index
      %get3A_1002 = tpu.vector_load %arg6[%get3A_1000, %get3A_1001] {strides = array<i32>} : memref<72x128xi32, #tpu.memory_space<vmem>>, vector<16xi32>,
      %gather3A_1003 = tpu.vector_load_idx %arg5[%get3A_1002] : memref<100096xf32, #tpu.memory_space<vmem>>[vector<16xi32>], vector<16xf32>,
      %mul3A_1004 = arith.mulf %mul3A_982, %gather3A_1003 : vector<16xf32>
      %get3A_1005 = arith.index_cast %scan3A_989 : i32 to index
      %get3A_1006 = arith.constant 112 : index
      %get3A_1007 = tpu.vector_load %arg6[%get3A_1005, %get3A_1006] {strides = array<i32>} : memref<72x128xi32, #tpu.memory_space<vmem>>, vector<16xi32>,
      %gather3A_1008 = tpu.vector_load_idx %arg5[%get3A_1007] : memref<100096xf32, #tpu.memory_space<vmem>>[vector<16xi32>], vector<16xf32>,
      %mul3A_1009 = arith.mulf %mul3A_987, %gather3A_1008 : vector<16xf32>
      scf.yield %mul3A_994, %mul3A_999, %mul3A_1004, %mul3A_1009 : vector<16xf32>, vector<16xf32>, vector<16xf32>, vector<16xf32>
    }
    %scan3A_397 = arith.constant 64 : i32
    %dma_wait3A_398 = arith.constant 0 : i32
    %dma_wait3A_399 = arith.constant 0 : i32
    %dma_wait3A_400 = tpu.memref_slice %arg7[%dma_wait3A_398, %dma_wait3A_399] : memref<72x128xi32, #tpu.memory_space<vmem>> -> memref<64x128xi32, #tpu.memory_space<vmem>>
    %dma_wait3A_401 = arith.constant 136 : i32
    %dma_wait3A_402 = tpu.memref_slice %arg2[%dma_wait3A_401, %add3A_375] : memref<200x16384xi32, #tpu.memory_space<hbm>> -> memref<64x128xi32, #tpu.memory_space<hbm>>
    %dma_wait3A_403 = arith.constant 0 : i32
    %dma_wait3A_404 = arith.constant 0 : i32
    %dma_wait3A_405 = tpu.memref_slice %arg7[%dma_wait3A_403, %dma_wait3A_404] : memref<72x128xi32, #tpu.memory_space<vmem>> -> memref<64x128xi32, #tpu.memory_space<vmem>>
    %dma_wait3A_406 = arith.constant 136 : i32
    %dma_wait3A_407 = tpu.memref_slice %arg2[%dma_wait3A_406, %add3A_375] : memref<200x16384xi32, #tpu.memory_space<hbm>> -> memref<64x128xi32, #tpu.memory_space<hbm>>
    tpu.wait_dma2 semaphore(%arg11 : memref<!tpu.dma_semaphore, #tpu.memory_space<semaphore_mem>>) src(%dma_wait3A_407 : memref<64x128xi32, #tpu.memory_space<hbm>>) dst(%dma_wait3A_405 : memref<64x128xi32, #tpu.memory_space<vmem>>)
    %add3A_408 = arith.constant 256 : i32
    %add3A_409 = arith.addi %mul3A_2, %add3A_408 : i32
    %dma_start3A_410 = arith.constant 0 : i32
    %dma_start3A_411 = arith.constant 0 : i32
    %dma_start3A_412 = tpu.memref_slice %arg6[%dma_start3A_410, %dma_start3A_411] : memref<72x128xi32, #tpu.memory_space<vmem>> -> memref<72x128xi32, #tpu.memory_space<vmem>>
    %dma_start3A_413 = arith.constant 0 : i32
    %dma_start3A_414 = tpu.memref_slice %arg2[%dma_start3A_413, %add3A_409] : memref<200x16384xi32, #tpu.memory_space<hbm>> -> memref<72x128xi32, #tpu.memory_space<hbm>>
    %dma_start3A_415 = arith.constant 0 : i32
    %dma_start3A_416 = arith.constant 0 : i32
    %dma_start3A_417 = tpu.memref_slice %arg6[%dma_start3A_415, %dma_start3A_416] : memref<72x128xi32, #tpu.memory_space<vmem>> -> memref<72x128xi32, #tpu.memory_space<vmem>>
    %dma_start3A_418 = arith.constant 0 : i32
    %dma_start3A_419 = tpu.memref_slice %arg2[%dma_start3A_418, %add3A_409] : memref<200x16384xi32, #tpu.memory_space<hbm>> -> memref<72x128xi32, #tpu.memory_space<hbm>>
    tpu.enqueue_dma source(%dma_start3A_419 : memref<72x128xi32, #tpu.memory_space<hbm>>) target(%dma_start3A_417 : memref<72x128xi32, #tpu.memory_space<vmem>>) target_semaphore(%arg10 : memref<!tpu.dma_semaphore, #tpu.memory_space<semaphore_mem>>)
    %scan3A_420 = arith.constant 0 : i32
    %scan3A_421 = arith.constant 64 : i32
    %scan3A_422 = arith.addi %scan3A_420, %scan3A_421 : i32
    %scan3A_423 = arith.constant 2 : i32
    %scan3A_424:4 = scf.for %scan3A_964 = %scan3A_420 to %scan3A_422 step %scan3A_423 iter_args(%scan3A_965 = %scan3A_390#0, %scan3A_966 = %scan3A_390#1, %scan3A_967 = %scan3A_390#2, %scan3A_968 = %scan3A_390#3) -> (vector<16xf32>, vector<16xf32>, vector<16xf32>, vector<16xf32>)  : i32 {
      %get3A_969 = arith.index_cast %scan3A_964 : i32 to index
      %get3A_970 = arith.constant 0 : index
      %get3A_971 = tpu.vector_load %arg7[%get3A_969, %get3A_970] {strides = array<i32>} : memref<72x128xi32, #tpu.memory_space<vmem>>, vector<16xi32>,
      %gather3A = tpu.vector_load_idx %arg5[%get3A_971] : memref<100096xf32, #tpu.memory_space<vmem>>[vector<16xi32>], vector<16xf32>,
      %mul3A_972 = arith.mulf %scan3A_965, %gather3A : vector<16xf32>
      %get3A_973 = arith.index_cast %scan3A_964 : i32 to index
      %get3A_974 = arith.constant 16 : index
      %get3A_975 = tpu.vector_load %arg7[%get3A_973, %get3A_974] {strides = array<i32>} : memref<72x128xi32, #tpu.memory_space<vmem>>, vector<16xi32>,
      %gather3A_976 = tpu.vector_load_idx %arg5[%get3A_975] : memref<100096xf32, #tpu.memory_space<vmem>>[vector<16xi32>], vector<16xf32>,
      %mul3A_977 = arith.mulf %scan3A_966, %gather3A_976 : vector<16xf32>
      %get3A_978 = arith.index_cast %scan3A_964 : i32 to index
      %get3A_979 = arith.constant 32 : index
      %get3A_980 = tpu.vector_load %arg7[%get3A_978, %get3A_979] {strides = array<i32>} : memref<72x128xi32, #tpu.memory_space<vmem>>, vector<16xi32>,
      %gather3A_981 = tpu.vector_load_idx %arg5[%get3A_980] : memref<100096xf32, #tpu.memory_space<vmem>>[vector<16xi32>], vector<16xf32>,
      %mul3A_982 = arith.mulf %scan3A_967, %gather3A_981 : vector<16xf32>
      %get3A_983 = arith.index_cast %scan3A_964 : i32 to index
      %get3A_984 = arith.constant 48 : index
      %get3A_985 = tpu.vector_load %arg7[%get3A_983, %get3A_984] {strides = array<i32>} : memref<72x128xi32, #tpu.memory_space<vmem>>, vector<16xi32>,
      %gather3A_986 = tpu.vector_load_idx %arg5[%get3A_985] : memref<100096xf32, #tpu.memory_space<vmem>>[vector<16xi32>], vector<16xf32>,
      %mul3A_987 = arith.mulf %scan3A_968, %gather3A_986 : vector<16xf32>
      %scan3A_988 = arith.constant 1 : i32
      %scan3A_989 = arith.addi %scan3A_964, %scan3A_988 : i32
      %get3A_990 = arith.index_cast %scan3A_989 : i32 to index
      %get3A_991 = arith.constant 0 : index
      %get3A_992 = tpu.vector_load %arg7[%get3A_990, %get3A_991] {strides = array<i32>} : memref<72x128xi32, #tpu.memory_space<vmem>>, vector<16xi32>,
      %gather3A_993 = tpu.vector_load_idx %arg5[%get3A_992] : memref<100096xf32, #tpu.memory_space<vmem>>[vector<16xi32>], vector<16xf32>,
      %mul3A_994 = arith.mulf %mul3A_972, %gather3A_993 : vector<16xf32>
      %get3A_995 = arith.index_cast %scan3A_989 : i32 to index
      %get3A_996 = arith.constant 16 : index
      %get3A_997 = tpu.vector_load %arg7[%get3A_995, %get3A_996] {strides = array<i32>} : memref<72x128xi32, #tpu.memory_space<vmem>>, vector<16xi32>,
      %gather3A_998 = tpu.vector_load_idx %arg5[%get3A_997] : memref<100096xf32, #tpu.memory_space<vmem>>[vector<16xi32>], vector<16xf32>,
      %mul3A_999 = arith.mulf %mul3A_977, %gather3A_998 : vector<16xf32>
      %get3A_1000 = arith.index_cast %scan3A_989 : i32 to index
      %get3A_1001 = arith.constant 32 : index
      %get3A_1002 = tpu.vector_load %arg7[%get3A_1000, %get3A_1001] {strides = array<i32>} : memref<72x128xi32, #tpu.memory_space<vmem>>, vector<16xi32>,
      %gather3A_1003 = tpu.vector_load_idx %arg5[%get3A_1002] : memref<100096xf32, #tpu.memory_space<vmem>>[vector<16xi32>], vector<16xf32>,
      %mul3A_1004 = arith.mulf %mul3A_982, %gather3A_1003 : vector<16xf32>
      %get3A_1005 = arith.index_cast %scan3A_989 : i32 to index
      %get3A_1006 = arith.constant 48 : index
      %get3A_1007 = tpu.vector_load %arg7[%get3A_1005, %get3A_1006] {strides = array<i32>} : memref<72x128xi32, #tpu.memory_space<vmem>>, vector<16xi32>,
      %gather3A_1008 = tpu.vector_load_idx %arg5[%get3A_1007] : memref<100096xf32, #tpu.memory_space<vmem>>[vector<16xi32>], vector<16xf32>,
      %mul3A_1009 = arith.mulf %mul3A_987, %gather3A_1008 : vector<16xf32>
      scf.yield %mul3A_994, %mul3A_999, %mul3A_1004, %mul3A_1009 : vector<16xf32>, vector<16xf32>, vector<16xf32>, vector<16xf32>
    }
    %scan3A_425 = arith.constant 64 : i32
    %scan3A_426 = arith.constant 0 : i32
    %scan3A_427 = arith.constant 64 : i32
    %scan3A_428 = arith.addi %scan3A_426, %scan3A_427 : i32
    %scan3A_429 = arith.constant 2 : i32
    %scan3A_430:4 = scf.for %scan3A_964 = %scan3A_426 to %scan3A_428 step %scan3A_429 iter_args(%scan3A_965 = %scan3A_396#0, %scan3A_966 = %scan3A_396#1, %scan3A_967 = %scan3A_396#2, %scan3A_968 = %scan3A_396#3) -> (vector<16xf32>, vector<16xf32>, vector<16xf32>, vector<16xf32>)  : i32 {
      %get3A_969 = arith.index_cast %scan3A_964 : i32 to index
      %get3A_970 = arith.constant 64 : index
      %get3A_971 = tpu.vector_load %arg7[%get3A_969, %get3A_970] {strides = array<i32>} : memref<72x128xi32, #tpu.memory_space<vmem>>, vector<16xi32>,
      %gather3A = tpu.vector_load_idx %arg5[%get3A_971] : memref<100096xf32, #tpu.memory_space<vmem>>[vector<16xi32>], vector<16xf32>,
      %mul3A_972 = arith.mulf %scan3A_965, %gather3A : vector<16xf32>
      %get3A_973 = arith.index_cast %scan3A_964 : i32 to index
      %get3A_974 = arith.constant 80 : index
      %get3A_975 = tpu.vector_load %arg7[%get3A_973, %get3A_974] {strides = array<i32>} : memref<72x128xi32, #tpu.memory_space<vmem>>, vector<16xi32>,
      %gather3A_976 = tpu.vector_load_idx %arg5[%get3A_975] : memref<100096xf32, #tpu.memory_space<vmem>>[vector<16xi32>], vector<16xf32>,
      %mul3A_977 = arith.mulf %scan3A_966, %gather3A_976 : vector<16xf32>
      %get3A_978 = arith.index_cast %scan3A_964 : i32 to index
      %get3A_979 = arith.constant 96 : index
      %get3A_980 = tpu.vector_load %arg7[%get3A_978, %get3A_979] {strides = array<i32>} : memref<72x128xi32, #tpu.memory_space<vmem>>, vector<16xi32>,
      %gather3A_981 = tpu.vector_load_idx %arg5[%get3A_980] : memref<100096xf32, #tpu.memory_space<vmem>>[vector<16xi32>], vector<16xf32>,
      %mul3A_982 = arith.mulf %scan3A_967, %gather3A_981 : vector<16xf32>
      %get3A_983 = arith.index_cast %scan3A_964 : i32 to index
      %get3A_984 = arith.constant 112 : index
      %get3A_985 = tpu.vector_load %arg7[%get3A_983, %get3A_984] {strides = array<i32>} : memref<72x128xi32, #tpu.memory_space<vmem>>, vector<16xi32>,
      %gather3A_986 = tpu.vector_load_idx %arg5[%get3A_985] : memref<100096xf32, #tpu.memory_space<vmem>>[vector<16xi32>], vector<16xf32>,
      %mul3A_987 = arith.mulf %scan3A_968, %gather3A_986 : vector<16xf32>
      %scan3A_988 = arith.constant 1 : i32
      %scan3A_989 = arith.addi %scan3A_964, %scan3A_988 : i32
      %get3A_990 = arith.index_cast %scan3A_989 : i32 to index
      %get3A_991 = arith.constant 64 : index
      %get3A_992 = tpu.vector_load %arg7[%get3A_990, %get3A_991] {strides = array<i32>} : memref<72x128xi32, #tpu.memory_space<vmem>>, vector<16xi32>,
      %gather3A_993 = tpu.vector_load_idx %arg5[%get3A_992] : memref<100096xf32, #tpu.memory_space<vmem>>[vector<16xi32>], vector<16xf32>,
      %mul3A_994 = arith.mulf %mul3A_972, %gather3A_993 : vector<16xf32>
      %get3A_995 = arith.index_cast %scan3A_989 : i32 to index
      %get3A_996 = arith.constant 80 : index
      %get3A_997 = tpu.vector_load %arg7[%get3A_995, %get3A_996] {strides = array<i32>} : memref<72x128xi32, #tpu.memory_space<vmem>>, vector<16xi32>,
      %gather3A_998 = tpu.vector_load_idx %arg5[%get3A_997] : memref<100096xf32, #tpu.memory_space<vmem>>[vector<16xi32>], vector<16xf32>,
      %mul3A_999 = arith.mulf %mul3A_977, %gather3A_998 : vector<16xf32>
      %get3A_1000 = arith.index_cast %scan3A_989 : i32 to index
      %get3A_1001 = arith.constant 96 : index
      %get3A_1002 = tpu.vector_load %arg7[%get3A_1000, %get3A_1001] {strides = array<i32>} : memref<72x128xi32, #tpu.memory_space<vmem>>, vector<16xi32>,
      %gather3A_1003 = tpu.vector_load_idx %arg5[%get3A_1002] : memref<100096xf32, #tpu.memory_space<vmem>>[vector<16xi32>], vector<16xf32>,
      %mul3A_1004 = arith.mulf %mul3A_982, %gather3A_1003 : vector<16xf32>
      %get3A_1005 = arith.index_cast %scan3A_989 : i32 to index
      %get3A_1006 = arith.constant 112 : index
      %get3A_1007 = tpu.vector_load %arg7[%get3A_1005, %get3A_1006] {strides = array<i32>} : memref<72x128xi32, #tpu.memory_space<vmem>>, vector<16xi32>,
      %gather3A_1008 = tpu.vector_load_idx %arg5[%get3A_1007] : memref<100096xf32, #tpu.memory_space<vmem>>[vector<16xi32>], vector<16xf32>,
      %mul3A_1009 = arith.mulf %mul3A_987, %gather3A_1008 : vector<16xf32>
      scf.yield %mul3A_994, %mul3A_999, %mul3A_1004, %mul3A_1009 : vector<16xf32>, vector<16xf32>, vector<16xf32>, vector<16xf32>
    }
    %scan3A_431 = arith.constant 64 : i32
    %div3A_432 = arith.constant 1.000000e+00 : f32
    %div3A_433 = vector.broadcast %div3A_432 : f32 to vector<16xf32>
    %div3A_434 = arith.divf %div3A_433, %scan3A_424#0 : vector<16xf32>
    %sub3A_435 = arith.constant 1.000000e+00 : f32
    %sub3A_436 = vector.broadcast %sub3A_435 : f32 to vector<16xf32>
    %sub3A_437 = arith.subf %sub3A_436, %div3A_434 : vector<16xf32>
    %jit3A_438 = arith.constant 9.99999974E-5 : f32
    %jit3A_439 = arith.constant 0.999989986 : f32
    %max3A_440 = vector.broadcast %jit3A_438 : f32 to vector<16xf32>
    %max3A_441 = arith.maximumf %max3A_440, %sub3A_437 : vector<16xf32>
    %min3A_442 = vector.broadcast %jit3A_439 : f32 to vector<16xf32>
    %min3A_443 = arith.minimumf %min3A_442, %max3A_441 : vector<16xf32>
    %swap3A_444 = arith.constant 128 : index
    %swap3A_445 = tpu.vector_load %arg8[%swap3A_444] {strides = array<i32>} : memref<512xf32, #tpu.memory_space<vmem>>, vector<16xf32>,
    tpu.vector_store %arg8[%swap3A_444], %min3A_443 {strides = array<i32>} : memref<512xf32, #tpu.memory_space<vmem>>, vector<16xf32>,
    %div3A_446 = arith.constant 1.000000e+00 : f32
    %div3A_447 = vector.broadcast %div3A_446 : f32 to vector<16xf32>
    %div3A_448 = arith.divf %div3A_447, %scan3A_424#1 : vector<16xf32>
    %sub3A_449 = arith.constant 1.000000e+00 : f32
    %sub3A_450 = vector.broadcast %sub3A_449 : f32 to vector<16xf32>
    %sub3A_451 = arith.subf %sub3A_450, %div3A_448 : vector<16xf32>
    %jit3A_452 = arith.constant 9.99999974E-5 : f32
    %jit3A_453 = arith.constant 0.999989986 : f32
    %max3A_454 = vector.broadcast %jit3A_452 : f32 to vector<16xf32>
    %max3A_455 = arith.maximumf %max3A_454, %sub3A_451 : vector<16xf32>
    %min3A_456 = vector.broadcast %jit3A_453 : f32 to vector<16xf32>
    %min3A_457 = arith.minimumf %min3A_456, %max3A_455 : vector<16xf32>
    %swap3A_458 = arith.constant 144 : index
    %swap3A_459 = tpu.vector_load %arg8[%swap3A_458] {strides = array<i32>} : memref<512xf32, #tpu.memory_space<vmem>>, vector<16xf32>,
    tpu.vector_store %arg8[%swap3A_458], %min3A_457 {strides = array<i32>} : memref<512xf32, #tpu.memory_space<vmem>>, vector<16xf32>,
    %div3A_460 = arith.constant 1.000000e+00 : f32
    %div3A_461 = vector.broadcast %div3A_460 : f32 to vector<16xf32>
    %div3A_462 = arith.divf %div3A_461, %scan3A_424#2 : vector<16xf32>
    %sub3A_463 = arith.constant 1.000000e+00 : f32
    %sub3A_464 = vector.broadcast %sub3A_463 : f32 to vector<16xf32>
    %sub3A_465 = arith.subf %sub3A_464, %div3A_462 : vector<16xf32>
    %jit3A_466 = arith.constant 9.99999974E-5 : f32
    %jit3A_467 = arith.constant 0.999989986 : f32
    %max3A_468 = vector.broadcast %jit3A_466 : f32 to vector<16xf32>
    %max3A_469 = arith.maximumf %max3A_468, %sub3A_465 : vector<16xf32>
    %min3A_470 = vector.broadcast %jit3A_467 : f32 to vector<16xf32>
    %min3A_471 = arith.minimumf %min3A_470, %max3A_469 : vector<16xf32>
    %swap3A_472 = arith.constant 160 : index
    %swap3A_473 = tpu.vector_load %arg8[%swap3A_472] {strides = array<i32>} : memref<512xf32, #tpu.memory_space<vmem>>, vector<16xf32>,
    tpu.vector_store %arg8[%swap3A_472], %min3A_471 {strides = array<i32>} : memref<512xf32, #tpu.memory_space<vmem>>, vector<16xf32>,
    %div3A_474 = arith.constant 1.000000e+00 : f32
    %div3A_475 = vector.broadcast %div3A_474 : f32 to vector<16xf32>
    %div3A_476 = arith.divf %div3A_475, %scan3A_424#3 : vector<16xf32>
    %sub3A_477 = arith.constant 1.000000e+00 : f32
    %sub3A_478 = vector.broadcast %sub3A_477 : f32 to vector<16xf32>
    %sub3A_479 = arith.subf %sub3A_478, %div3A_476 : vector<16xf32>
    %jit3A_480 = arith.constant 9.99999974E-5 : f32
    %jit3A_481 = arith.constant 0.999989986 : f32
    %max3A_482 = vector.broadcast %jit3A_480 : f32 to vector<16xf32>
    %max3A_483 = arith.maximumf %max3A_482, %sub3A_479 : vector<16xf32>
    %min3A_484 = vector.broadcast %jit3A_481 : f32 to vector<16xf32>
    %min3A_485 = arith.minimumf %min3A_484, %max3A_483 : vector<16xf32>
    %swap3A_486 = arith.constant 176 : index
    %swap3A_487 = tpu.vector_load %arg8[%swap3A_486] {strides = array<i32>} : memref<512xf32, #tpu.memory_space<vmem>>, vector<16xf32>,
    tpu.vector_store %arg8[%swap3A_486], %min3A_485 {strides = array<i32>} : memref<512xf32, #tpu.memory_space<vmem>>, vector<16xf32>,
    %div3A_488 = arith.constant 1.000000e+00 : f32
    %div3A_489 = vector.broadcast %div3A_488 : f32 to vector<16xf32>
    %div3A_490 = arith.divf %div3A_489, %scan3A_430#0 : vector<16xf32>
    %sub3A_491 = arith.constant 1.000000e+00 : f32
    %sub3A_492 = vector.broadcast %sub3A_491 : f32 to vector<16xf32>
    %sub3A_493 = arith.subf %sub3A_492, %div3A_490 : vector<16xf32>
    %jit3A_494 = arith.constant 9.99999974E-5 : f32
    %jit3A_495 = arith.constant 0.999989986 : f32
    %max3A_496 = vector.broadcast %jit3A_494 : f32 to vector<16xf32>
    %max3A_497 = arith.maximumf %max3A_496, %sub3A_493 : vector<16xf32>
    %min3A_498 = vector.broadcast %jit3A_495 : f32 to vector<16xf32>
    %min3A_499 = arith.minimumf %min3A_498, %max3A_497 : vector<16xf32>
    %swap3A_500 = arith.constant 192 : index
    %swap3A_501 = tpu.vector_load %arg8[%swap3A_500] {strides = array<i32>} : memref<512xf32, #tpu.memory_space<vmem>>, vector<16xf32>,
    tpu.vector_store %arg8[%swap3A_500], %min3A_499 {strides = array<i32>} : memref<512xf32, #tpu.memory_space<vmem>>, vector<16xf32>,
    %div3A_502 = arith.constant 1.000000e+00 : f32
    %div3A_503 = vector.broadcast %div3A_502 : f32 to vector<16xf32>
    %div3A_504 = arith.divf %div3A_503, %scan3A_430#1 : vector<16xf32>
    %sub3A_505 = arith.constant 1.000000e+00 : f32
    %sub3A_506 = vector.broadcast %sub3A_505 : f32 to vector<16xf32>
    %sub3A_507 = arith.subf %sub3A_506, %div3A_504 : vector<16xf32>
    %jit3A_508 = arith.constant 9.99999974E-5 : f32
    %jit3A_509 = arith.constant 0.999989986 : f32
    %max3A_510 = vector.broadcast %jit3A_508 : f32 to vector<16xf32>
    %max3A_511 = arith.maximumf %max3A_510, %sub3A_507 : vector<16xf32>
    %min3A_512 = vector.broadcast %jit3A_509 : f32 to vector<16xf32>
    %min3A_513 = arith.minimumf %min3A_512, %max3A_511 : vector<16xf32>
    %swap3A_514 = arith.constant 208 : index
    %swap3A_515 = tpu.vector_load %arg8[%swap3A_514] {strides = array<i32>} : memref<512xf32, #tpu.memory_space<vmem>>, vector<16xf32>,
    tpu.vector_store %arg8[%swap3A_514], %min3A_513 {strides = array<i32>} : memref<512xf32, #tpu.memory_space<vmem>>, vector<16xf32>,
    %div3A_516 = arith.constant 1.000000e+00 : f32
    %div3A_517 = vector.broadcast %div3A_516 : f32 to vector<16xf32>
    %div3A_518 = arith.divf %div3A_517, %scan3A_430#2 : vector<16xf32>
    %sub3A_519 = arith.constant 1.000000e+00 : f32
    %sub3A_520 = vector.broadcast %sub3A_519 : f32 to vector<16xf32>
    %sub3A_521 = arith.subf %sub3A_520, %div3A_518 : vector<16xf32>
    %jit3A_522 = arith.constant 9.99999974E-5 : f32
    %jit3A_523 = arith.constant 0.999989986 : f32
    %max3A_524 = vector.broadcast %jit3A_522 : f32 to vector<16xf32>
    %max3A_525 = arith.maximumf %max3A_524, %sub3A_521 : vector<16xf32>
    %min3A_526 = vector.broadcast %jit3A_523 : f32 to vector<16xf32>
    %min3A_527 = arith.minimumf %min3A_526, %max3A_525 : vector<16xf32>
    %swap3A_528 = arith.constant 224 : index
    %swap3A_529 = tpu.vector_load %arg8[%swap3A_528] {strides = array<i32>} : memref<512xf32, #tpu.memory_space<vmem>>, vector<16xf32>,
    tpu.vector_store %arg8[%swap3A_528], %min3A_527 {strides = array<i32>} : memref<512xf32, #tpu.memory_space<vmem>>, vector<16xf32>,
    %div3A_530 = arith.constant 1.000000e+00 : f32
    %div3A_531 = vector.broadcast %div3A_530 : f32 to vector<16xf32>
    %div3A_532 = arith.divf %div3A_531, %scan3A_430#3 : vector<16xf32>
    %sub3A_533 = arith.constant 1.000000e+00 : f32
    %sub3A_534 = vector.broadcast %sub3A_533 : f32 to vector<16xf32>
    %sub3A_535 = arith.subf %sub3A_534, %div3A_532 : vector<16xf32>
    %jit3A_536 = arith.constant 9.99999974E-5 : f32
    %jit3A_537 = arith.constant 0.999989986 : f32
    %max3A_538 = vector.broadcast %jit3A_536 : f32 to vector<16xf32>
    %max3A_539 = arith.maximumf %max3A_538, %sub3A_535 : vector<16xf32>
    %min3A_540 = vector.broadcast %jit3A_537 : f32 to vector<16xf32>
    %min3A_541 = arith.minimumf %min3A_540, %max3A_539 : vector<16xf32>
    %swap3A_542 = arith.constant 240 : index
    %swap3A_543 = tpu.vector_load %arg8[%swap3A_542] {strides = array<i32>} : memref<512xf32, #tpu.memory_space<vmem>>, vector<16xf32>,
    tpu.vector_store %arg8[%swap3A_542], %min3A_541 {strides = array<i32>} : memref<512xf32, #tpu.memory_space<vmem>>, vector<16xf32>,
    %dma_wait3A_544 = arith.constant 0 : i32
    %dma_wait3A_545 = arith.constant 0 : i32
    %dma_wait3A_546 = tpu.memref_slice %arg6[%dma_wait3A_544, %dma_wait3A_545] : memref<72x128xi32, #tpu.memory_space<vmem>> -> memref<72x128xi32, #tpu.memory_space<vmem>>
    %dma_wait3A_547 = arith.constant 0 : i32
    %dma_wait3A_548 = tpu.memref_slice %arg2[%dma_wait3A_547, %add3A_409] : memref<200x16384xi32, #tpu.memory_space<hbm>> -> memref<72x128xi32, #tpu.memory_space<hbm>>
    %dma_wait3A_549 = arith.constant 0 : i32
    %dma_wait3A_550 = arith.constant 0 : i32
    %dma_wait3A_551 = tpu.memref_slice %arg6[%dma_wait3A_549, %dma_wait3A_550] : memref<72x128xi32, #tpu.memory_space<vmem>> -> memref<72x128xi32, #tpu.memory_space<vmem>>
    %dma_wait3A_552 = arith.constant 0 : i32
    %dma_wait3A_553 = tpu.memref_slice %arg2[%dma_wait3A_552, %add3A_409] : memref<200x16384xi32, #tpu.memory_space<hbm>> -> memref<72x128xi32, #tpu.memory_space<hbm>>
    tpu.wait_dma2 semaphore(%arg10 : memref<!tpu.dma_semaphore, #tpu.memory_space<semaphore_mem>>) src(%dma_wait3A_553 : memref<72x128xi32, #tpu.memory_space<hbm>>) dst(%dma_wait3A_551 : memref<72x128xi32, #tpu.memory_space<vmem>>)
    %add3A_554 = arith.constant 256 : i32
    %add3A_555 = arith.addi %mul3A_2, %add3A_554 : i32
    %dma_start3A_556 = arith.constant 0 : i32
    %dma_start3A_557 = arith.constant 0 : i32
    %dma_start3A_558 = tpu.memref_slice %arg7[%dma_start3A_556, %dma_start3A_557] : memref<72x128xi32, #tpu.memory_space<vmem>> -> memref<64x128xi32, #tpu.memory_space<vmem>>
    %dma_start3A_559 = arith.constant 72 : i32
    %dma_start3A_560 = tpu.memref_slice %arg2[%dma_start3A_559, %add3A_555] : memref<200x16384xi32, #tpu.memory_space<hbm>> -> memref<64x128xi32, #tpu.memory_space<hbm>>
    %dma_start3A_561 = arith.constant 0 : i32
    %dma_start3A_562 = arith.constant 0 : i32
    %dma_start3A_563 = tpu.memref_slice %arg7[%dma_start3A_561, %dma_start3A_562] : memref<72x128xi32, #tpu.memory_space<vmem>> -> memref<64x128xi32, #tpu.memory_space<vmem>>
    %dma_start3A_564 = arith.constant 72 : i32
    %dma_start3A_565 = tpu.memref_slice %arg2[%dma_start3A_564, %add3A_555] : memref<200x16384xi32, #tpu.memory_space<hbm>> -> memref<64x128xi32, #tpu.memory_space<hbm>>
    tpu.enqueue_dma source(%dma_start3A_565 : memref<64x128xi32, #tpu.memory_space<hbm>>) target(%dma_start3A_563 : memref<64x128xi32, #tpu.memory_space<vmem>>) target_semaphore(%arg11 : memref<!tpu.dma_semaphore, #tpu.memory_space<semaphore_mem>>)
    %broadcast_in_dim3A_566 = arith.constant 1.000000e+00 : f32
    %broadcast_in_dim3A_567 = vector.broadcast %broadcast_in_dim3A_566 : f32 to vector<16xf32>
    %scan3A_568 = arith.constant 0 : i32
    %scan3A_569 = arith.constant 72 : i32
    %scan3A_570 = arith.addi %scan3A_568, %scan3A_569 : i32
    %scan3A_571 = arith.constant 2 : i32
    %scan3A_572:4 = scf.for %scan3A_964 = %scan3A_568 to %scan3A_570 step %scan3A_571 iter_args(%scan3A_965 = %broadcast_in_dim3A_567, %scan3A_966 = %broadcast_in_dim3A_567, %scan3A_967 = %broadcast_in_dim3A_567, %scan3A_968 = %broadcast_in_dim3A_567) -> (vector<16xf32>, vector<16xf32>, vector<16xf32>, vector<16xf32>)  : i32 {
      %get3A_969 = arith.index_cast %scan3A_964 : i32 to index
      %get3A_970 = arith.constant 0 : index
      %get3A_971 = tpu.vector_load %arg6[%get3A_969, %get3A_970] {strides = array<i32>} : memref<72x128xi32, #tpu.memory_space<vmem>>, vector<16xi32>,
      %gather3A = tpu.vector_load_idx %arg5[%get3A_971] : memref<100096xf32, #tpu.memory_space<vmem>>[vector<16xi32>], vector<16xf32>,
      %mul3A_972 = arith.mulf %scan3A_965, %gather3A : vector<16xf32>
      %get3A_973 = arith.index_cast %scan3A_964 : i32 to index
      %get3A_974 = arith.constant 16 : index
      %get3A_975 = tpu.vector_load %arg6[%get3A_973, %get3A_974] {strides = array<i32>} : memref<72x128xi32, #tpu.memory_space<vmem>>, vector<16xi32>,
      %gather3A_976 = tpu.vector_load_idx %arg5[%get3A_975] : memref<100096xf32, #tpu.memory_space<vmem>>[vector<16xi32>], vector<16xf32>,
      %mul3A_977 = arith.mulf %scan3A_966, %gather3A_976 : vector<16xf32>
      %get3A_978 = arith.index_cast %scan3A_964 : i32 to index
      %get3A_979 = arith.constant 32 : index
      %get3A_980 = tpu.vector_load %arg6[%get3A_978, %get3A_979] {strides = array<i32>} : memref<72x128xi32, #tpu.memory_space<vmem>>, vector<16xi32>,
      %gather3A_981 = tpu.vector_load_idx %arg5[%get3A_980] : memref<100096xf32, #tpu.memory_space<vmem>>[vector<16xi32>], vector<16xf32>,
      %mul3A_982 = arith.mulf %scan3A_967, %gather3A_981 : vector<16xf32>
      %get3A_983 = arith.index_cast %scan3A_964 : i32 to index
      %get3A_984 = arith.constant 48 : index
      %get3A_985 = tpu.vector_load %arg6[%get3A_983, %get3A_984] {strides = array<i32>} : memref<72x128xi32, #tpu.memory_space<vmem>>, vector<16xi32>,
      %gather3A_986 = tpu.vector_load_idx %arg5[%get3A_985] : memref<100096xf32, #tpu.memory_space<vmem>>[vector<16xi32>], vector<16xf32>,
      %mul3A_987 = arith.mulf %scan3A_968, %gather3A_986 : vector<16xf32>
      %scan3A_988 = arith.constant 1 : i32
      %scan3A_989 = arith.addi %scan3A_964, %scan3A_988 : i32
      %get3A_990 = arith.index_cast %scan3A_989 : i32 to index
      %get3A_991 = arith.constant 0 : index
      %get3A_992 = tpu.vector_load %arg6[%get3A_990, %get3A_991] {strides = array<i32>} : memref<72x128xi32, #tpu.memory_space<vmem>>, vector<16xi32>,
      %gather3A_993 = tpu.vector_load_idx %arg5[%get3A_992] : memref<100096xf32, #tpu.memory_space<vmem>>[vector<16xi32>], vector<16xf32>,
      %mul3A_994 = arith.mulf %mul3A_972, %gather3A_993 : vector<16xf32>
      %get3A_995 = arith.index_cast %scan3A_989 : i32 to index
      %get3A_996 = arith.constant 16 : index
      %get3A_997 = tpu.vector_load %arg6[%get3A_995, %get3A_996] {strides = array<i32>} : memref<72x128xi32, #tpu.memory_space<vmem>>, vector<16xi32>,
      %gather3A_998 = tpu.vector_load_idx %arg5[%get3A_997] : memref<100096xf32, #tpu.memory_space<vmem>>[vector<16xi32>], vector<16xf32>,
      %mul3A_999 = arith.mulf %mul3A_977, %gather3A_998 : vector<16xf32>
      %get3A_1000 = arith.index_cast %scan3A_989 : i32 to index
      %get3A_1001 = arith.constant 32 : index
      %get3A_1002 = tpu.vector_load %arg6[%get3A_1000, %get3A_1001] {strides = array<i32>} : memref<72x128xi32, #tpu.memory_space<vmem>>, vector<16xi32>,
      %gather3A_1003 = tpu.vector_load_idx %arg5[%get3A_1002] : memref<100096xf32, #tpu.memory_space<vmem>>[vector<16xi32>], vector<16xf32>,
      %mul3A_1004 = arith.mulf %mul3A_982, %gather3A_1003 : vector<16xf32>
      %get3A_1005 = arith.index_cast %scan3A_989 : i32 to index
      %get3A_1006 = arith.constant 48 : index
      %get3A_1007 = tpu.vector_load %arg6[%get3A_1005, %get3A_1006] {strides = array<i32>} : memref<72x128xi32, #tpu.memory_space<vmem>>, vector<16xi32>,
      %gather3A_1008 = tpu.vector_load_idx %arg5[%get3A_1007] : memref<100096xf32, #tpu.memory_space<vmem>>[vector<16xi32>], vector<16xf32>,
      %mul3A_1009 = arith.mulf %mul3A_987, %gather3A_1008 : vector<16xf32>
      scf.yield %mul3A_994, %mul3A_999, %mul3A_1004, %mul3A_1009 : vector<16xf32>, vector<16xf32>, vector<16xf32>, vector<16xf32>
    }
    %scan3A_573 = arith.constant 72 : i32
    %scan3A_574 = arith.constant 0 : i32
    %scan3A_575 = arith.constant 72 : i32
    %scan3A_576 = arith.addi %scan3A_574, %scan3A_575 : i32
    %scan3A_577 = arith.constant 2 : i32
    %scan3A_578:4 = scf.for %scan3A_964 = %scan3A_574 to %scan3A_576 step %scan3A_577 iter_args(%scan3A_965 = %broadcast_in_dim3A_567, %scan3A_966 = %broadcast_in_dim3A_567, %scan3A_967 = %broadcast_in_dim3A_567, %scan3A_968 = %broadcast_in_dim3A_567) -> (vector<16xf32>, vector<16xf32>, vector<16xf32>, vector<16xf32>)  : i32 {
      %get3A_969 = arith.index_cast %scan3A_964 : i32 to index
      %get3A_970 = arith.constant 64 : index
      %get3A_971 = tpu.vector_load %arg6[%get3A_969, %get3A_970] {strides = array<i32>} : memref<72x128xi32, #tpu.memory_space<vmem>>, vector<16xi32>,
      %gather3A = tpu.vector_load_idx %arg5[%get3A_971] : memref<100096xf32, #tpu.memory_space<vmem>>[vector<16xi32>], vector<16xf32>,
      %mul3A_972 = arith.mulf %scan3A_965, %gather3A : vector<16xf32>
      %get3A_973 = arith.index_cast %scan3A_964 : i32 to index
      %get3A_974 = arith.constant 80 : index
      %get3A_975 = tpu.vector_load %arg6[%get3A_973, %get3A_974] {strides = array<i32>} : memref<72x128xi32, #tpu.memory_space<vmem>>, vector<16xi32>,
      %gather3A_976 = tpu.vector_load_idx %arg5[%get3A_975] : memref<100096xf32, #tpu.memory_space<vmem>>[vector<16xi32>], vector<16xf32>,
      %mul3A_977 = arith.mulf %scan3A_966, %gather3A_976 : vector<16xf32>
      %get3A_978 = arith.index_cast %scan3A_964 : i32 to index
      %get3A_979 = arith.constant 96 : index
      %get3A_980 = tpu.vector_load %arg6[%get3A_978, %get3A_979] {strides = array<i32>} : memref<72x128xi32, #tpu.memory_space<vmem>>, vector<16xi32>,
      %gather3A_981 = tpu.vector_load_idx %arg5[%get3A_980] : memref<100096xf32, #tpu.memory_space<vmem>>[vector<16xi32>], vector<16xf32>,
      %mul3A_982 = arith.mulf %scan3A_967, %gather3A_981 : vector<16xf32>
      %get3A_983 = arith.index_cast %scan3A_964 : i32 to index
      %get3A_984 = arith.constant 112 : index
      %get3A_985 = tpu.vector_load %arg6[%get3A_983, %get3A_984] {strides = array<i32>} : memref<72x128xi32, #tpu.memory_space<vmem>>, vector<16xi32>,
      %gather3A_986 = tpu.vector_load_idx %arg5[%get3A_985] : memref<100096xf32, #tpu.memory_space<vmem>>[vector<16xi32>], vector<16xf32>,
      %mul3A_987 = arith.mulf %scan3A_968, %gather3A_986 : vector<16xf32>
      %scan3A_988 = arith.constant 1 : i32
      %scan3A_989 = arith.addi %scan3A_964, %scan3A_988 : i32
      %get3A_990 = arith.index_cast %scan3A_989 : i32 to index
      %get3A_991 = arith.constant 64 : index
      %get3A_992 = tpu.vector_load %arg6[%get3A_990, %get3A_991] {strides = array<i32>} : memref<72x128xi32, #tpu.memory_space<vmem>>, vector<16xi32>,
      %gather3A_993 = tpu.vector_load_idx %arg5[%get3A_992] : memref<100096xf32, #tpu.memory_space<vmem>>[vector<16xi32>], vector<16xf32>,
      %mul3A_994 = arith.mulf %mul3A_972, %gather3A_993 : vector<16xf32>
      %get3A_995 = arith.index_cast %scan3A_989 : i32 to index
      %get3A_996 = arith.constant 80 : index
      %get3A_997 = tpu.vector_load %arg6[%get3A_995, %get3A_996] {strides = array<i32>} : memref<72x128xi32, #tpu.memory_space<vmem>>, vector<16xi32>,
      %gather3A_998 = tpu.vector_load_idx %arg5[%get3A_997] : memref<100096xf32, #tpu.memory_space<vmem>>[vector<16xi32>], vector<16xf32>,
      %mul3A_999 = arith.mulf %mul3A_977, %gather3A_998 : vector<16xf32>
      %get3A_1000 = arith.index_cast %scan3A_989 : i32 to index
      %get3A_1001 = arith.constant 96 : index
      %get3A_1002 = tpu.vector_load %arg6[%get3A_1000, %get3A_1001] {strides = array<i32>} : memref<72x128xi32, #tpu.memory_space<vmem>>, vector<16xi32>,
      %gather3A_1003 = tpu.vector_load_idx %arg5[%get3A_1002] : memref<100096xf32, #tpu.memory_space<vmem>>[vector<16xi32>], vector<16xf32>,
      %mul3A_1004 = arith.mulf %mul3A_982, %gather3A_1003 : vector<16xf32>
      %get3A_1005 = arith.index_cast %scan3A_989 : i32 to index
      %get3A_1006 = arith.constant 112 : index
      %get3A_1007 = tpu.vector_load %arg6[%get3A_1005, %get3A_1006] {strides = array<i32>} : memref<72x128xi32, #tpu.memory_space<vmem>>, vector<16xi32>,
      %gather3A_1008 = tpu.vector_load_idx %arg5[%get3A_1007] : memref<100096xf32, #tpu.memory_space<vmem>>[vector<16xi32>], vector<16xf32>,
      %mul3A_1009 = arith.mulf %mul3A_987, %gather3A_1008 : vector<16xf32>
      scf.yield %mul3A_994, %mul3A_999, %mul3A_1004, %mul3A_1009 : vector<16xf32>, vector<16xf32>, vector<16xf32>, vector<16xf32>
    }
    %scan3A_579 = arith.constant 72 : i32
    %dma_wait3A_580 = arith.constant 0 : i32
    %dma_wait3A_581 = arith.constant 0 : i32
    %dma_wait3A_582 = tpu.memref_slice %arg7[%dma_wait3A_580, %dma_wait3A_581] : memref<72x128xi32, #tpu.memory_space<vmem>> -> memref<64x128xi32, #tpu.memory_space<vmem>>
    %dma_wait3A_583 = arith.constant 72 : i32
    %dma_wait3A_584 = tpu.memref_slice %arg2[%dma_wait3A_583, %add3A_555] : memref<200x16384xi32, #tpu.memory_space<hbm>> -> memref<64x128xi32, #tpu.memory_space<hbm>>
    %dma_wait3A_585 = arith.constant 0 : i32
    %dma_wait3A_586 = arith.constant 0 : i32
    %dma_wait3A_587 = tpu.memref_slice %arg7[%dma_wait3A_585, %dma_wait3A_586] : memref<72x128xi32, #tpu.memory_space<vmem>> -> memref<64x128xi32, #tpu.memory_space<vmem>>
    %dma_wait3A_588 = arith.constant 72 : i32
    %dma_wait3A_589 = tpu.memref_slice %arg2[%dma_wait3A_588, %add3A_555] : memref<200x16384xi32, #tpu.memory_space<hbm>> -> memref<64x128xi32, #tpu.memory_space<hbm>>
    tpu.wait_dma2 semaphore(%arg11 : memref<!tpu.dma_semaphore, #tpu.memory_space<semaphore_mem>>) src(%dma_wait3A_589 : memref<64x128xi32, #tpu.memory_space<hbm>>) dst(%dma_wait3A_587 : memref<64x128xi32, #tpu.memory_space<vmem>>)
    %add3A_590 = arith.constant 256 : i32
    %add3A_591 = arith.addi %mul3A_2, %add3A_590 : i32
    %dma_start3A_592 = arith.constant 0 : i32
    %dma_start3A_593 = arith.constant 0 : i32
    %dma_start3A_594 = tpu.memref_slice %arg6[%dma_start3A_592, %dma_start3A_593] : memref<72x128xi32, #tpu.memory_space<vmem>> -> memref<64x128xi32, #tpu.memory_space<vmem>>
    %dma_start3A_595 = arith.constant 136 : i32
    %dma_start3A_596 = tpu.memref_slice %arg2[%dma_start3A_595, %add3A_591] : memref<200x16384xi32, #tpu.memory_space<hbm>> -> memref<64x128xi32, #tpu.memory_space<hbm>>
    %dma_start3A_597 = arith.constant 0 : i32
    %dma_start3A_598 = arith.constant 0 : i32
    %dma_start3A_599 = tpu.memref_slice %arg6[%dma_start3A_597, %dma_start3A_598] : memref<72x128xi32, #tpu.memory_space<vmem>> -> memref<64x128xi32, #tpu.memory_space<vmem>>
    %dma_start3A_600 = arith.constant 136 : i32
    %dma_start3A_601 = tpu.memref_slice %arg2[%dma_start3A_600, %add3A_591] : memref<200x16384xi32, #tpu.memory_space<hbm>> -> memref<64x128xi32, #tpu.memory_space<hbm>>
    tpu.enqueue_dma source(%dma_start3A_601 : memref<64x128xi32, #tpu.memory_space<hbm>>) target(%dma_start3A_599 : memref<64x128xi32, #tpu.memory_space<vmem>>) target_semaphore(%arg10 : memref<!tpu.dma_semaphore, #tpu.memory_space<semaphore_mem>>)
    %scan3A_602 = arith.constant 0 : i32
    %scan3A_603 = arith.constant 64 : i32
    %scan3A_604 = arith.addi %scan3A_602, %scan3A_603 : i32
    %scan3A_605 = arith.constant 2 : i32
    %scan3A_606:4 = scf.for %scan3A_964 = %scan3A_602 to %scan3A_604 step %scan3A_605 iter_args(%scan3A_965 = %scan3A_572#0, %scan3A_966 = %scan3A_572#1, %scan3A_967 = %scan3A_572#2, %scan3A_968 = %scan3A_572#3) -> (vector<16xf32>, vector<16xf32>, vector<16xf32>, vector<16xf32>)  : i32 {
      %get3A_969 = arith.index_cast %scan3A_964 : i32 to index
      %get3A_970 = arith.constant 0 : index
      %get3A_971 = tpu.vector_load %arg7[%get3A_969, %get3A_970] {strides = array<i32>} : memref<72x128xi32, #tpu.memory_space<vmem>>, vector<16xi32>,
      %gather3A = tpu.vector_load_idx %arg5[%get3A_971] : memref<100096xf32, #tpu.memory_space<vmem>>[vector<16xi32>], vector<16xf32>,
      %mul3A_972 = arith.mulf %scan3A_965, %gather3A : vector<16xf32>
      %get3A_973 = arith.index_cast %scan3A_964 : i32 to index
      %get3A_974 = arith.constant 16 : index
      %get3A_975 = tpu.vector_load %arg7[%get3A_973, %get3A_974] {strides = array<i32>} : memref<72x128xi32, #tpu.memory_space<vmem>>, vector<16xi32>,
      %gather3A_976 = tpu.vector_load_idx %arg5[%get3A_975] : memref<100096xf32, #tpu.memory_space<vmem>>[vector<16xi32>], vector<16xf32>,
      %mul3A_977 = arith.mulf %scan3A_966, %gather3A_976 : vector<16xf32>
      %get3A_978 = arith.index_cast %scan3A_964 : i32 to index
      %get3A_979 = arith.constant 32 : index
      %get3A_980 = tpu.vector_load %arg7[%get3A_978, %get3A_979] {strides = array<i32>} : memref<72x128xi32, #tpu.memory_space<vmem>>, vector<16xi32>,
      %gather3A_981 = tpu.vector_load_idx %arg5[%get3A_980] : memref<100096xf32, #tpu.memory_space<vmem>>[vector<16xi32>], vector<16xf32>,
      %mul3A_982 = arith.mulf %scan3A_967, %gather3A_981 : vector<16xf32>
      %get3A_983 = arith.index_cast %scan3A_964 : i32 to index
      %get3A_984 = arith.constant 48 : index
      %get3A_985 = tpu.vector_load %arg7[%get3A_983, %get3A_984] {strides = array<i32>} : memref<72x128xi32, #tpu.memory_space<vmem>>, vector<16xi32>,
      %gather3A_986 = tpu.vector_load_idx %arg5[%get3A_985] : memref<100096xf32, #tpu.memory_space<vmem>>[vector<16xi32>], vector<16xf32>,
      %mul3A_987 = arith.mulf %scan3A_968, %gather3A_986 : vector<16xf32>
      %scan3A_988 = arith.constant 1 : i32
      %scan3A_989 = arith.addi %scan3A_964, %scan3A_988 : i32
      %get3A_990 = arith.index_cast %scan3A_989 : i32 to index
      %get3A_991 = arith.constant 0 : index
      %get3A_992 = tpu.vector_load %arg7[%get3A_990, %get3A_991] {strides = array<i32>} : memref<72x128xi32, #tpu.memory_space<vmem>>, vector<16xi32>,
      %gather3A_993 = tpu.vector_load_idx %arg5[%get3A_992] : memref<100096xf32, #tpu.memory_space<vmem>>[vector<16xi32>], vector<16xf32>,
      %mul3A_994 = arith.mulf %mul3A_972, %gather3A_993 : vector<16xf32>
      %get3A_995 = arith.index_cast %scan3A_989 : i32 to index
      %get3A_996 = arith.constant 16 : index
      %get3A_997 = tpu.vector_load %arg7[%get3A_995, %get3A_996] {strides = array<i32>} : memref<72x128xi32, #tpu.memory_space<vmem>>, vector<16xi32>,
      %gather3A_998 = tpu.vector_load_idx %arg5[%get3A_997] : memref<100096xf32, #tpu.memory_space<vmem>>[vector<16xi32>], vector<16xf32>,
      %mul3A_999 = arith.mulf %mul3A_977, %gather3A_998 : vector<16xf32>
      %get3A_1000 = arith.index_cast %scan3A_989 : i32 to index
      %get3A_1001 = arith.constant 32 : index
      %get3A_1002 = tpu.vector_load %arg7[%get3A_1000, %get3A_1001] {strides = array<i32>} : memref<72x128xi32, #tpu.memory_space<vmem>>, vector<16xi32>,
      %gather3A_1003 = tpu.vector_load_idx %arg5[%get3A_1002] : memref<100096xf32, #tpu.memory_space<vmem>>[vector<16xi32>], vector<16xf32>,
      %mul3A_1004 = arith.mulf %mul3A_982, %gather3A_1003 : vector<16xf32>
      %get3A_1005 = arith.index_cast %scan3A_989 : i32 to index
      %get3A_1006 = arith.constant 48 : index
      %get3A_1007 = tpu.vector_load %arg7[%get3A_1005, %get3A_1006] {strides = array<i32>} : memref<72x128xi32, #tpu.memory_space<vmem>>, vector<16xi32>,
      %gather3A_1008 = tpu.vector_load_idx %arg5[%get3A_1007] : memref<100096xf32, #tpu.memory_space<vmem>>[vector<16xi32>], vector<16xf32>,
      %mul3A_1009 = arith.mulf %mul3A_987, %gather3A_1008 : vector<16xf32>
      scf.yield %mul3A_994, %mul3A_999, %mul3A_1004, %mul3A_1009 : vector<16xf32>, vector<16xf32>, vector<16xf32>, vector<16xf32>
    }
    %scan3A_607 = arith.constant 64 : i32
    %scan3A_608 = arith.constant 0 : i32
    %scan3A_609 = arith.constant 64 : i32
    %scan3A_610 = arith.addi %scan3A_608, %scan3A_609 : i32
    %scan3A_611 = arith.constant 2 : i32
    %scan3A_612:4 = scf.for %scan3A_964 = %scan3A_608 to %scan3A_610 step %scan3A_611 iter_args(%scan3A_965 = %scan3A_578#0, %scan3A_966 = %scan3A_578#1, %scan3A_967 = %scan3A_578#2, %scan3A_968 = %scan3A_578#3) -> (vector<16xf32>, vector<16xf32>, vector<16xf32>, vector<16xf32>)  : i32 {
      %get3A_969 = arith.index_cast %scan3A_964 : i32 to index
      %get3A_970 = arith.constant 64 : index
      %get3A_971 = tpu.vector_load %arg7[%get3A_969, %get3A_970] {strides = array<i32>} : memref<72x128xi32, #tpu.memory_space<vmem>>, vector<16xi32>,
      %gather3A = tpu.vector_load_idx %arg5[%get3A_971] : memref<100096xf32, #tpu.memory_space<vmem>>[vector<16xi32>], vector<16xf32>,
      %mul3A_972 = arith.mulf %scan3A_965, %gather3A : vector<16xf32>
      %get3A_973 = arith.index_cast %scan3A_964 : i32 to index
      %get3A_974 = arith.constant 80 : index
      %get3A_975 = tpu.vector_load %arg7[%get3A_973, %get3A_974] {strides = array<i32>} : memref<72x128xi32, #tpu.memory_space<vmem>>, vector<16xi32>,
      %gather3A_976 = tpu.vector_load_idx %arg5[%get3A_975] : memref<100096xf32, #tpu.memory_space<vmem>>[vector<16xi32>], vector<16xf32>,
      %mul3A_977 = arith.mulf %scan3A_966, %gather3A_976 : vector<16xf32>
      %get3A_978 = arith.index_cast %scan3A_964 : i32 to index
      %get3A_979 = arith.constant 96 : index
      %get3A_980 = tpu.vector_load %arg7[%get3A_978, %get3A_979] {strides = array<i32>} : memref<72x128xi32, #tpu.memory_space<vmem>>, vector<16xi32>,
      %gather3A_981 = tpu.vector_load_idx %arg5[%get3A_980] : memref<100096xf32, #tpu.memory_space<vmem>>[vector<16xi32>], vector<16xf32>,
      %mul3A_982 = arith.mulf %scan3A_967, %gather3A_981 : vector<16xf32>
      %get3A_983 = arith.index_cast %scan3A_964 : i32 to index
      %get3A_984 = arith.constant 112 : index
      %get3A_985 = tpu.vector_load %arg7[%get3A_983, %get3A_984] {strides = array<i32>} : memref<72x128xi32, #tpu.memory_space<vmem>>, vector<16xi32>,
      %gather3A_986 = tpu.vector_load_idx %arg5[%get3A_985] : memref<100096xf32, #tpu.memory_space<vmem>>[vector<16xi32>], vector<16xf32>,
      %mul3A_987 = arith.mulf %scan3A_968, %gather3A_986 : vector<16xf32>
      %scan3A_988 = arith.constant 1 : i32
      %scan3A_989 = arith.addi %scan3A_964, %scan3A_988 : i32
      %get3A_990 = arith.index_cast %scan3A_989 : i32 to index
      %get3A_991 = arith.constant 64 : index
      %get3A_992 = tpu.vector_load %arg7[%get3A_990, %get3A_991] {strides = array<i32>} : memref<72x128xi32, #tpu.memory_space<vmem>>, vector<16xi32>,
      %gather3A_993 = tpu.vector_load_idx %arg5[%get3A_992] : memref<100096xf32, #tpu.memory_space<vmem>>[vector<16xi32>], vector<16xf32>,
      %mul3A_994 = arith.mulf %mul3A_972, %gather3A_993 : vector<16xf32>
      %get3A_995 = arith.index_cast %scan3A_989 : i32 to index
      %get3A_996 = arith.constant 80 : index
      %get3A_997 = tpu.vector_load %arg7[%get3A_995, %get3A_996] {strides = array<i32>} : memref<72x128xi32, #tpu.memory_space<vmem>>, vector<16xi32>,
      %gather3A_998 = tpu.vector_load_idx %arg5[%get3A_997] : memref<100096xf32, #tpu.memory_space<vmem>>[vector<16xi32>], vector<16xf32>,
      %mul3A_999 = arith.mulf %mul3A_977, %gather3A_998 : vector<16xf32>
      %get3A_1000 = arith.index_cast %scan3A_989 : i32 to index
      %get3A_1001 = arith.constant 96 : index
      %get3A_1002 = tpu.vector_load %arg7[%get3A_1000, %get3A_1001] {strides = array<i32>} : memref<72x128xi32, #tpu.memory_space<vmem>>, vector<16xi32>,
      %gather3A_1003 = tpu.vector_load_idx %arg5[%get3A_1002] : memref<100096xf32, #tpu.memory_space<vmem>>[vector<16xi32>], vector<16xf32>,
      %mul3A_1004 = arith.mulf %mul3A_982, %gather3A_1003 : vector<16xf32>
      %get3A_1005 = arith.index_cast %scan3A_989 : i32 to index
      %get3A_1006 = arith.constant 112 : index
      %get3A_1007 = tpu.vector_load %arg7[%get3A_1005, %get3A_1006] {strides = array<i32>} : memref<72x128xi32, #tpu.memory_space<vmem>>, vector<16xi32>,
      %gather3A_1008 = tpu.vector_load_idx %arg5[%get3A_1007] : memref<100096xf32, #tpu.memory_space<vmem>>[vector<16xi32>], vector<16xf32>,
      %mul3A_1009 = arith.mulf %mul3A_987, %gather3A_1008 : vector<16xf32>
      scf.yield %mul3A_994, %mul3A_999, %mul3A_1004, %mul3A_1009 : vector<16xf32>, vector<16xf32>, vector<16xf32>, vector<16xf32>
    }
    %scan3A_613 = arith.constant 64 : i32
    %dma_wait3A_614 = arith.constant 0 : i32
    %dma_wait3A_615 = arith.constant 0 : i32
    %dma_wait3A_616 = tpu.memref_slice %arg6[%dma_wait3A_614, %dma_wait3A_615] : memref<72x128xi32, #tpu.memory_space<vmem>> -> memref<64x128xi32, #tpu.memory_space<vmem>>
    %dma_wait3A_617 = arith.constant 136 : i32
    %dma_wait3A_618 = tpu.memref_slice %arg2[%dma_wait3A_617, %add3A_591] : memref<200x16384xi32, #tpu.memory_space<hbm>> -> memref<64x128xi32, #tpu.memory_space<hbm>>
    %dma_wait3A_619 = arith.constant 0 : i32
    %dma_wait3A_620 = arith.constant 0 : i32
    %dma_wait3A_621 = tpu.memref_slice %arg6[%dma_wait3A_619, %dma_wait3A_620] : memref<72x128xi32, #tpu.memory_space<vmem>> -> memref<64x128xi32, #tpu.memory_space<vmem>>
    %dma_wait3A_622 = arith.constant 136 : i32
    %dma_wait3A_623 = tpu.memref_slice %arg2[%dma_wait3A_622, %add3A_591] : memref<200x16384xi32, #tpu.memory_space<hbm>> -> memref<64x128xi32, #tpu.memory_space<hbm>>
    tpu.wait_dma2 semaphore(%arg10 : memref<!tpu.dma_semaphore, #tpu.memory_space<semaphore_mem>>) src(%dma_wait3A_623 : memref<64x128xi32, #tpu.memory_space<hbm>>) dst(%dma_wait3A_621 : memref<64x128xi32, #tpu.memory_space<vmem>>)
    %add3A_624 = arith.constant 384 : i32
    %add3A_625 = arith.addi %mul3A_2, %add3A_624 : i32
    %dma_start3A_626 = arith.constant 0 : i32
    %dma_start3A_627 = arith.constant 0 : i32
    %dma_start3A_628 = tpu.memref_slice %arg7[%dma_start3A_626, %dma_start3A_627] : memref<72x128xi32, #tpu.memory_space<vmem>> -> memref<72x128xi32, #tpu.memory_space<vmem>>
    %dma_start3A_629 = arith.constant 0 : i32
    %dma_start3A_630 = tpu.memref_slice %arg2[%dma_start3A_629, %add3A_625] : memref<200x16384xi32, #tpu.memory_space<hbm>> -> memref<72x128xi32, #tpu.memory_space<hbm>>
    %dma_start3A_631 = arith.constant 0 : i32
    %dma_start3A_632 = arith.constant 0 : i32
    %dma_start3A_633 = tpu.memref_slice %arg7[%dma_start3A_631, %dma_start3A_632] : memref<72x128xi32, #tpu.memory_space<vmem>> -> memref<72x128xi32, #tpu.memory_space<vmem>>
    %dma_start3A_634 = arith.constant 0 : i32
    %dma_start3A_635 = tpu.memref_slice %arg2[%dma_start3A_634, %add3A_625] : memref<200x16384xi32, #tpu.memory_space<hbm>> -> memref<72x128xi32, #tpu.memory_space<hbm>>
    tpu.enqueue_dma source(%dma_start3A_635 : memref<72x128xi32, #tpu.memory_space<hbm>>) target(%dma_start3A_633 : memref<72x128xi32, #tpu.memory_space<vmem>>) target_semaphore(%arg11 : memref<!tpu.dma_semaphore, #tpu.memory_space<semaphore_mem>>)
    %scan3A_636 = arith.constant 0 : i32
    %scan3A_637 = arith.constant 64 : i32
    %scan3A_638 = arith.addi %scan3A_636, %scan3A_637 : i32
    %scan3A_639 = arith.constant 2 : i32
    %scan3A_640:4 = scf.for %scan3A_964 = %scan3A_636 to %scan3A_638 step %scan3A_639 iter_args(%scan3A_965 = %scan3A_606#0, %scan3A_966 = %scan3A_606#1, %scan3A_967 = %scan3A_606#2, %scan3A_968 = %scan3A_606#3) -> (vector<16xf32>, vector<16xf32>, vector<16xf32>, vector<16xf32>)  : i32 {
      %get3A_969 = arith.index_cast %scan3A_964 : i32 to index
      %get3A_970 = arith.constant 0 : index
      %get3A_971 = tpu.vector_load %arg6[%get3A_969, %get3A_970] {strides = array<i32>} : memref<72x128xi32, #tpu.memory_space<vmem>>, vector<16xi32>,
      %gather3A = tpu.vector_load_idx %arg5[%get3A_971] : memref<100096xf32, #tpu.memory_space<vmem>>[vector<16xi32>], vector<16xf32>,
      %mul3A_972 = arith.mulf %scan3A_965, %gather3A : vector<16xf32>
      %get3A_973 = arith.index_cast %scan3A_964 : i32 to index
      %get3A_974 = arith.constant 16 : index
      %get3A_975 = tpu.vector_load %arg6[%get3A_973, %get3A_974] {strides = array<i32>} : memref<72x128xi32, #tpu.memory_space<vmem>>, vector<16xi32>,
      %gather3A_976 = tpu.vector_load_idx %arg5[%get3A_975] : memref<100096xf32, #tpu.memory_space<vmem>>[vector<16xi32>], vector<16xf32>,
      %mul3A_977 = arith.mulf %scan3A_966, %gather3A_976 : vector<16xf32>
      %get3A_978 = arith.index_cast %scan3A_964 : i32 to index
      %get3A_979 = arith.constant 32 : index
      %get3A_980 = tpu.vector_load %arg6[%get3A_978, %get3A_979] {strides = array<i32>} : memref<72x128xi32, #tpu.memory_space<vmem>>, vector<16xi32>,
      %gather3A_981 = tpu.vector_load_idx %arg5[%get3A_980] : memref<100096xf32, #tpu.memory_space<vmem>>[vector<16xi32>], vector<16xf32>,
      %mul3A_982 = arith.mulf %scan3A_967, %gather3A_981 : vector<16xf32>
      %get3A_983 = arith.index_cast %scan3A_964 : i32 to index
      %get3A_984 = arith.constant 48 : index
      %get3A_985 = tpu.vector_load %arg6[%get3A_983, %get3A_984] {strides = array<i32>} : memref<72x128xi32, #tpu.memory_space<vmem>>, vector<16xi32>,
      %gather3A_986 = tpu.vector_load_idx %arg5[%get3A_985] : memref<100096xf32, #tpu.memory_space<vmem>>[vector<16xi32>], vector<16xf32>,
      %mul3A_987 = arith.mulf %scan3A_968, %gather3A_986 : vector<16xf32>
      %scan3A_988 = arith.constant 1 : i32
      %scan3A_989 = arith.addi %scan3A_964, %scan3A_988 : i32
      %get3A_990 = arith.index_cast %scan3A_989 : i32 to index
      %get3A_991 = arith.constant 0 : index
      %get3A_992 = tpu.vector_load %arg6[%get3A_990, %get3A_991] {strides = array<i32>} : memref<72x128xi32, #tpu.memory_space<vmem>>, vector<16xi32>,
      %gather3A_993 = tpu.vector_load_idx %arg5[%get3A_992] : memref<100096xf32, #tpu.memory_space<vmem>>[vector<16xi32>], vector<16xf32>,
      %mul3A_994 = arith.mulf %mul3A_972, %gather3A_993 : vector<16xf32>
      %get3A_995 = arith.index_cast %scan3A_989 : i32 to index
      %get3A_996 = arith.constant 16 : index
      %get3A_997 = tpu.vector_load %arg6[%get3A_995, %get3A_996] {strides = array<i32>} : memref<72x128xi32, #tpu.memory_space<vmem>>, vector<16xi32>,
      %gather3A_998 = tpu.vector_load_idx %arg5[%get3A_997] : memref<100096xf32, #tpu.memory_space<vmem>>[vector<16xi32>], vector<16xf32>,
      %mul3A_999 = arith.mulf %mul3A_977, %gather3A_998 : vector<16xf32>
      %get3A_1000 = arith.index_cast %scan3A_989 : i32 to index
      %get3A_1001 = arith.constant 32 : index
      %get3A_1002 = tpu.vector_load %arg6[%get3A_1000, %get3A_1001] {strides = array<i32>} : memref<72x128xi32, #tpu.memory_space<vmem>>, vector<16xi32>,
      %gather3A_1003 = tpu.vector_load_idx %arg5[%get3A_1002] : memref<100096xf32, #tpu.memory_space<vmem>>[vector<16xi32>], vector<16xf32>,
      %mul3A_1004 = arith.mulf %mul3A_982, %gather3A_1003 : vector<16xf32>
      %get3A_1005 = arith.index_cast %scan3A_989 : i32 to index
      %get3A_1006 = arith.constant 48 : index
      %get3A_1007 = tpu.vector_load %arg6[%get3A_1005, %get3A_1006] {strides = array<i32>} : memref<72x128xi32, #tpu.memory_space<vmem>>, vector<16xi32>,
      %gather3A_1008 = tpu.vector_load_idx %arg5[%get3A_1007] : memref<100096xf32, #tpu.memory_space<vmem>>[vector<16xi32>], vector<16xf32>,
      %mul3A_1009 = arith.mulf %mul3A_987, %gather3A_1008 : vector<16xf32>
      scf.yield %mul3A_994, %mul3A_999, %mul3A_1004, %mul3A_1009 : vector<16xf32>, vector<16xf32>, vector<16xf32>, vector<16xf32>
    }
    %scan3A_641 = arith.constant 64 : i32
    %scan3A_642 = arith.constant 0 : i32
    %scan3A_643 = arith.constant 64 : i32
    %scan3A_644 = arith.addi %scan3A_642, %scan3A_643 : i32
    %scan3A_645 = arith.constant 2 : i32
    %scan3A_646:4 = scf.for %scan3A_964 = %scan3A_642 to %scan3A_644 step %scan3A_645 iter_args(%scan3A_965 = %scan3A_612#0, %scan3A_966 = %scan3A_612#1, %scan3A_967 = %scan3A_612#2, %scan3A_968 = %scan3A_612#3) -> (vector<16xf32>, vector<16xf32>, vector<16xf32>, vector<16xf32>)  : i32 {
      %get3A_969 = arith.index_cast %scan3A_964 : i32 to index
      %get3A_970 = arith.constant 64 : index
      %get3A_971 = tpu.vector_load %arg6[%get3A_969, %get3A_970] {strides = array<i32>} : memref<72x128xi32, #tpu.memory_space<vmem>>, vector<16xi32>,
      %gather3A = tpu.vector_load_idx %arg5[%get3A_971] : memref<100096xf32, #tpu.memory_space<vmem>>[vector<16xi32>], vector<16xf32>,
      %mul3A_972 = arith.mulf %scan3A_965, %gather3A : vector<16xf32>
      %get3A_973 = arith.index_cast %scan3A_964 : i32 to index
      %get3A_974 = arith.constant 80 : index
      %get3A_975 = tpu.vector_load %arg6[%get3A_973, %get3A_974] {strides = array<i32>} : memref<72x128xi32, #tpu.memory_space<vmem>>, vector<16xi32>,
      %gather3A_976 = tpu.vector_load_idx %arg5[%get3A_975] : memref<100096xf32, #tpu.memory_space<vmem>>[vector<16xi32>], vector<16xf32>,
      %mul3A_977 = arith.mulf %scan3A_966, %gather3A_976 : vector<16xf32>
      %get3A_978 = arith.index_cast %scan3A_964 : i32 to index
      %get3A_979 = arith.constant 96 : index
      %get3A_980 = tpu.vector_load %arg6[%get3A_978, %get3A_979] {strides = array<i32>} : memref<72x128xi32, #tpu.memory_space<vmem>>, vector<16xi32>,
      %gather3A_981 = tpu.vector_load_idx %arg5[%get3A_980] : memref<100096xf32, #tpu.memory_space<vmem>>[vector<16xi32>], vector<16xf32>,
      %mul3A_982 = arith.mulf %scan3A_967, %gather3A_981 : vector<16xf32>
      %get3A_983 = arith.index_cast %scan3A_964 : i32 to index
      %get3A_984 = arith.constant 112 : index
      %get3A_985 = tpu.vector_load %arg6[%get3A_983, %get3A_984] {strides = array<i32>} : memref<72x128xi32, #tpu.memory_space<vmem>>, vector<16xi32>,
      %gather3A_986 = tpu.vector_load_idx %arg5[%get3A_985] : memref<100096xf32, #tpu.memory_space<vmem>>[vector<16xi32>], vector<16xf32>,
      %mul3A_987 = arith.mulf %scan3A_968, %gather3A_986 : vector<16xf32>
      %scan3A_988 = arith.constant 1 : i32
      %scan3A_989 = arith.addi %scan3A_964, %scan3A_988 : i32
      %get3A_990 = arith.index_cast %scan3A_989 : i32 to index
      %get3A_991 = arith.constant 64 : index
      %get3A_992 = tpu.vector_load %arg6[%get3A_990, %get3A_991] {strides = array<i32>} : memref<72x128xi32, #tpu.memory_space<vmem>>, vector<16xi32>,
      %gather3A_993 = tpu.vector_load_idx %arg5[%get3A_992] : memref<100096xf32, #tpu.memory_space<vmem>>[vector<16xi32>], vector<16xf32>,
      %mul3A_994 = arith.mulf %mul3A_972, %gather3A_993 : vector<16xf32>
      %get3A_995 = arith.index_cast %scan3A_989 : i32 to index
      %get3A_996 = arith.constant 80 : index
      %get3A_997 = tpu.vector_load %arg6[%get3A_995, %get3A_996] {strides = array<i32>} : memref<72x128xi32, #tpu.memory_space<vmem>>, vector<16xi32>,
      %gather3A_998 = tpu.vector_load_idx %arg5[%get3A_997] : memref<100096xf32, #tpu.memory_space<vmem>>[vector<16xi32>], vector<16xf32>,
      %mul3A_999 = arith.mulf %mul3A_977, %gather3A_998 : vector<16xf32>
      %get3A_1000 = arith.index_cast %scan3A_989 : i32 to index
      %get3A_1001 = arith.constant 96 : index
      %get3A_1002 = tpu.vector_load %arg6[%get3A_1000, %get3A_1001] {strides = array<i32>} : memref<72x128xi32, #tpu.memory_space<vmem>>, vector<16xi32>,
      %gather3A_1003 = tpu.vector_load_idx %arg5[%get3A_1002] : memref<100096xf32, #tpu.memory_space<vmem>>[vector<16xi32>], vector<16xf32>,
      %mul3A_1004 = arith.mulf %mul3A_982, %gather3A_1003 : vector<16xf32>
      %get3A_1005 = arith.index_cast %scan3A_989 : i32 to index
      %get3A_1006 = arith.constant 112 : index
      %get3A_1007 = tpu.vector_load %arg6[%get3A_1005, %get3A_1006] {strides = array<i32>} : memref<72x128xi32, #tpu.memory_space<vmem>>, vector<16xi32>,
      %gather3A_1008 = tpu.vector_load_idx %arg5[%get3A_1007] : memref<100096xf32, #tpu.memory_space<vmem>>[vector<16xi32>], vector<16xf32>,
      %mul3A_1009 = arith.mulf %mul3A_987, %gather3A_1008 : vector<16xf32>
      scf.yield %mul3A_994, %mul3A_999, %mul3A_1004, %mul3A_1009 : vector<16xf32>, vector<16xf32>, vector<16xf32>, vector<16xf32>
    }
    %scan3A_647 = arith.constant 64 : i32
    %div3A_648 = arith.constant 1.000000e+00 : f32
    %div3A_649 = vector.broadcast %div3A_648 : f32 to vector<16xf32>
    %div3A_650 = arith.divf %div3A_649, %scan3A_640#0 : vector<16xf32>
    %sub3A_651 = arith.constant 1.000000e+00 : f32
    %sub3A_652 = vector.broadcast %sub3A_651 : f32 to vector<16xf32>
    %sub3A_653 = arith.subf %sub3A_652, %div3A_650 : vector<16xf32>
    %jit3A_654 = arith.constant 9.99999974E-5 : f32
    %jit3A_655 = arith.constant 0.999989986 : f32
    %max3A_656 = vector.broadcast %jit3A_654 : f32 to vector<16xf32>
    %max3A_657 = arith.maximumf %max3A_656, %sub3A_653 : vector<16xf32>
    %min3A_658 = vector.broadcast %jit3A_655 : f32 to vector<16xf32>
    %min3A_659 = arith.minimumf %min3A_658, %max3A_657 : vector<16xf32>
    %swap3A_660 = arith.constant 256 : index
    %swap3A_661 = tpu.vector_load %arg8[%swap3A_660] {strides = array<i32>} : memref<512xf32, #tpu.memory_space<vmem>>, vector<16xf32>,
    tpu.vector_store %arg8[%swap3A_660], %min3A_659 {strides = array<i32>} : memref<512xf32, #tpu.memory_space<vmem>>, vector<16xf32>,
    %div3A_662 = arith.constant 1.000000e+00 : f32
    %div3A_663 = vector.broadcast %div3A_662 : f32 to vector<16xf32>
    %div3A_664 = arith.divf %div3A_663, %scan3A_640#1 : vector<16xf32>
    %sub3A_665 = arith.constant 1.000000e+00 : f32
    %sub3A_666 = vector.broadcast %sub3A_665 : f32 to vector<16xf32>
    %sub3A_667 = arith.subf %sub3A_666, %div3A_664 : vector<16xf32>
    %jit3A_668 = arith.constant 9.99999974E-5 : f32
    %jit3A_669 = arith.constant 0.999989986 : f32
    %max3A_670 = vector.broadcast %jit3A_668 : f32 to vector<16xf32>
    %max3A_671 = arith.maximumf %max3A_670, %sub3A_667 : vector<16xf32>
    %min3A_672 = vector.broadcast %jit3A_669 : f32 to vector<16xf32>
    %min3A_673 = arith.minimumf %min3A_672, %max3A_671 : vector<16xf32>
    %swap3A_674 = arith.constant 272 : index
    %swap3A_675 = tpu.vector_load %arg8[%swap3A_674] {strides = array<i32>} : memref<512xf32, #tpu.memory_space<vmem>>, vector<16xf32>,
    tpu.vector_store %arg8[%swap3A_674], %min3A_673 {strides = array<i32>} : memref<512xf32, #tpu.memory_space<vmem>>, vector<16xf32>,
    %div3A_676 = arith.constant 1.000000e+00 : f32
    %div3A_677 = vector.broadcast %div3A_676 : f32 to vector<16xf32>
    %div3A_678 = arith.divf %div3A_677, %scan3A_640#2 : vector<16xf32>
    %sub3A_679 = arith.constant 1.000000e+00 : f32
    %sub3A_680 = vector.broadcast %sub3A_679 : f32 to vector<16xf32>
    %sub3A_681 = arith.subf %sub3A_680, %div3A_678 : vector<16xf32>
    %jit3A_682 = arith.constant 9.99999974E-5 : f32
    %jit3A_683 = arith.constant 0.999989986 : f32
    %max3A_684 = vector.broadcast %jit3A_682 : f32 to vector<16xf32>
    %max3A_685 = arith.maximumf %max3A_684, %sub3A_681 : vector<16xf32>
    %min3A_686 = vector.broadcast %jit3A_683 : f32 to vector<16xf32>
    %min3A_687 = arith.minimumf %min3A_686, %max3A_685 : vector<16xf32>
    %swap3A_688 = arith.constant 288 : index
    %swap3A_689 = tpu.vector_load %arg8[%swap3A_688] {strides = array<i32>} : memref<512xf32, #tpu.memory_space<vmem>>, vector<16xf32>,
    tpu.vector_store %arg8[%swap3A_688], %min3A_687 {strides = array<i32>} : memref<512xf32, #tpu.memory_space<vmem>>, vector<16xf32>,
    %div3A_690 = arith.constant 1.000000e+00 : f32
    %div3A_691 = vector.broadcast %div3A_690 : f32 to vector<16xf32>
    %div3A_692 = arith.divf %div3A_691, %scan3A_640#3 : vector<16xf32>
    %sub3A_693 = arith.constant 1.000000e+00 : f32
    %sub3A_694 = vector.broadcast %sub3A_693 : f32 to vector<16xf32>
    %sub3A_695 = arith.subf %sub3A_694, %div3A_692 : vector<16xf32>
    %jit3A_696 = arith.constant 9.99999974E-5 : f32
    %jit3A_697 = arith.constant 0.999989986 : f32
    %max3A_698 = vector.broadcast %jit3A_696 : f32 to vector<16xf32>
    %max3A_699 = arith.maximumf %max3A_698, %sub3A_695 : vector<16xf32>
    %min3A_700 = vector.broadcast %jit3A_697 : f32 to vector<16xf32>
    %min3A_701 = arith.minimumf %min3A_700, %max3A_699 : vector<16xf32>
    %swap3A_702 = arith.constant 304 : index
    %swap3A_703 = tpu.vector_load %arg8[%swap3A_702] {strides = array<i32>} : memref<512xf32, #tpu.memory_space<vmem>>, vector<16xf32>,
    tpu.vector_store %arg8[%swap3A_702], %min3A_701 {strides = array<i32>} : memref<512xf32, #tpu.memory_space<vmem>>, vector<16xf32>,
    %div3A_704 = arith.constant 1.000000e+00 : f32
    %div3A_705 = vector.broadcast %div3A_704 : f32 to vector<16xf32>
    %div3A_706 = arith.divf %div3A_705, %scan3A_646#0 : vector<16xf32>
    %sub3A_707 = arith.constant 1.000000e+00 : f32
    %sub3A_708 = vector.broadcast %sub3A_707 : f32 to vector<16xf32>
    %sub3A_709 = arith.subf %sub3A_708, %div3A_706 : vector<16xf32>
    %jit3A_710 = arith.constant 9.99999974E-5 : f32
    %jit3A_711 = arith.constant 0.999989986 : f32
    %max3A_712 = vector.broadcast %jit3A_710 : f32 to vector<16xf32>
    %max3A_713 = arith.maximumf %max3A_712, %sub3A_709 : vector<16xf32>
    %min3A_714 = vector.broadcast %jit3A_711 : f32 to vector<16xf32>
    %min3A_715 = arith.minimumf %min3A_714, %max3A_713 : vector<16xf32>
    %swap3A_716 = arith.constant 320 : index
    %swap3A_717 = tpu.vector_load %arg8[%swap3A_716] {strides = array<i32>} : memref<512xf32, #tpu.memory_space<vmem>>, vector<16xf32>,
    tpu.vector_store %arg8[%swap3A_716], %min3A_715 {strides = array<i32>} : memref<512xf32, #tpu.memory_space<vmem>>, vector<16xf32>,
    %div3A_718 = arith.constant 1.000000e+00 : f32
    %div3A_719 = vector.broadcast %div3A_718 : f32 to vector<16xf32>
    %div3A_720 = arith.divf %div3A_719, %scan3A_646#1 : vector<16xf32>
    %sub3A_721 = arith.constant 1.000000e+00 : f32
    %sub3A_722 = vector.broadcast %sub3A_721 : f32 to vector<16xf32>
    %sub3A_723 = arith.subf %sub3A_722, %div3A_720 : vector<16xf32>
    %jit3A_724 = arith.constant 9.99999974E-5 : f32
    %jit3A_725 = arith.constant 0.999989986 : f32
    %max3A_726 = vector.broadcast %jit3A_724 : f32 to vector<16xf32>
    %max3A_727 = arith.maximumf %max3A_726, %sub3A_723 : vector<16xf32>
    %min3A_728 = vector.broadcast %jit3A_725 : f32 to vector<16xf32>
    %min3A_729 = arith.minimumf %min3A_728, %max3A_727 : vector<16xf32>
    %swap3A_730 = arith.constant 336 : index
    %swap3A_731 = tpu.vector_load %arg8[%swap3A_730] {strides = array<i32>} : memref<512xf32, #tpu.memory_space<vmem>>, vector<16xf32>,
    tpu.vector_store %arg8[%swap3A_730], %min3A_729 {strides = array<i32>} : memref<512xf32, #tpu.memory_space<vmem>>, vector<16xf32>,
    %div3A_732 = arith.constant 1.000000e+00 : f32
    %div3A_733 = vector.broadcast %div3A_732 : f32 to vector<16xf32>
    %div3A_734 = arith.divf %div3A_733, %scan3A_646#2 : vector<16xf32>
    %sub3A_735 = arith.constant 1.000000e+00 : f32
    %sub3A_736 = vector.broadcast %sub3A_735 : f32 to vector<16xf32>
    %sub3A_737 = arith.subf %sub3A_736, %div3A_734 : vector<16xf32>
    %jit3A_738 = arith.constant 9.99999974E-5 : f32
    %jit3A_739 = arith.constant 0.999989986 : f32
    %max3A_740 = vector.broadcast %jit3A_738 : f32 to vector<16xf32>
    %max3A_741 = arith.maximumf %max3A_740, %sub3A_737 : vector<16xf32>
    %min3A_742 = vector.broadcast %jit3A_739 : f32 to vector<16xf32>
    %min3A_743 = arith.minimumf %min3A_742, %max3A_741 : vector<16xf32>
    %swap3A_744 = arith.constant 352 : index
    %swap3A_745 = tpu.vector_load %arg8[%swap3A_744] {strides = array<i32>} : memref<512xf32, #tpu.memory_space<vmem>>, vector<16xf32>,
    tpu.vector_store %arg8[%swap3A_744], %min3A_743 {strides = array<i32>} : memref<512xf32, #tpu.memory_space<vmem>>, vector<16xf32>,
    %div3A_746 = arith.constant 1.000000e+00 : f32
    %div3A_747 = vector.broadcast %div3A_746 : f32 to vector<16xf32>
    %div3A_748 = arith.divf %div3A_747, %scan3A_646#3 : vector<16xf32>
    %sub3A_749 = arith.constant 1.000000e+00 : f32
    %sub3A_750 = vector.broadcast %sub3A_749 : f32 to vector<16xf32>
    %sub3A_751 = arith.subf %sub3A_750, %div3A_748 : vector<16xf32>
    %jit3A_752 = arith.constant 9.99999974E-5 : f32
    %jit3A_753 = arith.constant 0.999989986 : f32
    %max3A_754 = vector.broadcast %jit3A_752 : f32 to vector<16xf32>
    %max3A_755 = arith.maximumf %max3A_754, %sub3A_751 : vector<16xf32>
    %min3A_756 = vector.broadcast %jit3A_753 : f32 to vector<16xf32>
    %min3A_757 = arith.minimumf %min3A_756, %max3A_755 : vector<16xf32>
    %swap3A_758 = arith.constant 368 : index
    %swap3A_759 = tpu.vector_load %arg8[%swap3A_758] {strides = array<i32>} : memref<512xf32, #tpu.memory_space<vmem>>, vector<16xf32>,
    tpu.vector_store %arg8[%swap3A_758], %min3A_757 {strides = array<i32>} : memref<512xf32, #tpu.memory_space<vmem>>, vector<16xf32>,
    %dma_wait3A_760 = arith.constant 0 : i32
    %dma_wait3A_761 = arith.constant 0 : i32
    %dma_wait3A_762 = tpu.memref_slice %arg7[%dma_wait3A_760, %dma_wait3A_761] : memref<72x128xi32, #tpu.memory_space<vmem>> -> memref<72x128xi32, #tpu.memory_space<vmem>>
    %dma_wait3A_763 = arith.constant 0 : i32
    %dma_wait3A_764 = tpu.memref_slice %arg2[%dma_wait3A_763, %add3A_625] : memref<200x16384xi32, #tpu.memory_space<hbm>> -> memref<72x128xi32, #tpu.memory_space<hbm>>
    %dma_wait3A_765 = arith.constant 0 : i32
    %dma_wait3A_766 = arith.constant 0 : i32
    %dma_wait3A_767 = tpu.memref_slice %arg7[%dma_wait3A_765, %dma_wait3A_766] : memref<72x128xi32, #tpu.memory_space<vmem>> -> memref<72x128xi32, #tpu.memory_space<vmem>>
    %dma_wait3A_768 = arith.constant 0 : i32
    %dma_wait3A_769 = tpu.memref_slice %arg2[%dma_wait3A_768, %add3A_625] : memref<200x16384xi32, #tpu.memory_space<hbm>> -> memref<72x128xi32, #tpu.memory_space<hbm>>
    tpu.wait_dma2 semaphore(%arg11 : memref<!tpu.dma_semaphore, #tpu.memory_space<semaphore_mem>>) src(%dma_wait3A_769 : memref<72x128xi32, #tpu.memory_space<hbm>>) dst(%dma_wait3A_767 : memref<72x128xi32, #tpu.memory_space<vmem>>)
    %add3A_770 = arith.constant 384 : i32
    %add3A_771 = arith.addi %mul3A_2, %add3A_770 : i32
    %dma_start3A_772 = arith.constant 0 : i32
    %dma_start3A_773 = arith.constant 0 : i32
    %dma_start3A_774 = tpu.memref_slice %arg6[%dma_start3A_772, %dma_start3A_773] : memref<72x128xi32, #tpu.memory_space<vmem>> -> memref<64x128xi32, #tpu.memory_space<vmem>>
    %dma_start3A_775 = arith.constant 72 : i32
    %dma_start3A_776 = tpu.memref_slice %arg2[%dma_start3A_775, %add3A_771] : memref<200x16384xi32, #tpu.memory_space<hbm>> -> memref<64x128xi32, #tpu.memory_space<hbm>>
    %dma_start3A_777 = arith.constant 0 : i32
    %dma_start3A_778 = arith.constant 0 : i32
    %dma_start3A_779 = tpu.memref_slice %arg6[%dma_start3A_777, %dma_start3A_778] : memref<72x128xi32, #tpu.memory_space<vmem>> -> memref<64x128xi32, #tpu.memory_space<vmem>>
    %dma_start3A_780 = arith.constant 72 : i32
    %dma_start3A_781 = tpu.memref_slice %arg2[%dma_start3A_780, %add3A_771] : memref<200x16384xi32, #tpu.memory_space<hbm>> -> memref<64x128xi32, #tpu.memory_space<hbm>>
    tpu.enqueue_dma source(%dma_start3A_781 : memref<64x128xi32, #tpu.memory_space<hbm>>) target(%dma_start3A_779 : memref<64x128xi32, #tpu.memory_space<vmem>>) target_semaphore(%arg10 : memref<!tpu.dma_semaphore, #tpu.memory_space<semaphore_mem>>)
    %broadcast_in_dim3A_782 = arith.constant 1.000000e+00 : f32
    %broadcast_in_dim3A_783 = vector.broadcast %broadcast_in_dim3A_782 : f32 to vector<16xf32>
    %scan3A_784 = arith.constant 0 : i32
    %scan3A_785 = arith.constant 72 : i32
    %scan3A_786 = arith.addi %scan3A_784, %scan3A_785 : i32
    %scan3A_787 = arith.constant 2 : i32
    %scan3A_788:4 = scf.for %scan3A_964 = %scan3A_784 to %scan3A_786 step %scan3A_787 iter_args(%scan3A_965 = %broadcast_in_dim3A_783, %scan3A_966 = %broadcast_in_dim3A_783, %scan3A_967 = %broadcast_in_dim3A_783, %scan3A_968 = %broadcast_in_dim3A_783) -> (vector<16xf32>, vector<16xf32>, vector<16xf32>, vector<16xf32>)  : i32 {
      %get3A_969 = arith.index_cast %scan3A_964 : i32 to index
      %get3A_970 = arith.constant 0 : index
      %get3A_971 = tpu.vector_load %arg7[%get3A_969, %get3A_970] {strides = array<i32>} : memref<72x128xi32, #tpu.memory_space<vmem>>, vector<16xi32>,
      %gather3A = tpu.vector_load_idx %arg5[%get3A_971] : memref<100096xf32, #tpu.memory_space<vmem>>[vector<16xi32>], vector<16xf32>,
      %mul3A_972 = arith.mulf %scan3A_965, %gather3A : vector<16xf32>
      %get3A_973 = arith.index_cast %scan3A_964 : i32 to index
      %get3A_974 = arith.constant 16 : index
      %get3A_975 = tpu.vector_load %arg7[%get3A_973, %get3A_974] {strides = array<i32>} : memref<72x128xi32, #tpu.memory_space<vmem>>, vector<16xi32>,
      %gather3A_976 = tpu.vector_load_idx %arg5[%get3A_975] : memref<100096xf32, #tpu.memory_space<vmem>>[vector<16xi32>], vector<16xf32>,
      %mul3A_977 = arith.mulf %scan3A_966, %gather3A_976 : vector<16xf32>
      %get3A_978 = arith.index_cast %scan3A_964 : i32 to index
      %get3A_979 = arith.constant 32 : index
      %get3A_980 = tpu.vector_load %arg7[%get3A_978, %get3A_979] {strides = array<i32>} : memref<72x128xi32, #tpu.memory_space<vmem>>, vector<16xi32>,
      %gather3A_981 = tpu.vector_load_idx %arg5[%get3A_980] : memref<100096xf32, #tpu.memory_space<vmem>>[vector<16xi32>], vector<16xf32>,
      %mul3A_982 = arith.mulf %scan3A_967, %gather3A_981 : vector<16xf32>
      %get3A_983 = arith.index_cast %scan3A_964 : i32 to index
      %get3A_984 = arith.constant 48 : index
      %get3A_985 = tpu.vector_load %arg7[%get3A_983, %get3A_984] {strides = array<i32>} : memref<72x128xi32, #tpu.memory_space<vmem>>, vector<16xi32>,
      %gather3A_986 = tpu.vector_load_idx %arg5[%get3A_985] : memref<100096xf32, #tpu.memory_space<vmem>>[vector<16xi32>], vector<16xf32>,
      %mul3A_987 = arith.mulf %scan3A_968, %gather3A_986 : vector<16xf32>
      %scan3A_988 = arith.constant 1 : i32
      %scan3A_989 = arith.addi %scan3A_964, %scan3A_988 : i32
      %get3A_990 = arith.index_cast %scan3A_989 : i32 to index
      %get3A_991 = arith.constant 0 : index
      %get3A_992 = tpu.vector_load %arg7[%get3A_990, %get3A_991] {strides = array<i32>} : memref<72x128xi32, #tpu.memory_space<vmem>>, vector<16xi32>,
      %gather3A_993 = tpu.vector_load_idx %arg5[%get3A_992] : memref<100096xf32, #tpu.memory_space<vmem>>[vector<16xi32>], vector<16xf32>,
      %mul3A_994 = arith.mulf %mul3A_972, %gather3A_993 : vector<16xf32>
      %get3A_995 = arith.index_cast %scan3A_989 : i32 to index
      %get3A_996 = arith.constant 16 : index
      %get3A_997 = tpu.vector_load %arg7[%get3A_995, %get3A_996] {strides = array<i32>} : memref<72x128xi32, #tpu.memory_space<vmem>>, vector<16xi32>,
      %gather3A_998 = tpu.vector_load_idx %arg5[%get3A_997] : memref<100096xf32, #tpu.memory_space<vmem>>[vector<16xi32>], vector<16xf32>,
      %mul3A_999 = arith.mulf %mul3A_977, %gather3A_998 : vector<16xf32>
      %get3A_1000 = arith.index_cast %scan3A_989 : i32 to index
      %get3A_1001 = arith.constant 32 : index
      %get3A_1002 = tpu.vector_load %arg7[%get3A_1000, %get3A_1001] {strides = array<i32>} : memref<72x128xi32, #tpu.memory_space<vmem>>, vector<16xi32>,
      %gather3A_1003 = tpu.vector_load_idx %arg5[%get3A_1002] : memref<100096xf32, #tpu.memory_space<vmem>>[vector<16xi32>], vector<16xf32>,
      %mul3A_1004 = arith.mulf %mul3A_982, %gather3A_1003 : vector<16xf32>
      %get3A_1005 = arith.index_cast %scan3A_989 : i32 to index
      %get3A_1006 = arith.constant 48 : index
      %get3A_1007 = tpu.vector_load %arg7[%get3A_1005, %get3A_1006] {strides = array<i32>} : memref<72x128xi32, #tpu.memory_space<vmem>>, vector<16xi32>,
      %gather3A_1008 = tpu.vector_load_idx %arg5[%get3A_1007] : memref<100096xf32, #tpu.memory_space<vmem>>[vector<16xi32>], vector<16xf32>,
      %mul3A_1009 = arith.mulf %mul3A_987, %gather3A_1008 : vector<16xf32>
      scf.yield %mul3A_994, %mul3A_999, %mul3A_1004, %mul3A_1009 : vector<16xf32>, vector<16xf32>, vector<16xf32>, vector<16xf32>
    }
    %scan3A_789 = arith.constant 72 : i32
    %scan3A_790 = arith.constant 0 : i32
    %scan3A_791 = arith.constant 72 : i32
    %scan3A_792 = arith.addi %scan3A_790, %scan3A_791 : i32
    %scan3A_793 = arith.constant 2 : i32
    %scan3A_794:4 = scf.for %scan3A_964 = %scan3A_790 to %scan3A_792 step %scan3A_793 iter_args(%scan3A_965 = %broadcast_in_dim3A_783, %scan3A_966 = %broadcast_in_dim3A_783, %scan3A_967 = %broadcast_in_dim3A_783, %scan3A_968 = %broadcast_in_dim3A_783) -> (vector<16xf32>, vector<16xf32>, vector<16xf32>, vector<16xf32>)  : i32 {
      %get3A_969 = arith.index_cast %scan3A_964 : i32 to index
      %get3A_970 = arith.constant 64 : index
      %get3A_971 = tpu.vector_load %arg7[%get3A_969, %get3A_970] {strides = array<i32>} : memref<72x128xi32, #tpu.memory_space<vmem>>, vector<16xi32>,
      %gather3A = tpu.vector_load_idx %arg5[%get3A_971] : memref<100096xf32, #tpu.memory_space<vmem>>[vector<16xi32>], vector<16xf32>,
      %mul3A_972 = arith.mulf %scan3A_965, %gather3A : vector<16xf32>
      %get3A_973 = arith.index_cast %scan3A_964 : i32 to index
      %get3A_974 = arith.constant 80 : index
      %get3A_975 = tpu.vector_load %arg7[%get3A_973, %get3A_974] {strides = array<i32>} : memref<72x128xi32, #tpu.memory_space<vmem>>, vector<16xi32>,
      %gather3A_976 = tpu.vector_load_idx %arg5[%get3A_975] : memref<100096xf32, #tpu.memory_space<vmem>>[vector<16xi32>], vector<16xf32>,
      %mul3A_977 = arith.mulf %scan3A_966, %gather3A_976 : vector<16xf32>
      %get3A_978 = arith.index_cast %scan3A_964 : i32 to index
      %get3A_979 = arith.constant 96 : index
      %get3A_980 = tpu.vector_load %arg7[%get3A_978, %get3A_979] {strides = array<i32>} : memref<72x128xi32, #tpu.memory_space<vmem>>, vector<16xi32>,
      %gather3A_981 = tpu.vector_load_idx %arg5[%get3A_980] : memref<100096xf32, #tpu.memory_space<vmem>>[vector<16xi32>], vector<16xf32>,
      %mul3A_982 = arith.mulf %scan3A_967, %gather3A_981 : vector<16xf32>
      %get3A_983 = arith.index_cast %scan3A_964 : i32 to index
      %get3A_984 = arith.constant 112 : index
      %get3A_985 = tpu.vector_load %arg7[%get3A_983, %get3A_984] {strides = array<i32>} : memref<72x128xi32, #tpu.memory_space<vmem>>, vector<16xi32>,
      %gather3A_986 = tpu.vector_load_idx %arg5[%get3A_985] : memref<100096xf32, #tpu.memory_space<vmem>>[vector<16xi32>], vector<16xf32>,
      %mul3A_987 = arith.mulf %scan3A_968, %gather3A_986 : vector<16xf32>
      %scan3A_988 = arith.constant 1 : i32
      %scan3A_989 = arith.addi %scan3A_964, %scan3A_988 : i32
      %get3A_990 = arith.index_cast %scan3A_989 : i32 to index
      %get3A_991 = arith.constant 64 : index
      %get3A_992 = tpu.vector_load %arg7[%get3A_990, %get3A_991] {strides = array<i32>} : memref<72x128xi32, #tpu.memory_space<vmem>>, vector<16xi32>,
      %gather3A_993 = tpu.vector_load_idx %arg5[%get3A_992] : memref<100096xf32, #tpu.memory_space<vmem>>[vector<16xi32>], vector<16xf32>,
      %mul3A_994 = arith.mulf %mul3A_972, %gather3A_993 : vector<16xf32>
      %get3A_995 = arith.index_cast %scan3A_989 : i32 to index
      %get3A_996 = arith.constant 80 : index
      %get3A_997 = tpu.vector_load %arg7[%get3A_995, %get3A_996] {strides = array<i32>} : memref<72x128xi32, #tpu.memory_space<vmem>>, vector<16xi32>,
      %gather3A_998 = tpu.vector_load_idx %arg5[%get3A_997] : memref<100096xf32, #tpu.memory_space<vmem>>[vector<16xi32>], vector<16xf32>,
      %mul3A_999 = arith.mulf %mul3A_977, %gather3A_998 : vector<16xf32>
      %get3A_1000 = arith.index_cast %scan3A_989 : i32 to index
      %get3A_1001 = arith.constant 96 : index
      %get3A_1002 = tpu.vector_load %arg7[%get3A_1000, %get3A_1001] {strides = array<i32>} : memref<72x128xi32, #tpu.memory_space<vmem>>, vector<16xi32>,
      %gather3A_1003 = tpu.vector_load_idx %arg5[%get3A_1002] : memref<100096xf32, #tpu.memory_space<vmem>>[vector<16xi32>], vector<16xf32>,
      %mul3A_1004 = arith.mulf %mul3A_982, %gather3A_1003 : vector<16xf32>
      %get3A_1005 = arith.index_cast %scan3A_989 : i32 to index
      %get3A_1006 = arith.constant 112 : index
      %get3A_1007 = tpu.vector_load %arg7[%get3A_1005, %get3A_1006] {strides = array<i32>} : memref<72x128xi32, #tpu.memory_space<vmem>>, vector<16xi32>,
      %gather3A_1008 = tpu.vector_load_idx %arg5[%get3A_1007] : memref<100096xf32, #tpu.memory_space<vmem>>[vector<16xi32>], vector<16xf32>,
      %mul3A_1009 = arith.mulf %mul3A_987, %gather3A_1008 : vector<16xf32>
      scf.yield %mul3A_994, %mul3A_999, %mul3A_1004, %mul3A_1009 : vector<16xf32>, vector<16xf32>, vector<16xf32>, vector<16xf32>
    }
    %scan3A_795 = arith.constant 72 : i32
    %dma_wait3A_796 = arith.constant 0 : i32
    %dma_wait3A_797 = arith.constant 0 : i32
    %dma_wait3A_798 = tpu.memref_slice %arg6[%dma_wait3A_796, %dma_wait3A_797] : memref<72x128xi32, #tpu.memory_space<vmem>> -> memref<64x128xi32, #tpu.memory_space<vmem>>
    %dma_wait3A_799 = arith.constant 72 : i32
    %dma_wait3A_800 = tpu.memref_slice %arg2[%dma_wait3A_799, %add3A_771] : memref<200x16384xi32, #tpu.memory_space<hbm>> -> memref<64x128xi32, #tpu.memory_space<hbm>>
    %dma_wait3A_801 = arith.constant 0 : i32
    %dma_wait3A_802 = arith.constant 0 : i32
    %dma_wait3A_803 = tpu.memref_slice %arg6[%dma_wait3A_801, %dma_wait3A_802] : memref<72x128xi32, #tpu.memory_space<vmem>> -> memref<64x128xi32, #tpu.memory_space<vmem>>
    %dma_wait3A_804 = arith.constant 72 : i32
    %dma_wait3A_805 = tpu.memref_slice %arg2[%dma_wait3A_804, %add3A_771] : memref<200x16384xi32, #tpu.memory_space<hbm>> -> memref<64x128xi32, #tpu.memory_space<hbm>>
    tpu.wait_dma2 semaphore(%arg10 : memref<!tpu.dma_semaphore, #tpu.memory_space<semaphore_mem>>) src(%dma_wait3A_805 : memref<64x128xi32, #tpu.memory_space<hbm>>) dst(%dma_wait3A_803 : memref<64x128xi32, #tpu.memory_space<vmem>>)
    %add3A_806 = arith.constant 384 : i32
    %add3A_807 = arith.addi %mul3A_2, %add3A_806 : i32
    %dma_start3A_808 = arith.constant 0 : i32
    %dma_start3A_809 = arith.constant 0 : i32
    %dma_start3A_810 = tpu.memref_slice %arg7[%dma_start3A_808, %dma_start3A_809] : memref<72x128xi32, #tpu.memory_space<vmem>> -> memref<64x128xi32, #tpu.memory_space<vmem>>
    %dma_start3A_811 = arith.constant 136 : i32
    %dma_start3A_812 = tpu.memref_slice %arg2[%dma_start3A_811, %add3A_807] : memref<200x16384xi32, #tpu.memory_space<hbm>> -> memref<64x128xi32, #tpu.memory_space<hbm>>
    %dma_start3A_813 = arith.constant 0 : i32
    %dma_start3A_814 = arith.constant 0 : i32
    %dma_start3A_815 = tpu.memref_slice %arg7[%dma_start3A_813, %dma_start3A_814] : memref<72x128xi32, #tpu.memory_space<vmem>> -> memref<64x128xi32, #tpu.memory_space<vmem>>
    %dma_start3A_816 = arith.constant 136 : i32
    %dma_start3A_817 = tpu.memref_slice %arg2[%dma_start3A_816, %add3A_807] : memref<200x16384xi32, #tpu.memory_space<hbm>> -> memref<64x128xi32, #tpu.memory_space<hbm>>
    tpu.enqueue_dma source(%dma_start3A_817 : memref<64x128xi32, #tpu.memory_space<hbm>>) target(%dma_start3A_815 : memref<64x128xi32, #tpu.memory_space<vmem>>) target_semaphore(%arg11 : memref<!tpu.dma_semaphore, #tpu.memory_space<semaphore_mem>>)
    %scan3A_818 = arith.constant 0 : i32
    %scan3A_819 = arith.constant 64 : i32
    %scan3A_820 = arith.addi %scan3A_818, %scan3A_819 : i32
    %scan3A_821 = arith.constant 2 : i32
    %scan3A_822:4 = scf.for %scan3A_964 = %scan3A_818 to %scan3A_820 step %scan3A_821 iter_args(%scan3A_965 = %scan3A_788#0, %scan3A_966 = %scan3A_788#1, %scan3A_967 = %scan3A_788#2, %scan3A_968 = %scan3A_788#3) -> (vector<16xf32>, vector<16xf32>, vector<16xf32>, vector<16xf32>)  : i32 {
      %get3A_969 = arith.index_cast %scan3A_964 : i32 to index
      %get3A_970 = arith.constant 0 : index
      %get3A_971 = tpu.vector_load %arg6[%get3A_969, %get3A_970] {strides = array<i32>} : memref<72x128xi32, #tpu.memory_space<vmem>>, vector<16xi32>,
      %gather3A = tpu.vector_load_idx %arg5[%get3A_971] : memref<100096xf32, #tpu.memory_space<vmem>>[vector<16xi32>], vector<16xf32>,
      %mul3A_972 = arith.mulf %scan3A_965, %gather3A : vector<16xf32>
      %get3A_973 = arith.index_cast %scan3A_964 : i32 to index
      %get3A_974 = arith.constant 16 : index
      %get3A_975 = tpu.vector_load %arg6[%get3A_973, %get3A_974] {strides = array<i32>} : memref<72x128xi32, #tpu.memory_space<vmem>>, vector<16xi32>,
      %gather3A_976 = tpu.vector_load_idx %arg5[%get3A_975] : memref<100096xf32, #tpu.memory_space<vmem>>[vector<16xi32>], vector<16xf32>,
      %mul3A_977 = arith.mulf %scan3A_966, %gather3A_976 : vector<16xf32>
      %get3A_978 = arith.index_cast %scan3A_964 : i32 to index
      %get3A_979 = arith.constant 32 : index
      %get3A_980 = tpu.vector_load %arg6[%get3A_978, %get3A_979] {strides = array<i32>} : memref<72x128xi32, #tpu.memory_space<vmem>>, vector<16xi32>,
      %gather3A_981 = tpu.vector_load_idx %arg5[%get3A_980] : memref<100096xf32, #tpu.memory_space<vmem>>[vector<16xi32>], vector<16xf32>,
      %mul3A_982 = arith.mulf %scan3A_967, %gather3A_981 : vector<16xf32>
      %get3A_983 = arith.index_cast %scan3A_964 : i32 to index
      %get3A_984 = arith.constant 48 : index
      %get3A_985 = tpu.vector_load %arg6[%get3A_983, %get3A_984] {strides = array<i32>} : memref<72x128xi32, #tpu.memory_space<vmem>>, vector<16xi32>,
      %gather3A_986 = tpu.vector_load_idx %arg5[%get3A_985] : memref<100096xf32, #tpu.memory_space<vmem>>[vector<16xi32>], vector<16xf32>,
      %mul3A_987 = arith.mulf %scan3A_968, %gather3A_986 : vector<16xf32>
      %scan3A_988 = arith.constant 1 : i32
      %scan3A_989 = arith.addi %scan3A_964, %scan3A_988 : i32
      %get3A_990 = arith.index_cast %scan3A_989 : i32 to index
      %get3A_991 = arith.constant 0 : index
      %get3A_992 = tpu.vector_load %arg6[%get3A_990, %get3A_991] {strides = array<i32>} : memref<72x128xi32, #tpu.memory_space<vmem>>, vector<16xi32>,
      %gather3A_993 = tpu.vector_load_idx %arg5[%get3A_992] : memref<100096xf32, #tpu.memory_space<vmem>>[vector<16xi32>], vector<16xf32>,
      %mul3A_994 = arith.mulf %mul3A_972, %gather3A_993 : vector<16xf32>
      %get3A_995 = arith.index_cast %scan3A_989 : i32 to index
      %get3A_996 = arith.constant 16 : index
      %get3A_997 = tpu.vector_load %arg6[%get3A_995, %get3A_996] {strides = array<i32>} : memref<72x128xi32, #tpu.memory_space<vmem>>, vector<16xi32>,
      %gather3A_998 = tpu.vector_load_idx %arg5[%get3A_997] : memref<100096xf32, #tpu.memory_space<vmem>>[vector<16xi32>], vector<16xf32>,
      %mul3A_999 = arith.mulf %mul3A_977, %gather3A_998 : vector<16xf32>
      %get3A_1000 = arith.index_cast %scan3A_989 : i32 to index
      %get3A_1001 = arith.constant 32 : index
      %get3A_1002 = tpu.vector_load %arg6[%get3A_1000, %get3A_1001] {strides = array<i32>} : memref<72x128xi32, #tpu.memory_space<vmem>>, vector<16xi32>,
      %gather3A_1003 = tpu.vector_load_idx %arg5[%get3A_1002] : memref<100096xf32, #tpu.memory_space<vmem>>[vector<16xi32>], vector<16xf32>,
      %mul3A_1004 = arith.mulf %mul3A_982, %gather3A_1003 : vector<16xf32>
      %get3A_1005 = arith.index_cast %scan3A_989 : i32 to index
      %get3A_1006 = arith.constant 48 : index
      %get3A_1007 = tpu.vector_load %arg6[%get3A_1005, %get3A_1006] {strides = array<i32>} : memref<72x128xi32, #tpu.memory_space<vmem>>, vector<16xi32>,
      %gather3A_1008 = tpu.vector_load_idx %arg5[%get3A_1007] : memref<100096xf32, #tpu.memory_space<vmem>>[vector<16xi32>], vector<16xf32>,
      %mul3A_1009 = arith.mulf %mul3A_987, %gather3A_1008 : vector<16xf32>
      scf.yield %mul3A_994, %mul3A_999, %mul3A_1004, %mul3A_1009 : vector<16xf32>, vector<16xf32>, vector<16xf32>, vector<16xf32>
    }
    %scan3A_823 = arith.constant 64 : i32
    %scan3A_824 = arith.constant 0 : i32
    %scan3A_825 = arith.constant 64 : i32
    %scan3A_826 = arith.addi %scan3A_824, %scan3A_825 : i32
    %scan3A_827 = arith.constant 2 : i32
    %scan3A_828:4 = scf.for %scan3A_964 = %scan3A_824 to %scan3A_826 step %scan3A_827 iter_args(%scan3A_965 = %scan3A_794#0, %scan3A_966 = %scan3A_794#1, %scan3A_967 = %scan3A_794#2, %scan3A_968 = %scan3A_794#3) -> (vector<16xf32>, vector<16xf32>, vector<16xf32>, vector<16xf32>)  : i32 {
      %get3A_969 = arith.index_cast %scan3A_964 : i32 to index
      %get3A_970 = arith.constant 64 : index
      %get3A_971 = tpu.vector_load %arg6[%get3A_969, %get3A_970] {strides = array<i32>} : memref<72x128xi32, #tpu.memory_space<vmem>>, vector<16xi32>,
      %gather3A = tpu.vector_load_idx %arg5[%get3A_971] : memref<100096xf32, #tpu.memory_space<vmem>>[vector<16xi32>], vector<16xf32>,
      %mul3A_972 = arith.mulf %scan3A_965, %gather3A : vector<16xf32>
      %get3A_973 = arith.index_cast %scan3A_964 : i32 to index
      %get3A_974 = arith.constant 80 : index
      %get3A_975 = tpu.vector_load %arg6[%get3A_973, %get3A_974] {strides = array<i32>} : memref<72x128xi32, #tpu.memory_space<vmem>>, vector<16xi32>,
      %gather3A_976 = tpu.vector_load_idx %arg5[%get3A_975] : memref<100096xf32, #tpu.memory_space<vmem>>[vector<16xi32>], vector<16xf32>,
      %mul3A_977 = arith.mulf %scan3A_966, %gather3A_976 : vector<16xf32>
      %get3A_978 = arith.index_cast %scan3A_964 : i32 to index
      %get3A_979 = arith.constant 96 : index
      %get3A_980 = tpu.vector_load %arg6[%get3A_978, %get3A_979] {strides = array<i32>} : memref<72x128xi32, #tpu.memory_space<vmem>>, vector<16xi32>,
      %gather3A_981 = tpu.vector_load_idx %arg5[%get3A_980] : memref<100096xf32, #tpu.memory_space<vmem>>[vector<16xi32>], vector<16xf32>,
      %mul3A_982 = arith.mulf %scan3A_967, %gather3A_981 : vector<16xf32>
      %get3A_983 = arith.index_cast %scan3A_964 : i32 to index
      %get3A_984 = arith.constant 112 : index
      %get3A_985 = tpu.vector_load %arg6[%get3A_983, %get3A_984] {strides = array<i32>} : memref<72x128xi32, #tpu.memory_space<vmem>>, vector<16xi32>,
      %gather3A_986 = tpu.vector_load_idx %arg5[%get3A_985] : memref<100096xf32, #tpu.memory_space<vmem>>[vector<16xi32>], vector<16xf32>,
      %mul3A_987 = arith.mulf %scan3A_968, %gather3A_986 : vector<16xf32>
      %scan3A_988 = arith.constant 1 : i32
      %scan3A_989 = arith.addi %scan3A_964, %scan3A_988 : i32
      %get3A_990 = arith.index_cast %scan3A_989 : i32 to index
      %get3A_991 = arith.constant 64 : index
      %get3A_992 = tpu.vector_load %arg6[%get3A_990, %get3A_991] {strides = array<i32>} : memref<72x128xi32, #tpu.memory_space<vmem>>, vector<16xi32>,
      %gather3A_993 = tpu.vector_load_idx %arg5[%get3A_992] : memref<100096xf32, #tpu.memory_space<vmem>>[vector<16xi32>], vector<16xf32>,
      %mul3A_994 = arith.mulf %mul3A_972, %gather3A_993 : vector<16xf32>
      %get3A_995 = arith.index_cast %scan3A_989 : i32 to index
      %get3A_996 = arith.constant 80 : index
      %get3A_997 = tpu.vector_load %arg6[%get3A_995, %get3A_996] {strides = array<i32>} : memref<72x128xi32, #tpu.memory_space<vmem>>, vector<16xi32>,
      %gather3A_998 = tpu.vector_load_idx %arg5[%get3A_997] : memref<100096xf32, #tpu.memory_space<vmem>>[vector<16xi32>], vector<16xf32>,
      %mul3A_999 = arith.mulf %mul3A_977, %gather3A_998 : vector<16xf32>
      %get3A_1000 = arith.index_cast %scan3A_989 : i32 to index
      %get3A_1001 = arith.constant 96 : index
      %get3A_1002 = tpu.vector_load %arg6[%get3A_1000, %get3A_1001] {strides = array<i32>} : memref<72x128xi32, #tpu.memory_space<vmem>>, vector<16xi32>,
      %gather3A_1003 = tpu.vector_load_idx %arg5[%get3A_1002] : memref<100096xf32, #tpu.memory_space<vmem>>[vector<16xi32>], vector<16xf32>,
      %mul3A_1004 = arith.mulf %mul3A_982, %gather3A_1003 : vector<16xf32>
      %get3A_1005 = arith.index_cast %scan3A_989 : i32 to index
      %get3A_1006 = arith.constant 112 : index
      %get3A_1007 = tpu.vector_load %arg6[%get3A_1005, %get3A_1006] {strides = array<i32>} : memref<72x128xi32, #tpu.memory_space<vmem>>, vector<16xi32>,
      %gather3A_1008 = tpu.vector_load_idx %arg5[%get3A_1007] : memref<100096xf32, #tpu.memory_space<vmem>>[vector<16xi32>], vector<16xf32>,
      %mul3A_1009 = arith.mulf %mul3A_987, %gather3A_1008 : vector<16xf32>
      scf.yield %mul3A_994, %mul3A_999, %mul3A_1004, %mul3A_1009 : vector<16xf32>, vector<16xf32>, vector<16xf32>, vector<16xf32>
    }
    %scan3A_829 = arith.constant 64 : i32
    %dma_wait3A_830 = arith.constant 0 : i32
    %dma_wait3A_831 = arith.constant 0 : i32
    %dma_wait3A_832 = tpu.memref_slice %arg7[%dma_wait3A_830, %dma_wait3A_831] : memref<72x128xi32, #tpu.memory_space<vmem>> -> memref<64x128xi32, #tpu.memory_space<vmem>>
    %dma_wait3A_833 = arith.constant 136 : i32
    %dma_wait3A_834 = tpu.memref_slice %arg2[%dma_wait3A_833, %add3A_807] : memref<200x16384xi32, #tpu.memory_space<hbm>> -> memref<64x128xi32, #tpu.memory_space<hbm>>
    %dma_wait3A_835 = arith.constant 0 : i32
    %dma_wait3A_836 = arith.constant 0 : i32
    %dma_wait3A_837 = tpu.memref_slice %arg7[%dma_wait3A_835, %dma_wait3A_836] : memref<72x128xi32, #tpu.memory_space<vmem>> -> memref<64x128xi32, #tpu.memory_space<vmem>>
    %dma_wait3A_838 = arith.constant 136 : i32
    %dma_wait3A_839 = tpu.memref_slice %arg2[%dma_wait3A_838, %add3A_807] : memref<200x16384xi32, #tpu.memory_space<hbm>> -> memref<64x128xi32, #tpu.memory_space<hbm>>
    tpu.wait_dma2 semaphore(%arg11 : memref<!tpu.dma_semaphore, #tpu.memory_space<semaphore_mem>>) src(%dma_wait3A_839 : memref<64x128xi32, #tpu.memory_space<hbm>>) dst(%dma_wait3A_837 : memref<64x128xi32, #tpu.memory_space<vmem>>)
    %scan3A_840 = arith.constant 0 : i32
    %scan3A_841 = arith.constant 64 : i32
    %scan3A_842 = arith.addi %scan3A_840, %scan3A_841 : i32
    %scan3A_843 = arith.constant 2 : i32
    %scan3A_844:4 = scf.for %scan3A_964 = %scan3A_840 to %scan3A_842 step %scan3A_843 iter_args(%scan3A_965 = %scan3A_822#0, %scan3A_966 = %scan3A_822#1, %scan3A_967 = %scan3A_822#2, %scan3A_968 = %scan3A_822#3) -> (vector<16xf32>, vector<16xf32>, vector<16xf32>, vector<16xf32>)  : i32 {
      %get3A_969 = arith.index_cast %scan3A_964 : i32 to index
      %get3A_970 = arith.constant 0 : index
      %get3A_971 = tpu.vector_load %arg7[%get3A_969, %get3A_970] {strides = array<i32>} : memref<72x128xi32, #tpu.memory_space<vmem>>, vector<16xi32>,
      %gather3A = tpu.vector_load_idx %arg5[%get3A_971] : memref<100096xf32, #tpu.memory_space<vmem>>[vector<16xi32>], vector<16xf32>,
      %mul3A_972 = arith.mulf %scan3A_965, %gather3A : vector<16xf32>
      %get3A_973 = arith.index_cast %scan3A_964 : i32 to index
      %get3A_974 = arith.constant 16 : index
      %get3A_975 = tpu.vector_load %arg7[%get3A_973, %get3A_974] {strides = array<i32>} : memref<72x128xi32, #tpu.memory_space<vmem>>, vector<16xi32>,
      %gather3A_976 = tpu.vector_load_idx %arg5[%get3A_975] : memref<100096xf32, #tpu.memory_space<vmem>>[vector<16xi32>], vector<16xf32>,
      %mul3A_977 = arith.mulf %scan3A_966, %gather3A_976 : vector<16xf32>
      %get3A_978 = arith.index_cast %scan3A_964 : i32 to index
      %get3A_979 = arith.constant 32 : index
      %get3A_980 = tpu.vector_load %arg7[%get3A_978, %get3A_979] {strides = array<i32>} : memref<72x128xi32, #tpu.memory_space<vmem>>, vector<16xi32>,
      %gather3A_981 = tpu.vector_load_idx %arg5[%get3A_980] : memref<100096xf32, #tpu.memory_space<vmem>>[vector<16xi32>], vector<16xf32>,
      %mul3A_982 = arith.mulf %scan3A_967, %gather3A_981 : vector<16xf32>
      %get3A_983 = arith.index_cast %scan3A_964 : i32 to index
      %get3A_984 = arith.constant 48 : index
      %get3A_985 = tpu.vector_load %arg7[%get3A_983, %get3A_984] {strides = array<i32>} : memref<72x128xi32, #tpu.memory_space<vmem>>, vector<16xi32>,
      %gather3A_986 = tpu.vector_load_idx %arg5[%get3A_985] : memref<100096xf32, #tpu.memory_space<vmem>>[vector<16xi32>], vector<16xf32>,
      %mul3A_987 = arith.mulf %scan3A_968, %gather3A_986 : vector<16xf32>
      %scan3A_988 = arith.constant 1 : i32
      %scan3A_989 = arith.addi %scan3A_964, %scan3A_988 : i32
      %get3A_990 = arith.index_cast %scan3A_989 : i32 to index
      %get3A_991 = arith.constant 0 : index
      %get3A_992 = tpu.vector_load %arg7[%get3A_990, %get3A_991] {strides = array<i32>} : memref<72x128xi32, #tpu.memory_space<vmem>>, vector<16xi32>,
      %gather3A_993 = tpu.vector_load_idx %arg5[%get3A_992] : memref<100096xf32, #tpu.memory_space<vmem>>[vector<16xi32>], vector<16xf32>,
      %mul3A_994 = arith.mulf %mul3A_972, %gather3A_993 : vector<16xf32>
      %get3A_995 = arith.index_cast %scan3A_989 : i32 to index
      %get3A_996 = arith.constant 16 : index
      %get3A_997 = tpu.vector_load %arg7[%get3A_995, %get3A_996] {strides = array<i32>} : memref<72x128xi32, #tpu.memory_space<vmem>>, vector<16xi32>,
      %gather3A_998 = tpu.vector_load_idx %arg5[%get3A_997] : memref<100096xf32, #tpu.memory_space<vmem>>[vector<16xi32>], vector<16xf32>,
      %mul3A_999 = arith.mulf %mul3A_977, %gather3A_998 : vector<16xf32>
      %get3A_1000 = arith.index_cast %scan3A_989 : i32 to index
      %get3A_1001 = arith.constant 32 : index
      %get3A_1002 = tpu.vector_load %arg7[%get3A_1000, %get3A_1001] {strides = array<i32>} : memref<72x128xi32, #tpu.memory_space<vmem>>, vector<16xi32>,
      %gather3A_1003 = tpu.vector_load_idx %arg5[%get3A_1002] : memref<100096xf32, #tpu.memory_space<vmem>>[vector<16xi32>], vector<16xf32>,
      %mul3A_1004 = arith.mulf %mul3A_982, %gather3A_1003 : vector<16xf32>
      %get3A_1005 = arith.index_cast %scan3A_989 : i32 to index
      %get3A_1006 = arith.constant 48 : index
      %get3A_1007 = tpu.vector_load %arg7[%get3A_1005, %get3A_1006] {strides = array<i32>} : memref<72x128xi32, #tpu.memory_space<vmem>>, vector<16xi32>,
      %gather3A_1008 = tpu.vector_load_idx %arg5[%get3A_1007] : memref<100096xf32, #tpu.memory_space<vmem>>[vector<16xi32>], vector<16xf32>,
      %mul3A_1009 = arith.mulf %mul3A_987, %gather3A_1008 : vector<16xf32>
      scf.yield %mul3A_994, %mul3A_999, %mul3A_1004, %mul3A_1009 : vector<16xf32>, vector<16xf32>, vector<16xf32>, vector<16xf32>
    }
    %scan3A_845 = arith.constant 64 : i32
    %scan3A_846 = arith.constant 0 : i32
    %scan3A_847 = arith.constant 64 : i32
    %scan3A_848 = arith.addi %scan3A_846, %scan3A_847 : i32
    %scan3A_849 = arith.constant 2 : i32
    %scan3A_850:4 = scf.for %scan3A_964 = %scan3A_846 to %scan3A_848 step %scan3A_849 iter_args(%scan3A_965 = %scan3A_828#0, %scan3A_966 = %scan3A_828#1, %scan3A_967 = %scan3A_828#2, %scan3A_968 = %scan3A_828#3) -> (vector<16xf32>, vector<16xf32>, vector<16xf32>, vector<16xf32>)  : i32 {
      %get3A_969 = arith.index_cast %scan3A_964 : i32 to index
      %get3A_970 = arith.constant 64 : index
      %get3A_971 = tpu.vector_load %arg7[%get3A_969, %get3A_970] {strides = array<i32>} : memref<72x128xi32, #tpu.memory_space<vmem>>, vector<16xi32>,
      %gather3A = tpu.vector_load_idx %arg5[%get3A_971] : memref<100096xf32, #tpu.memory_space<vmem>>[vector<16xi32>], vector<16xf32>,
      %mul3A_972 = arith.mulf %scan3A_965, %gather3A : vector<16xf32>
      %get3A_973 = arith.index_cast %scan3A_964 : i32 to index
      %get3A_974 = arith.constant 80 : index
      %get3A_975 = tpu.vector_load %arg7[%get3A_973, %get3A_974] {strides = array<i32>} : memref<72x128xi32, #tpu.memory_space<vmem>>, vector<16xi32>,
      %gather3A_976 = tpu.vector_load_idx %arg5[%get3A_975] : memref<100096xf32, #tpu.memory_space<vmem>>[vector<16xi32>], vector<16xf32>,
      %mul3A_977 = arith.mulf %scan3A_966, %gather3A_976 : vector<16xf32>
      %get3A_978 = arith.index_cast %scan3A_964 : i32 to index
      %get3A_979 = arith.constant 96 : index
      %get3A_980 = tpu.vector_load %arg7[%get3A_978, %get3A_979] {strides = array<i32>} : memref<72x128xi32, #tpu.memory_space<vmem>>, vector<16xi32>,
      %gather3A_981 = tpu.vector_load_idx %arg5[%get3A_980] : memref<100096xf32, #tpu.memory_space<vmem>>[vector<16xi32>], vector<16xf32>,
      %mul3A_982 = arith.mulf %scan3A_967, %gather3A_981 : vector<16xf32>
      %get3A_983 = arith.index_cast %scan3A_964 : i32 to index
      %get3A_984 = arith.constant 112 : index
      %get3A_985 = tpu.vector_load %arg7[%get3A_983, %get3A_984] {strides = array<i32>} : memref<72x128xi32, #tpu.memory_space<vmem>>, vector<16xi32>,
      %gather3A_986 = tpu.vector_load_idx %arg5[%get3A_985] : memref<100096xf32, #tpu.memory_space<vmem>>[vector<16xi32>], vector<16xf32>,
      %mul3A_987 = arith.mulf %scan3A_968, %gather3A_986 : vector<16xf32>
      %scan3A_988 = arith.constant 1 : i32
      %scan3A_989 = arith.addi %scan3A_964, %scan3A_988 : i32
      %get3A_990 = arith.index_cast %scan3A_989 : i32 to index
      %get3A_991 = arith.constant 64 : index
      %get3A_992 = tpu.vector_load %arg7[%get3A_990, %get3A_991] {strides = array<i32>} : memref<72x128xi32, #tpu.memory_space<vmem>>, vector<16xi32>,
      %gather3A_993 = tpu.vector_load_idx %arg5[%get3A_992] : memref<100096xf32, #tpu.memory_space<vmem>>[vector<16xi32>], vector<16xf32>,
      %mul3A_994 = arith.mulf %mul3A_972, %gather3A_993 : vector<16xf32>
      %get3A_995 = arith.index_cast %scan3A_989 : i32 to index
      %get3A_996 = arith.constant 80 : index
      %get3A_997 = tpu.vector_load %arg7[%get3A_995, %get3A_996] {strides = array<i32>} : memref<72x128xi32, #tpu.memory_space<vmem>>, vector<16xi32>,
      %gather3A_998 = tpu.vector_load_idx %arg5[%get3A_997] : memref<100096xf32, #tpu.memory_space<vmem>>[vector<16xi32>], vector<16xf32>,
      %mul3A_999 = arith.mulf %mul3A_977, %gather3A_998 : vector<16xf32>
      %get3A_1000 = arith.index_cast %scan3A_989 : i32 to index
      %get3A_1001 = arith.constant 96 : index
      %get3A_1002 = tpu.vector_load %arg7[%get3A_1000, %get3A_1001] {strides = array<i32>} : memref<72x128xi32, #tpu.memory_space<vmem>>, vector<16xi32>,
      %gather3A_1003 = tpu.vector_load_idx %arg5[%get3A_1002] : memref<100096xf32, #tpu.memory_space<vmem>>[vector<16xi32>], vector<16xf32>,
      %mul3A_1004 = arith.mulf %mul3A_982, %gather3A_1003 : vector<16xf32>
      %get3A_1005 = arith.index_cast %scan3A_989 : i32 to index
      %get3A_1006 = arith.constant 112 : index
      %get3A_1007 = tpu.vector_load %arg7[%get3A_1005, %get3A_1006] {strides = array<i32>} : memref<72x128xi32, #tpu.memory_space<vmem>>, vector<16xi32>,
      %gather3A_1008 = tpu.vector_load_idx %arg5[%get3A_1007] : memref<100096xf32, #tpu.memory_space<vmem>>[vector<16xi32>], vector<16xf32>,
      %mul3A_1009 = arith.mulf %mul3A_987, %gather3A_1008 : vector<16xf32>
      scf.yield %mul3A_994, %mul3A_999, %mul3A_1004, %mul3A_1009 : vector<16xf32>, vector<16xf32>, vector<16xf32>, vector<16xf32>
    }
    %scan3A_851 = arith.constant 64 : i32
    %div3A_852 = arith.constant 1.000000e+00 : f32
    %div3A_853 = vector.broadcast %div3A_852 : f32 to vector<16xf32>
    %div3A_854 = arith.divf %div3A_853, %scan3A_844#0 : vector<16xf32>
    %sub3A_855 = arith.constant 1.000000e+00 : f32
    %sub3A_856 = vector.broadcast %sub3A_855 : f32 to vector<16xf32>
    %sub3A_857 = arith.subf %sub3A_856, %div3A_854 : vector<16xf32>
    %jit3A_858 = arith.constant 9.99999974E-5 : f32
    %jit3A_859 = arith.constant 0.999989986 : f32
    %max3A_860 = vector.broadcast %jit3A_858 : f32 to vector<16xf32>
    %max3A_861 = arith.maximumf %max3A_860, %sub3A_857 : vector<16xf32>
    %min3A_862 = vector.broadcast %jit3A_859 : f32 to vector<16xf32>
    %min3A_863 = arith.minimumf %min3A_862, %max3A_861 : vector<16xf32>
    %swap3A_864 = arith.constant 384 : index
    %swap3A_865 = tpu.vector_load %arg8[%swap3A_864] {strides = array<i32>} : memref<512xf32, #tpu.memory_space<vmem>>, vector<16xf32>,
    tpu.vector_store %arg8[%swap3A_864], %min3A_863 {strides = array<i32>} : memref<512xf32, #tpu.memory_space<vmem>>, vector<16xf32>,
    %div3A_866 = arith.constant 1.000000e+00 : f32
    %div3A_867 = vector.broadcast %div3A_866 : f32 to vector<16xf32>
    %div3A_868 = arith.divf %div3A_867, %scan3A_844#1 : vector<16xf32>
    %sub3A_869 = arith.constant 1.000000e+00 : f32
    %sub3A_870 = vector.broadcast %sub3A_869 : f32 to vector<16xf32>
    %sub3A_871 = arith.subf %sub3A_870, %div3A_868 : vector<16xf32>
    %jit3A_872 = arith.constant 9.99999974E-5 : f32
    %jit3A_873 = arith.constant 0.999989986 : f32
    %max3A_874 = vector.broadcast %jit3A_872 : f32 to vector<16xf32>
    %max3A_875 = arith.maximumf %max3A_874, %sub3A_871 : vector<16xf32>
    %min3A_876 = vector.broadcast %jit3A_873 : f32 to vector<16xf32>
    %min3A_877 = arith.minimumf %min3A_876, %max3A_875 : vector<16xf32>
    %swap3A_878 = arith.constant 400 : index
    %swap3A_879 = tpu.vector_load %arg8[%swap3A_878] {strides = array<i32>} : memref<512xf32, #tpu.memory_space<vmem>>, vector<16xf32>,
    tpu.vector_store %arg8[%swap3A_878], %min3A_877 {strides = array<i32>} : memref<512xf32, #tpu.memory_space<vmem>>, vector<16xf32>,
    %div3A_880 = arith.constant 1.000000e+00 : f32
    %div3A_881 = vector.broadcast %div3A_880 : f32 to vector<16xf32>
    %div3A_882 = arith.divf %div3A_881, %scan3A_844#2 : vector<16xf32>
    %sub3A_883 = arith.constant 1.000000e+00 : f32
    %sub3A_884 = vector.broadcast %sub3A_883 : f32 to vector<16xf32>
    %sub3A_885 = arith.subf %sub3A_884, %div3A_882 : vector<16xf32>
    %jit3A_886 = arith.constant 9.99999974E-5 : f32
    %jit3A_887 = arith.constant 0.999989986 : f32
    %max3A_888 = vector.broadcast %jit3A_886 : f32 to vector<16xf32>
    %max3A_889 = arith.maximumf %max3A_888, %sub3A_885 : vector<16xf32>
    %min3A_890 = vector.broadcast %jit3A_887 : f32 to vector<16xf32>
    %min3A_891 = arith.minimumf %min3A_890, %max3A_889 : vector<16xf32>
    %swap3A_892 = arith.constant 416 : index
    %swap3A_893 = tpu.vector_load %arg8[%swap3A_892] {strides = array<i32>} : memref<512xf32, #tpu.memory_space<vmem>>, vector<16xf32>,
    tpu.vector_store %arg8[%swap3A_892], %min3A_891 {strides = array<i32>} : memref<512xf32, #tpu.memory_space<vmem>>, vector<16xf32>,
    %div3A_894 = arith.constant 1.000000e+00 : f32
    %div3A_895 = vector.broadcast %div3A_894 : f32 to vector<16xf32>
    %div3A_896 = arith.divf %div3A_895, %scan3A_844#3 : vector<16xf32>
    %sub3A_897 = arith.constant 1.000000e+00 : f32
    %sub3A_898 = vector.broadcast %sub3A_897 : f32 to vector<16xf32>
    %sub3A_899 = arith.subf %sub3A_898, %div3A_896 : vector<16xf32>
    %jit3A_900 = arith.constant 9.99999974E-5 : f32
    %jit3A_901 = arith.constant 0.999989986 : f32
    %max3A_902 = vector.broadcast %jit3A_900 : f32 to vector<16xf32>
    %max3A_903 = arith.maximumf %max3A_902, %sub3A_899 : vector<16xf32>
    %min3A_904 = vector.broadcast %jit3A_901 : f32 to vector<16xf32>
    %min3A_905 = arith.minimumf %min3A_904, %max3A_903 : vector<16xf32>
    %swap3A_906 = arith.constant 432 : index
    %swap3A_907 = tpu.vector_load %arg8[%swap3A_906] {strides = array<i32>} : memref<512xf32, #tpu.memory_space<vmem>>, vector<16xf32>,
    tpu.vector_store %arg8[%swap3A_906], %min3A_905 {strides = array<i32>} : memref<512xf32, #tpu.memory_space<vmem>>, vector<16xf32>,
    %div3A_908 = arith.constant 1.000000e+00 : f32
    %div3A_909 = vector.broadcast %div3A_908 : f32 to vector<16xf32>
    %div3A_910 = arith.divf %div3A_909, %scan3A_850#0 : vector<16xf32>
    %sub3A_911 = arith.constant 1.000000e+00 : f32
    %sub3A_912 = vector.broadcast %sub3A_911 : f32 to vector<16xf32>
    %sub3A_913 = arith.subf %sub3A_912, %div3A_910 : vector<16xf32>
    %jit3A_914 = arith.constant 9.99999974E-5 : f32
    %jit3A_915 = arith.constant 0.999989986 : f32
    %max3A_916 = vector.broadcast %jit3A_914 : f32 to vector<16xf32>
    %max3A_917 = arith.maximumf %max3A_916, %sub3A_913 : vector<16xf32>
    %min3A_918 = vector.broadcast %jit3A_915 : f32 to vector<16xf32>
    %min3A_919 = arith.minimumf %min3A_918, %max3A_917 : vector<16xf32>
    %swap3A_920 = arith.constant 448 : index
    %swap3A_921 = tpu.vector_load %arg8[%swap3A_920] {strides = array<i32>} : memref<512xf32, #tpu.memory_space<vmem>>, vector<16xf32>,
    tpu.vector_store %arg8[%swap3A_920], %min3A_919 {strides = array<i32>} : memref<512xf32, #tpu.memory_space<vmem>>, vector<16xf32>,
    %div3A_922 = arith.constant 1.000000e+00 : f32
    %div3A_923 = vector.broadcast %div3A_922 : f32 to vector<16xf32>
    %div3A_924 = arith.divf %div3A_923, %scan3A_850#1 : vector<16xf32>
    %sub3A_925 = arith.constant 1.000000e+00 : f32
    %sub3A_926 = vector.broadcast %sub3A_925 : f32 to vector<16xf32>
    %sub3A_927 = arith.subf %sub3A_926, %div3A_924 : vector<16xf32>
    %jit3A_928 = arith.constant 9.99999974E-5 : f32
    %jit3A_929 = arith.constant 0.999989986 : f32
    %max3A_930 = vector.broadcast %jit3A_928 : f32 to vector<16xf32>
    %max3A_931 = arith.maximumf %max3A_930, %sub3A_927 : vector<16xf32>
    %min3A_932 = vector.broadcast %jit3A_929 : f32 to vector<16xf32>
    %min3A_933 = arith.minimumf %min3A_932, %max3A_931 : vector<16xf32>
    %swap3A_934 = arith.constant 464 : index
    %swap3A_935 = tpu.vector_load %arg8[%swap3A_934] {strides = array<i32>} : memref<512xf32, #tpu.memory_space<vmem>>, vector<16xf32>,
    tpu.vector_store %arg8[%swap3A_934], %min3A_933 {strides = array<i32>} : memref<512xf32, #tpu.memory_space<vmem>>, vector<16xf32>,
    %div3A_936 = arith.constant 1.000000e+00 : f32
    %div3A_937 = vector.broadcast %div3A_936 : f32 to vector<16xf32>
    %div3A_938 = arith.divf %div3A_937, %scan3A_850#2 : vector<16xf32>
    %sub3A_939 = arith.constant 1.000000e+00 : f32
    %sub3A_940 = vector.broadcast %sub3A_939 : f32 to vector<16xf32>
    %sub3A_941 = arith.subf %sub3A_940, %div3A_938 : vector<16xf32>
    %jit3A_942 = arith.constant 9.99999974E-5 : f32
    %jit3A_943 = arith.constant 0.999989986 : f32
    %max3A_944 = vector.broadcast %jit3A_942 : f32 to vector<16xf32>
    %max3A_945 = arith.maximumf %max3A_944, %sub3A_941 : vector<16xf32>
    %min3A_946 = vector.broadcast %jit3A_943 : f32 to vector<16xf32>
    %min3A_947 = arith.minimumf %min3A_946, %max3A_945 : vector<16xf32>
    %swap3A_948 = arith.constant 480 : index
    %swap3A_949 = tpu.vector_load %arg8[%swap3A_948] {strides = array<i32>} : memref<512xf32, #tpu.memory_space<vmem>>, vector<16xf32>,
    tpu.vector_store %arg8[%swap3A_948], %min3A_947 {strides = array<i32>} : memref<512xf32, #tpu.memory_space<vmem>>, vector<16xf32>,
    %div3A_950 = arith.constant 1.000000e+00 : f32
    %div3A_951 = vector.broadcast %div3A_950 : f32 to vector<16xf32>
    %div3A_952 = arith.divf %div3A_951, %scan3A_850#3 : vector<16xf32>
    %sub3A_953 = arith.constant 1.000000e+00 : f32
    %sub3A_954 = vector.broadcast %sub3A_953 : f32 to vector<16xf32>
    %sub3A_955 = arith.subf %sub3A_954, %div3A_952 : vector<16xf32>
    %jit3A_956 = arith.constant 9.99999974E-5 : f32
    %jit3A_957 = arith.constant 0.999989986 : f32
    %max3A_958 = vector.broadcast %jit3A_956 : f32 to vector<16xf32>
    %max3A_959 = arith.maximumf %max3A_958, %sub3A_955 : vector<16xf32>
    %min3A_960 = vector.broadcast %jit3A_957 : f32 to vector<16xf32>
    %min3A_961 = arith.minimumf %min3A_960, %max3A_959 : vector<16xf32>
    %swap3A_962 = arith.constant 496 : index
    %swap3A_963 = tpu.vector_load %arg8[%swap3A_962] {strides = array<i32>} : memref<512xf32, #tpu.memory_space<vmem>>, vector<16xf32>,
    tpu.vector_store %arg8[%swap3A_962], %min3A_961 {strides = array<i32>} : memref<512xf32, #tpu.memory_space<vmem>>, vector<16xf32>,
    "tpu.region"() ({
      %run_scoped3A = tpu.sem_alloc : memref<!tpu.dma_semaphore, #tpu.memory_space<semaphore_mem>>
      %dma_start3A_964 = tpu.memref_slice %arg4[%mul3A_2] : memref<16384xf32, #tpu.memory_space<hbm>> -> memref<512xf32, #tpu.memory_space<hbm>>
      %dma_start3A_965 = tpu.memref_slice %arg4[%mul3A_2] : memref<16384xf32, #tpu.memory_space<hbm>> -> memref<512xf32, #tpu.memory_space<hbm>>
      tpu.enqueue_dma source(%arg8 : memref<512xf32, #tpu.memory_space<vmem>>) target(%dma_start3A_965 : memref<512xf32, #tpu.memory_space<hbm>>) target_semaphore(%run_scoped3A : memref<!tpu.dma_semaphore, #tpu.memory_space<semaphore_mem>>)
      %dma_wait3A_966 = tpu.memref_slice %arg4[%mul3A_2] : memref<16384xf32, #tpu.memory_space<hbm>> -> memref<512xf32, #tpu.memory_space<hbm>>
      %dma_wait3A_967 = tpu.memref_slice %arg4[%mul3A_2] : memref<16384xf32, #tpu.memory_space<hbm>> -> memref<512xf32, #tpu.memory_space<hbm>>
      tpu.wait_dma2 semaphore(%run_scoped3A : memref<!tpu.dma_semaphore, #tpu.memory_space<semaphore_mem>>) src(%arg8 : memref<512xf32, #tpu.memory_space<vmem>>) dst(%dma_wait3A_967 : memref<512xf32, #tpu.memory_space<hbm>>)
      tpu.yield
    }) : () -> ()
    return
  }
}

</mosaic_0001>

<sc_bundles>
// kernel: kernel.3.cloned.1.call-start
scs
__scs_entry_jumppad:
0x0: {  	(pc) =	sbr.rel $0x88, $3  }
0x1: {  	(tag) =	ssettag $0x0;
	lr =	simm.s32 $0x1  }
0x2: {  	[smem:$0x3F9F] =	sst lr;
	_ =	strace $0xD0000000  }
0x3: {  	_ = 	snop  }
0x4: {  	_ = 	snop  }
0x5: {  	_ = 	snop  }
0x6: {  	_ = 	snop  }
0x7: {  	_ = 	snop  }
__scs_overlays_trampoline_lowered:
0x8: {  	[smem:$0x3FAE] =	sst s0  }
0x9: {  	[smem:$0x3FAF] =	sst s1  }
0xa: {  	[smem:$0x3FB0] =	sst s2  }
0xb: {  	[smem:$0x3FB1] =	sst s3  }
0xc: {  	[smem:$0x3FB2] =	sst s4  }
0xd: {  	[smem:$0x3FB3] =	sst s5  }
0xe: {  	[smem:$0x3FB4] =	sst s6  }
0xf: {  	[smem:$0x3FB5] =	sst s7  }
0x10: {  	[smem:$0x3FB6] =	sst s8  }
0x11: {  	[smem:$0x3FB7] =	sst s9;
	s0 =	simm.s32 @!p0 $0x0  }
0x12: {  	s1 =	sld [smem:$0x3F9D];
	s0 =	simm.s32 @p0 $0x1  }
0x13: {  	[smem:$0x3FB8] =	sst s0;
	s0 =	simm.s32 @!p1 $0x0  }
0x14: {  	s2 =	sld [smem:$0x3F9C];
	s0 =	simm.s32 @p1 $0x1  }
0x15: {  	[smem:$0x3FB9] =	sst s0;
	s0 =	simm.s32 @!p2 $0x0  }
0x16: {  	s3 =	sld [smem:$0x3FDB];
	s0 =	simm.s32 @p2 $0x1  }
0x17: {  	s4 =	simm.s32 $0x1BF5;
	[smem:$0x3FBB] =	sst s0  }
0x18: {  	s0 =	sld [smem:$0x3F9E];
	_ =	swait.ge [sflag:s4], $0x0  }
0x19: {  	s7 =	sld [smem:$0x3F9F]  }
0x1a: {  	s8 =	sadd.s32 $0xFFFFE003, lr  }
0x1b: {  	s9 =	sadd.s32 $0xFFFFFEF7, lr;
	s5 =	simm.s32 $0xFFFFFFFF;
	p2 =	slt.u32 s8, $0xFFFFF086  }
0x1c: {  	p1 =	slt.u32 s9, $0xF7A;
	s5 =	simm.s32 @!p2 $0x0  }
0x1d: {  	s5 =	simm.s32 @p1 $0x1;
	p0 =	seq.s32 s7, s2  }
0x1e: {  	s7 =	smul.u32 @!p0 $0xF7A, s2;
	p2 =	seq.s32 @!p0 s5, $0x0  }
0x1f: {  	s9 =	smul.u32 $0xF7A, s1;
	s8 =	simm.s32 @!p0 $0x1BF5;
	p2 =	por !p2, p0  }
0x20: {  	[sflag:s8] =	ssyncset.s32 @!p0 $0xFFFFF086;
	s6 =	sadd.s32 @!p0 s3, s7;
	s7 =	simm.s32 @!p0 $0x108  }
0x21: {  	s3 =	sadd.s32 s3, s9;
	s6 =	sadd.s32 @!p0 $0x88, s6;
	s7 =	simm.s32 @p2 $0x1082  }
0x22: {  	[simem:s7], [sflag:s8] =	dma.local @!p0 [hbm:s6], $0xF7A  }
0x23: {  	s9 =	sor.u32 $0xD0000000, s2;
	s6 =	simm.s32 $0x108;
	_ =	swait.ge @!p0 [sflag:s8], $0x0  }
0x24: {  	s3 =	sadd.s32 $0x88, s3;
	s6 =	simm.s32 @!p1 $0x1082;
	[sflag:s4] =	ssyncset.s32 $0xFFFFF086  }
0x25: {  	[simem:s6], [sflag:s4] =	dma.local [hbm:s3], $0xF7A  }
0x26: {  	[smem:$0x3F9F] =	sst s1;
	(tag) =	ssettag s2;
	_ =	strace s9  }
0x27: {  	s1 =	sld [smem:$0x3FAF]  }
0x28: {  	s2 =	sld [smem:$0x3FB0]  }
0x29: {  	s4 =	sld [smem:$0x3FB2]  }
0x2a: {  	p0 =	seq.s32 s5, $0x0;
	s5 =	sld [smem:$0x3FB3]  }
0x2b: {  	s6 =	sld [smem:$0x3FB4]  }
0x2c: {  	s7 =	sld [smem:$0x3FB5]  }
0x2d: {  	s3 =	simm.s32 $0x108;
	s8 =	sld [smem:$0x3FB6]  }
0x2e: {  	s3 =	simm.s32 @!p0 $0x1082;
	s9 =	sld [smem:$0x3FB7]  }
0x2f: {  	lr =	sadd.s32 s0, s3;
	s0 =	sld [smem:$0x3FAE]  }
0x30: {  	s3 =	sld [smem:$0x3FB1]  }
0x31: {  	[smem:$0x3FBA] =	sst s10  }
0x32: {  	s10 =	sld [smem:$0x3FB8];
	_ =	sdelay $0x3  }
0x33: {  	p0 =	seq.s32 s10, $0x1;
	s10 =	sld [smem:$0x3FBA];
	_ =	sdelay $0x3  }
0x34: {  	[smem:$0x3FBA] =	sst s10  }
0x35: {  	s10 =	sld [smem:$0x3FB9];
	_ =	sdelay $0x3  }
0x36: {  	p1 =	seq.s32 s10, $0x1;
	s10 =	sld [smem:$0x3FBA];
	_ =	sdelay $0x3  }
0x37: {  	[smem:$0x3FBA] =	sst s10  }
0x38: {  	s10 =	sld [smem:$0x3FBB]  }
0x39: {  	_ = 	snop;
	(pc) =	sbr.ind lr, $3  }
0x3a: {  	_ = 	snop  }
0x3b: {  	_ = 	snop  }
0x3c: {  	p2 =	seq.s32 s10, $0x1;
	s10 =	sld [smem:$0x3FBA]  }
0x3d: {  	_ =	shalt  }
0x3e: {  	_ =	shalt  }
0x3f: {  	_ =	shalt  }
0x40: {  	_ =	shalt  }
0x41: {  	_ =	shalt  }
0x42: {  	_ =	shalt  }
0x43: {  	_ =	shalt  }
0x44: {  	_ =	shalt  }
0x45: {  	_ =	shalt  }
0x46: {  	_ =	shalt  }
0x47: {  	_ =	shalt  }
0x48: {  	_ =	shalt  }
0x49: {  	_ =	shalt  }
0x4a: {  	_ =	shalt  }
0x4b: {  	_ =	shalt  }
0x4c: {  	_ =	shalt  }
0x4d: {  	_ =	shalt  }
0x4e: {  	_ =	shalt  }
0x4f: {  	_ =	shalt  }
0x50: {  	_ =	shalt  }
0x51: {  	_ =	shalt  }
0x52: {  	_ =	shalt  }
0x53: {  	_ =	shalt  }
0x54: {  	_ =	shalt  }
0x55: {  	_ =	shalt  }
0x56: {  	_ =	shalt  }
0x57: {  	_ =	shalt  }
0x58: {  	_ =	shalt  }
0x59: {  	_ =	shalt  }
0x5a: {  	_ =	shalt  }
0x5b: {  	_ =	shalt  }
0x5c: {  	_ =	shalt  }
0x5d: {  	_ =	shalt  }
0x5e: {  	_ =	shalt  }
0x5f: {  	_ =	shalt  }
0x60: {  	_ =	shalt  }
0x61: {  	_ =	shalt  }
0x62: {  	_ =	shalt  }
0x63: {  	_ =	shalt  }
0x64: {  	_ =	shalt  }
0x65: {  	_ =	shalt  }
0x66: {  	_ =	shalt  }
0x67: {  	_ =	shalt  }
0x68: {  	_ =	shalt  }
0x69: {  	_ =	shalt  }
0x6a: {  	_ =	shalt  }
0x6b: {  	_ =	shalt  }
0x6c: {  	_ =	shalt  }
0x6d: {  	_ =	shalt  }
0x6e: {  	_ =	shalt  }
0x6f: {  	_ =	shalt  }
0x70: {  	_ =	shalt  }
0x71: {  	_ =	shalt  }
0x72: {  	_ =	shalt  }
0x73: {  	_ =	shalt  }
0x74: {  	_ =	shalt  }
0x75: {  	_ =	shalt  }
0x76: {  	_ =	shalt  }
0x77: {  	_ =	shalt  }
0x78: {  	_ =	shalt  }
0x79: {  	_ =	shalt  }
0x7a: {  	_ =	shalt  }
0x7b: {  	_ =	shalt  }
0x7c: {  	_ =	shalt  }
0x7d: {  	_ =	shalt  }
0x7e: {  	_ =	shalt  }
0x7f: {  	_ =	shalt  }
0x80: {  	_ =	shalt  }
0x81: {  	_ =	shalt  }
0x82: {  	_ =	shalt  }
0x83: {  	_ =	shalt  }
0x84: {  	_ =	shalt  }
0x85: {  	_ =	shalt  }
0x86: {  	_ =	shalt  }
0x87: {  	_ =	shalt  }
.Lfunc_end0:
.L_simem_size_0:
called_computation_lowered:
.L_overlay_start_0:
0x88: {  	s2 =	sld [smem:$0x3FD9]  }
0x89: {  	s3 =	sld [smem:$0x3FFE];
	_ =	sdelay $0x1  }
0x8a: {  	s1 =	srdreg.scid  }
0x8b: {  	s0 =	sand.u32 $0x1, s1  }
0x8c: {  	s17 =	sshll.u32 s0, $0xA;
	s2 =	sadd.s32 s3, s2  }
0x8d: {  	s2 =	sadd.s32 s2, s17  }
0x8e: {  	[smem:$0x3FC6] =	sst s2  }
0x8f: {  	_ = 	snop  }
0x90: {  	s2 =	sld [smem:$0x3FC9]  }
0x91: {  	s18 =	sld [smem:$0x3FD0];
	(tm) =	ssettm $0x1  }
0x92: {  	s4 =	sld [smem:$0x3FFB];
	_ =	sdelay $0x3  }
0x93: {  	_ =	strace s4  }
0x94: {  	s4 =	sld [smem:$0x3FFC];
	_ =	sdelay $0x3  }
0x95: {  	_ =	strace s4  }
0x96: {  	s4 =	sld [smem:$0x3FFD];
	_ =	sdelay $0x3  }
0x97: {  	_ =	strace s4  }
0x98: {  	_ =	strace $0x8FFFFFFF  }
0x99: {  	s19 =	sld [smem:$0x3FDB];
	_ =	sdelay $0x1  }
0x9a: {  	s5 =	simm.s32 $_scs_section_size  }
0x9b: {  	s6 =	simm.s32 $_size__tile_overlayer_lowered;
	s7 =	simm.s32 $_tile_overlayer_lowered  }
0x9c: {  	s22 =	simm.s32 $0x1BFF;
	s21 =	sshll.u32 s7, $0x1;
	s4 =	sadd.s32 s5, s19  }
0x9d: {  	s8 =	simm.s32 $0x0;
	s20 =	sshll.u32 s6, $0x1;
	s6 =	sadd.s32 s21, s4  }
0x9e: {  	[timem:s8], [sflag:s22] =	dma.local [hbm:s6], s20  }
0x9f: {  	_ =	swait.ge [sflag:s22], s20  }
0xa0: {  	s5 =	ssub.s32 $0x0, s20;
	[sflag:s22] =	ssyncset.done $0x0  }
0xa1: {  	[sflag:s22] =	ssyncadd.s32 s5;
	_ =	sdelay $0x1  }
0xa2: {  	s23 =	simm.s32 $0x1B8B  }
0xa3: {  	_ =	swait.ge [sflag:s23], $0x1  }
0xa4: {  	[sflag:s23] =	ssyncset.done $0x0  }
0xa5: {  	s25 =	simm.s32 $0x1B8E;
	s24 =	sld [smem:$0x3FFE];
	[sflag:s23] =	ssyncadd.s32 $0xFFFFFFFF  }
0xa6: {  	s26 =	simm.s32 $execute0_lowered;
	[smem:$0x3FD2] =	sst s25  }
0xa7: {  	s6 =	sshll.u32 s26, $0x1;
	_ =	strace $0x80000046;
	[dreg:$0x1] =	wrdreg $0xFFFFFFFF  }
0xa8: {  	s28 =	simm.s32 $_size_execute0_lowered;
	s4 =	sadd.s32 s4, s6;
	[dreg:$0x0] =	wrdreg $0x0  }
0xa9: {  	s6 =	sshll.u32 s28, $0x1;
	[dreg:$0x2] =	wrdreg s4  }
0xaa: {  	[dreg:$0x3] =	wrdreg s6  }
0xab: {  	[dreg:$0x4] =	wrdreg $0xC0  }
0xac: {  	_ =	task [dreg:s8], $0x5FFFF  }
0xad: {  	[dreg:$0x1] =	wrdreg $0xFFFFFFFF  }
0xae: {  	[dreg:$0x0] =	wrdreg $0x60  }
0xaf: {  	[dreg:$0x2] =	wrdreg s2  }
0xb0: {  	[dreg:$0x3] =	wrdreg s24  }
0xb1: {  	[dreg:$0x4] =	wrdreg s18  }
0xb2: {  	[dreg:$0x5] =	wrdreg $0x1D1000  }
0xb3: {  	[dreg:$0x6] =	wrdreg $0x9  }
0xb4: {  	_ =	task.clear_ibuf [dreg:s8], $0x7FFFF;
	_ =	strace $0x90000046  }
0xb5: {  	s29 =	simm.s32 $0x9;
	_ =	strace $0x80000048  }
0xb6: {  	_ =	swait.ge [sflag:s29], $0x1  }
0xb7: {  	[sflag:s29] =	ssyncadd.s32 $0xFFFFFFFF  }
0xb8: {  	_ =	strace $0x90000048  }
0xb9: {  	_ =	sfence  }
0xba: {  	s30 =	sld [smem:$0x0];
	_ =	sdelay $0x2  }
0xbb: {  	s31 =	sshll.u32 s1, $0xD;
	s1 =	sshrl.u32 s1, $0x2  }
0xbc: {  	s3 =	sand.u32 $0x4000, s31;
	s1 =	sadd.s32 s1, s30  }
0xbd: {  	s0 =	sor.u32 s3, s0;
	s1 =	sshll.u32 s1, $0x11  }
0xbe: {  	s0 =	sor.u32 s1, s0  }
0xbf: {  	s0 =	sadd.s32 $0x8F2B, s0  }
0xc0: {  	[sflag:s0] =	ssyncadd.remote.s32 $0x1  }
0xc1: {  	_ =	sfence.sel $0xFFFF  }
0xc2: {  	[dreg:$0x0] =	wrdreg $0xFFFFFFFF;
	(pc) =	sbr.abs _section_cstart, $3  }
0xc3: {  	[dreg:$0x1] =	wrdreg $0xFFFFFFFF  }
0xc4: {  	_ =	task.clear_ibuf [dreg:s8], $0x2FFFF;
	_ =	strace $0x9FFFFFFF  }
0xc5: {  	(tm) =	ssettm $0x7FFFFFFF  }
tec
execute0_lowered:
.L_overlay_start_1:
0x0: {  	(tag) =	ssettag $0x1  }
0x1: {  	s0 =	rddreg [dreg:$0x0]  }
0x2: {  	s1 =	rddreg [dreg:$0x1]  }
0x3: {  	s2 =	rddreg [dreg:$0x2]  }
0x4: {  	s9 =	rddreg [dreg:$0x3];
	s3 =	simm.s32 $0x0;
	s4 =	srdreg.scid  }
0x5: {  	s21 =	stileid.u32;
	s28 =	simm.s32 $0x1;
	s29 =	simm.s32 $0x1AB00  }
0x6: {  	s30 =	simm.s32 $0x2;
	s5 =	sand.u32 $0x1, s4;
	s4 =	smul.u32 $0x1870, s21  }
0x7: {  	[smem:$0x7FF] =	sst s3;
	s8 =	sshll.u32 s21, $0xA;
	s25 =	smul.u32 $0x61C0, s21  }
0x8: {  	s26 =	ssub.s32 $0x0, s21;
	p0 =	sne.s32 s21, $0xF;
	s6 =	ssub.s32 $0x2, s5  }
0x9: {  	_ =	strace $0x80000047;
	s5 =	sshll.u32 s5, $0x9;
	s7 =	sshrl.u32 s6, $0x1  }
0xa: {  	s19 =	sor.u32 s5, s8;
	s23 =	sshrl.u32 s4, $0x3;
	s31 =	sand.u32 $0x7FE00, s25  }
0xb: {  	s6 =	ssub.s32 s6, s7;
	s5 =	sadd.s32 s0, s19;
	s24 =	sadd.s32 s1, s23  }
0xc: {  	s7 =	sadd.s32 s4, s9;
	s19 =	sshrl.u32 s19, $0x3;
	s1 =	sand.u32 $0x7, s26  }
0xd: {  	s0 =	sshrl.u32 s25, $0x2;
	s23 =	simm.s32 $0x400;
	s25 =	simm.s32 $0x18700  }
0xe: {  	s26 =	simm.s32 $0x3;
	[dreg:$0x5] =	wrdreg s24;
	s8 =	sadd.s32 $0x24000, s5  }
0xf: {  	s9 =	sadd.s32 $0x44000, s5;
	s10 =	sadd.s32 $0x80, s5;
	s11 =	sadd.s32 $0x24080, s5  }
0x10: {  	s12 =	sadd.s32 $0x44080, s5;
	s13 =	sadd.s32 $0x100, s5;
	s14 =	sadd.s32 $0x24100, s5  }
0x11: {  	s15 =	sadd.s32 $0x44100, s5;
	s16 =	sadd.s32 $0x180, s5;
	s17 =	sadd.s32 $0x24180, s5  }
0x12: {  	s18 =	sadd.s32 $0x44180, s5;
	s19 =	sadd.s32 s2, s19;
	s1 =	sshll.u32 s1, $0x6  }
0x13: {  	s20 =	smax.u32 s6, $0x1;
	s6 =	sadd.s32 $0x40, s0;
	s1 =	sor.u32 s1, s31  }
0x14: {  	s24 =	simm.s32 $0x20000;
	s0 =	simm.s32 $0x0;
	s1 =	sshrl.u32 s1, $0x2  }
.LBB2_1:
0x15: {  	[tilespmem:s25], [sflag:$0x1] =	stream.strided.gather [hbm4b:s5+s23], $0x2400, s24, s23, $0x38;
	[tilespmem:$0x1E970] =	vst v63  }
0x16: {  	s2 =	rddreg [dreg:$0x5]  }
0x17: {  	[tilespmem:s4], [sflag:$0x3] =	stream.linear.gather [hbm4b:s2+s3], $0x1870, $0x38;
	[tilespmem:$0x1E970] =	vst v63  }
0x18: {  	_ =	swait.ge [sflag:s26], $0x1870  }
0x19: {  	[sflag:s26] =	ssyncset.done $0x0  }
0x1a: {  	[sflag:s26] =	ssyncadd.s32 $0xFFFFE790  }
0x1b: {  	v0 =	vld [tilespmem:s1+$0x0];
	_ =	sdelay $0x4  }
0x1c: {  	v0 =	vmul.f32 $1.442695020e+00, v0;
	_ =	sdelay $0x1  }
0x1d: {  	(erf) = vpow2.f32 v0;
	_ =	sdelay $0x8  }
0x1e: {  	v0 =	vpop (erf)  }
0x1f: {  	v0 =	vadd.f32 $1.000000000e+00, v0  }
0x20: {  	s31 =	simm.s32 $0x0  }
0x21: {  	s22 =	smov.u32 s6;
	s21 =	smov.u32 s1;
	s2 =	smov.u32 s6;
	[tilespmem:s1+$0x0] =	vst v0  }
.LBB2_2:
0x22: {  	s31 =	sadd.s32 $0x8, s31;
	v0 =	vld [tilespmem:s22+$0x20];
	s21 =	sadd.s32 $0x80, s21;
	s2 =	sadd.s32 $0x80, s2  }
0x23: {  	p1 =	slt.u32 s31, $0x178;
	v1 =	vld [tilespmem:s22+$0x10]  }
0x24: {  	v2 =	vld [tilespmem:s22+$0x0]  }
0x25: {  	v3 =	vld [tilespmem:s22+$0xFFFFFFD0]  }
0x26: {  	v4 =	vld [tilespmem:s22+$0xFFFFFFE0]  }
0x27: {  	v0 =	vmul.f32 $1.442695020e+00, v0;
	v5 =	vld [tilespmem:s22+$0x30]  }
0x28: {  	v6 =	vld [tilespmem:s22+$0xFFFFFFF0];
	v1 =	vmul.f32 $1.442695020e+00, v1  }
0x29: {  	v2 =	vmul.f32 $1.442695020e+00, v2;
	(erf) = vpow2.f32 v0  }
0x2a: {  	v0 =	vmul.f32 $1.442695020e+00, v3;
	(erf) = vpow2.f32 v1  }
0x2b: {  	v1 =	vmul.f32 $1.442695020e+00, v4;
	(erf) = vpow2.f32 v2  }
0x2c: {  	v2 =	vmul.f32 $1.442695020e+00, v5;
	(erf) = vpow2.f32 v0  }
0x2d: {  	v0 =	vmul.f32 $1.442695020e+00, v6;
	(erf) = vpow2.f32 v1  }
0x2e: {  	(erf) = vpow2.f32 v2  }
0x2f: {  	(erf) = vpow2.f32 v0;
	_ =	sdelay $0x2  }
0x30: {  	v0 =	vpop (erf)  }
0x31: {  	v3 =	vadd.f32 $1.000000000e+00, v0;
	v1 =	vpop (erf)  }
0x32: {  	v4 =	vadd.f32 $1.000000000e+00, v1;
	v2 =	vpop (erf)  }
0x33: {  	v5 =	vadd.f32 $1.000000000e+00, v2;
	[tilespmem:s22+$0x20] =	vst v3;
	v0 =	vpop (erf)  }
0x34: {  	v0 =	vadd.f32 $1.000000000e+00, v0;
	[tilespmem:s22+$0x10] =	vst v4;
	v1 =	vpop (erf)  }
0x35: {  	v1 =	vadd.f32 $1.000000000e+00, v1;
	[tilespmem:s22+$0x0] =	vst v5;
	v2 =	vpop (erf)  }
0x36: {  	[tilespmem:s22+$0xFFFFFFD0] =	vst v0;
	v0 =	vadd.f32 $1.000000000e+00, v2;
	v2 =	vpop (erf)  }
0x37: {  	[tilespmem:s22+$0xFFFFFFE0] =	vst v1;
	v1 =	vadd.f32 $1.000000000e+00, v2  }
0x38: {  	[tilespmem:s22+$0x30] =	vst v0  }
0x39: {  	[tilespmem:s22+$0xFFFFFFF0] =	vst v1;
	s22 =	smov.u32 s2  }
0x3a: {  	v0 =	vld [tilespmem:s21+$0x0];
	_ =	sdelay $0x4  }
0x3b: {  	v0 =	vmul.f32 $1.442695020e+00, v0;
	_ =	sdelay $0x1  }
0x3c: {  	(erf) = vpow2.f32 v0;
	_ =	sdelay $0x7  }
.Ltmp0:
0x3d: {  	(pc) =	sbr.rel @p1 .LBB2_2-.Ltmp0, $3  }
0x3e: {  	v0 =	vpop (erf)  }
0x3f: {  	v0 =	vadd.f32 $1.000000000e+00, v0;
	_ =	sdelay $0x1  }
0x40: {  	[tilespmem:s21+$0x0] =	vst v0  }
0x41: {  	v0 =	vld [tilespmem:s22+$0x20]  }
0x42: {  	v1 =	vld [tilespmem:s22+$0x10]  }
0x43: {  	v2 =	vld [tilespmem:s22+$0x0];
	_ =	sdelay $0x1  }
0x44: {  	v3 =	vld [tilespmem:s22+$0xFFFFFFD0]  }
0x45: {  	v4 =	vld [tilespmem:s22+$0xFFFFFFE0];
	v0 =	vmul.f32 $1.442695020e+00, v0  }
0x46: {  	v5 =	vld [tilespmem:s22+$0x30];
	v1 =	vmul.f32 $1.442695020e+00, v1  }
0x47: {  	v6 =	vld [tilespmem:s22+$0xFFFFFFF0];
	v2 =	vmul.f32 $1.442695020e+00, v2;
	(erf) = vpow2.f32 v0  }
0x48: {  	(erf) = vpow2.f32 v1  }
0x49: {  	(erf) = vpow2.f32 v2  }
0x4a: {  	v0 =	vmul.f32 $1.442695020e+00, v3  }
0x4b: {  	v1 =	vmul.f32 $1.442695020e+00, v4;
	v2 =	vmul.f32 $1.442695020e+00, v5  }
0x4c: {  	(erf) = vpow2.f32 v0;
	v0 =	vmul.f32 $1.442695020e+00, v6  }
0x4d: {  	(erf) = vpow2.f32 v1  }
0x4e: {  	(erf) = vpow2.f32 v2  }
0x4f: {  	(erf) = vpow2.f32 v0  }
0x50: {  	v0 =	vpop (erf)  }
0x51: {  	v0 =	vadd.f32 $1.000000000e+00, v0;
	v1 =	vpop (erf)  }
0x52: {  	v1 =	vadd.f32 $1.000000000e+00, v1;
	v2 =	vpop (erf)  }
0x53: {  	v2 =	vadd.f32 $1.000000000e+00, v2;
	_ =	sdelay $0x1  }
0x54: {  	[tilespmem:s22+$0x20] =	vst v0;
	v0 =	vpop (erf)  }
0x55: {  	[tilespmem:s22+$0x10] =	vst v1;
	v0 =	vadd.f32 $1.000000000e+00, v0;
	v1 =	vpop (erf)  }
0x56: {  	[tilespmem:s22+$0x0] =	vst v2;
	v1 =	vadd.f32 $1.000000000e+00, v1;
	v2 =	vpop (erf)  }
0x57: {  	[tilespmem:s22+$0xFFFFFFD0] =	vst v0;
	v0 =	vadd.f32 $1.000000000e+00, v2;
	v2 =	vpop (erf)  }
0x58: {  	[tilespmem:s22+$0xFFFFFFE0] =	vst v1;
	v1 =	vadd.f32 $1.000000000e+00, v2  }
0x59: {  	[tilespmem:s22+$0x30] =	vst v0  }
0x5a: {  	[tilespmem:s22+$0xFFFFFFF0] =	vst v1  }
0x5b: {  	v0 =	vld [tilespmem:s4+$0x1800]  }
0x5c: {  	v1 =	vld [tilespmem:s4+$0x1810]  }
0x5d: {  	v2 =	vld [tilespmem:s4+$0x1820]  }
0x5e: {  	v3 =	vld [tilespmem:s4+$0x1830]  }
0x5f: {  	v4 =	vld [tilespmem:s4+$0x1840]  }
0x60: {  	v5 =	vld [tilespmem:s4+$0x1850];
	v0 =	vmul.f32 $1.442695020e+00, v0  }
0x61: {  	v6 =	vld [tilespmem:s4+$0x1860];
	v1 =	vmul.f32 $1.442695020e+00, v1  }
0x62: {  	(erf) = vpow2.f32 v0;
	v0 =	vmul.f32 $1.442695020e+00, v2  }
0x63: {  	(erf) = vpow2.f32 v1;
	v1 =	vmul.f32 $1.442695020e+00, v3  }
0x64: {  	(erf) = vpow2.f32 v0;
	v0 =	vmul.f32 $1.442695020e+00, v4  }
0x65: {  	(erf) = vpow2.f32 v1;
	v1 =	vmul.f32 $1.442695020e+00, v5  }
0x66: {  	(erf) = vpow2.f32 v0;
	v0 =	vmul.f32 $1.442695020e+00, v6  }
0x67: {  	(erf) = vpow2.f32 v1  }
0x68: {  	(erf) = vpow2.f32 v0;
	_ =	sdelay $0x2  }
0x69: {  	v0 =	vpop (erf)  }
0x6a: {  	v0 =	vadd.f32 $1.000000000e+00, v0;
	v1 =	vpop (erf)  }
0x6b: {  	v1 =	vadd.f32 $1.000000000e+00, v1;
	v2 =	vpop (erf)  }
0x6c: {  	[tilespmem:s4+$0x1800] =	vst v0;
	v0 =	vadd.f32 $1.000000000e+00, v2;
	v2 =	vpop (erf)  }
0x6d: {  	[tilespmem:s4+$0x1810] =	vst v1;
	v1 =	vadd.f32 $1.000000000e+00, v2;
	v2 =	vpop (erf)  }
0x6e: {  	[tilespmem:s4+$0x1820] =	vst v0;
	v0 =	vadd.f32 $1.000000000e+00, v2;
	v2 =	vpop (erf)  }
0x6f: {  	[tilespmem:s4+$0x1830] =	vst v1;
	v1 =	vadd.f32 $1.000000000e+00, v2;
	v2 =	vpop (erf)  }
0x70: {  	[tilespmem:s4+$0x1840] =	vst v0;
	v0 =	vadd.f32 $1.000000000e+00, v2  }
0x71: {  	[tilespmem:s4+$0x1850] =	vst v1  }
0x72: {  	[tilespmem:s4+$0x1860] =	vst v0  }
0x73: {  	v0 =	vld @!p0 [tilespmem:$0x186A0];
	_ =	sdelay $0x2  }
0x74: {  	v1 =	vlaneseq.u32 @!p0  }
0x75: {  	vm0 =	veq.s32 @!p0 v1, $0x0  }
0x76: {  	v0 =	vsel @!p0 vm0, $0x3F800000, v0  }
0x77: {  	[tilespmem:$0x186A0] =	vst @!p0 v0  }
0x78: {  	[spmem:s7] =	stream.linear.scatter [tilespmem:s4], [sflag:$0x3], $0x1870, $0x38;
	[tilespmem:$0x1E970] =	vst v63  }
0x79: {  	_ =	swait.ge [sflag:s26], $0x1870  }
0x7a: {  	[sflag:s26] =	ssyncset.done $0x0  }
0x7b: {  	[sflag:s26] =	ssyncadd.s32 $0xFFFFE790  }
0x7c: {  	[bflag:$0x0] =	sbarrier.arrive $0xFFFF  }
0x7d: {  	s2 =	rddreg [dreg:$0x3]  }
0x7e: {  	[tilespmem:s3], [sflag:$0x3] =	stream.linear.gather [spmem:s2], $0x18700, $0x38;
	[tilespmem:$0x1E970] =	vst v63  }
0x7f: {  	_ =	swait.ge [sflag:s26], $0x18700  }
0x80: {  	[sflag:s26] =	ssyncset.done $0x0  }
0x81: {  	[sflag:s26] =	ssyncadd.s32 $0xFFFE7900  }
0x82: {  	_ =	swait.ge [sflag:s28], $0x2400  }
0x83: {  	[sflag:s28] =	ssyncset.done $0x0  }
0x84: {  	s31 =	simm.s32 $0x18780;
	[sflag:s28] =	ssyncadd.s32 $0xFFFFDC00  }
0x85: {  	[tilespmem:s29], [sflag:$0x2] =	stream.strided.gather [hbm4b:s8+s23], $0x2000, s24, s23, $0x38;
	[tilespmem:$0x1E970] =	vst v63  }
0x86: {  	v0 =	vld [tilespmem:s31+$0x0]  }
0x87: {  	v2 =	vld [tilespmem:s31+$0x10]  }
0x88: {  	v3 =	vld [tilespmem:s31+$0xFFFFFF80]  }
0x89: {  	v4 =	vld [tilespmem:s31+$0xFFFFFF90]  }
0x8a: {  	v5 =	vld [tilespmem:s31+$0xFFFFFFA0]  }
0x8b: {  	v6 =	vld [tilespmem:s31+$0xFFFFFFB0]  }
0x8c: {  	v7 =	vld [tilespmem:s31+$0x20]  }
0x8d: {  	v8 =	vld [tilespmem:s31+$0x30]  }
0x8e: {  	v1 =	vld.idx.msk [tilespmem:v0+s3+$0x0], $0xffff  }
0x8f: {  	v2 =	vld.idx.msk [tilespmem:v2+s3+$0x0], $0xffff  }
0x90: {  	v12 =	vld.idx.msk [tilespmem:v3+s3+$0x0], $0xffff  }
0x91: {  	v15 =	vld.idx.msk [tilespmem:v4+s3+$0x0], $0xffff  }
0x92: {  	v11 =	vld.idx.msk [tilespmem:v5+s3+$0x0], $0xffff  }
0x93: {  	v14 =	vld.idx.msk [tilespmem:v6+s3+$0x0], $0xffff  }
0x94: {  	v0 =	vimm.f32 $1.000000000e+00;
	v9 =	vld.idx.msk [tilespmem:v7+s3+$0x0], $0xffff;
	v3 =	vimm.f32 $1.000000000e+00  }
0x95: {  	s21 =	simm.s32 $0x18880;
	s2 =	simm.s32 $0x0;
	v10 =	vld.idx.msk [tilespmem:v8+s3+$0x0], $0xffff;
	v4 =	vimm.f32 $1.000000000e+00;
	v7 =	vimm.f32 $1.000000000e+00;
	v8 =	vimm.f32 $1.000000000e+00  }
.LBB2_4:
0x96: {  	v5 =	vld [tilespmem:s21+$0x0]  }
0x97: {  	v6 =	vld [tilespmem:s21+$0x10]  }
0x98: {  	v3 =	vmul.f32 v12, v3;
	v4 =	vmul.f32 v15, v4;
	v13 =	vld [tilespmem:s21+$0xFFFFFF80]  }
0x99: {  	v7 =	vmul.f32 v11, v7;
	v8 =	vmul.f32 v14, v8;
	v15 =	vld [tilespmem:s21+$0xFFFFFF90]  }
0x9a: {  	v3 =	vmul.f32 v1, v3;
	v4 =	vmul.f32 v2, v4;
	v11 =	vld [tilespmem:s21+$0xFFFFFFA0]  }
0x9b: {  	s2 =	sadd.s32 $0x2, s2;
	s22 =	simm.s32 $0x187C0;
	v7 =	vmul.f32 v9, v7;
	v8 =	vmul.f32 v10, v8;
	v14 =	vld [tilespmem:s21+$0xFFFFFFB0]  }
0x9c: {  	p1 =	slt.u32 s2, $0x46;
	v9 =	vld [tilespmem:s21+$0x20]  }
0x9d: {  	v10 =	vld [tilespmem:s21+$0x30]  }
0x9e: {  	v1 =	vld.idx.msk [tilespmem:v5+s3+$0x0], $0xffff  }
0x9f: {  	v2 =	vld.idx.msk [tilespmem:v6+s3+$0x0], $0xffff  }
0xa0: {  	v12 =	vld.idx.msk [tilespmem:v13+s3+$0x0], $0xffff  }
.Ltmp1:
0xa1: {  	v15 =	vld.idx.msk [tilespmem:v15+s3+$0x0], $0xffff;
	(pc) =	sbr.rel @p1 .LBB2_4-.Ltmp1, $4  }
0xa2: {  	v11 =	vld.idx.msk [tilespmem:v11+s3+$0x0], $0xffff  }
0xa3: {  	v14 =	vld.idx.msk [tilespmem:v14+s3+$0x0], $0xffff  }
0xa4: {  	v9 =	vld.idx.msk [tilespmem:v9+s3+$0x0], $0xffff  }
0xa5: {  	s21 =	sadd.s32 $0x100, s21;
	v10 =	vld.idx.msk [tilespmem:v10+s3+$0x0], $0xffff  }
0xa6: {  	v5 =	vld [tilespmem:s22+$0x0]  }
0xa7: {  	v6 =	vld [tilespmem:s22+$0x10]  }
0xa8: {  	v13 =	vld [tilespmem:s22+$0xFFFFFF80]  }
0xa9: {  	v16 =	vld [tilespmem:s22+$0xFFFFFF90]  }
0xaa: {  	v17 =	vld [tilespmem:s22+$0xFFFFFFA0]  }
0xab: {  	v18 =	vld [tilespmem:s22+$0xFFFFFFB0]  }
0xac: {  	v19 =	vld [tilespmem:s22+$0x20]  }
0xad: {  	v20 =	vld [tilespmem:s22+$0x30]  }
0xae: {  	v5 =	vld.idx.msk [tilespmem:v5+s3+$0x0], $0xffff  }
0xaf: {  	v6 =	vld.idx.msk [tilespmem:v6+s3+$0x0], $0xffff  }
0xb0: {  	v13 =	vld.idx.msk [tilespmem:v13+s3+$0x0], $0xffff  }
0xb1: {  	v3 =	vmul.f32 v12, v3;
	v4 =	vmul.f32 v15, v4;
	v15 =	vld.idx.msk [tilespmem:v16+s3+$0x0], $0xffff  }
0xb2: {  	v7 =	vmul.f32 v11, v7;
	v16 =	vld.idx.msk [tilespmem:v17+s3+$0x0], $0xffff  }
0xb3: {  	v8 =	vmul.f32 v14, v8;
	v1 =	vmul.f32 v1, v3;
	v17 =	vld.idx.msk [tilespmem:v18+s3+$0x0], $0xffff  }
0xb4: {  	v2 =	vmul.f32 v2, v4;
	v3 =	vmul.f32 v9, v7;
	v7 =	vimm.f32 $1.000000000e+00;
	v12 =	vld.idx.msk [tilespmem:v19+s3+$0x0], $0xffff  }
0xb5: {  	s2 =	simm.s32 $0x0;
	s21 =	simm.s32 $0x188C0;
	v9 =	vimm.f32 $1.000000000e+00;
	v4 =	vmul.f32 v10, v8;
	v8 =	vimm.f32 $1.000000000e+00;
	v14 =	vld.idx.msk [tilespmem:v20+s3+$0x0], $0xffff  }
.LBB2_6:
0xb6: {  	v10 =	vld [tilespmem:s21+$0x0]  }
0xb7: {  	v11 =	vld [tilespmem:s21+$0x10]  }
0xb8: {  	v0 =	vmul.f32 v13, v0;
	v7 =	vmul.f32 v15, v7;
	v18 =	vld [tilespmem:s21+$0xFFFFFF80]  }
0xb9: {  	v8 =	vmul.f32 v16, v8;
	v9 =	vmul.f32 v17, v9;
	v15 =	vld [tilespmem:s21+$0xFFFFFF90]  }
0xba: {  	v0 =	vmul.f32 v5, v0;
	v7 =	vmul.f32 v6, v7;
	v16 =	vld [tilespmem:s21+$0xFFFFFFA0]  }
0xbb: {  	s2 =	sadd.s32 $0x2, s2;
	v8 =	vmul.f32 v12, v8;
	v9 =	vmul.f32 v14, v9;
	v17 =	vld [tilespmem:s21+$0xFFFFFFB0]  }
0xbc: {  	p1 =	slt.u32 s2, $0x46;
	v12 =	vld [tilespmem:s21+$0x20]  }
0xbd: {  	v14 =	vld [tilespmem:s21+$0x30]  }
0xbe: {  	v5 =	vld.idx.msk [tilespmem:v10+s3+$0x0], $0xffff  }
0xbf: {  	v6 =	vld.idx.msk [tilespmem:v11+s3+$0x0], $0xffff  }
0xc0: {  	v13 =	vld.idx.msk [tilespmem:v18+s3+$0x0], $0xffff  }
.Ltmp2:
0xc1: {  	v15 =	vld.idx.msk [tilespmem:v15+s3+$0x0], $0xffff;
	(pc) =	sbr.rel @p1 .LBB2_6-.Ltmp2, $4  }
0xc2: {  	v16 =	vld.idx.msk [tilespmem:v16+s3+$0x0], $0xffff  }
0xc3: {  	v17 =	vld.idx.msk [tilespmem:v17+s3+$0x0], $0xffff  }
0xc4: {  	v12 =	vld.idx.msk [tilespmem:v12+s3+$0x0], $0xffff  }
0xc5: {  	s21 =	sadd.s32 $0x100, s21;
	v14 =	vld.idx.msk [tilespmem:v14+s3+$0x0], $0xffff  }
0xc6: {  	_ =	swait.ge [sflag:s30], $0x2000  }
0xc7: {  	[sflag:s30] =	ssyncset.done $0x0  }
0xc8: {  	s2 =	simm.s32 $0x1AB80;
	[sflag:s30] =	ssyncadd.s32 $0xFFFFE000  }
0xc9: {  	[tilespmem:s25], [sflag:$0x1] =	stream.strided.gather [hbm4b:s9+s23], $0x2000, s24, s23, $0x38;
	[tilespmem:$0x1E970] =	vst v63  }
0xca: {  	v10 =	vld [tilespmem:s2+$0x0]  }
0xcb: {  	v11 =	vld [tilespmem:s2+$0x10]  }
0xcc: {  	v18 =	vld [tilespmem:s2+$0xFFFFFF80]  }
0xcd: {  	v19 =	vld [tilespmem:s2+$0xFFFFFF90]  }
0xce: {  	v20 =	vld [tilespmem:s2+$0xFFFFFFA0]  }
0xcf: {  	v21 =	vld [tilespmem:s2+$0xFFFFFFB0]  }
0xd0: {  	v22 =	vld [tilespmem:s2+$0x20]  }
0xd1: {  	v23 =	vld [tilespmem:s2+$0x30]  }
0xd2: {  	v10 =	vld.idx.msk [tilespmem:v10+s3+$0x0], $0xffff  }
0xd3: {  	v11 =	vld.idx.msk [tilespmem:v11+s3+$0x0], $0xffff  }
0xd4: {  	v18 =	vld.idx.msk [tilespmem:v18+s3+$0x0], $0xffff  }
0xd5: {  	v19 =	vld.idx.msk [tilespmem:v19+s3+$0x0], $0xffff  }
0xd6: {  	v0 =	vmul.f32 v13, v0;
	v7 =	vmul.f32 v15, v7;
	v20 =	vld.idx.msk [tilespmem:v20+s3+$0x0], $0xffff  }
0xd7: {  	v8 =	vmul.f32 v16, v8;
	v9 =	vmul.f32 v17, v9;
	v21 =	vld.idx.msk [tilespmem:v21+s3+$0x0], $0xffff  }
0xd8: {  	v0 =	vmul.f32 v5, v0;
	v5 =	vmul.f32 v6, v7;
	v15 =	vld.idx.msk [tilespmem:v22+s3+$0x0], $0xffff  }
0xd9: {  	s21 =	simm.s32 $0x1AC80;
	v6 =	vmul.f32 v12, v8;
	v7 =	vmul.f32 v14, v9;
	s2 =	simm.s32 $0x0;
	v14 =	vld.idx.msk [tilespmem:v23+s3+$0x0], $0xffff  }
.LBB2_8:
0xda: {  	v8 =	vld [tilespmem:s21+$0x0]  }
0xdb: {  	v9 =	vld [tilespmem:s21+$0x10]  }
0xdc: {  	v1 =	vmul.f32 v18, v1;
	v2 =	vmul.f32 v19, v2;
	v12 =	vld [tilespmem:s21+$0xFFFFFF80]  }
0xdd: {  	v3 =	vmul.f32 v20, v3;
	v4 =	vmul.f32 v21, v4;
	v13 =	vld [tilespmem:s21+$0xFFFFFF90]  }
0xde: {  	v1 =	vmul.f32 v10, v1;
	v2 =	vmul.f32 v11, v2;
	v16 =	vld [tilespmem:s21+$0xFFFFFFA0]  }
0xdf: {  	s2 =	sadd.s32 $0x2, s2;
	s22 =	simm.s32 $0x1ABC0;
	v3 =	vmul.f32 v15, v3;
	v4 =	vmul.f32 v14, v4;
	v17 =	vld [tilespmem:s21+$0xFFFFFFB0]  }
0xe0: {  	p1 =	slt.u32 s2, $0x3E;
	v14 =	vld [tilespmem:s21+$0x20]  }
0xe1: {  	v22 =	vld [tilespmem:s21+$0x30]  }
0xe2: {  	v10 =	vld.idx.msk [tilespmem:v8+s3+$0x0], $0xffff  }
0xe3: {  	v11 =	vld.idx.msk [tilespmem:v9+s3+$0x0], $0xffff  }
0xe4: {  	v18 =	vld.idx.msk [tilespmem:v12+s3+$0x0], $0xffff  }
.Ltmp3:
0xe5: {  	v19 =	vld.idx.msk [tilespmem:v13+s3+$0x0], $0xffff;
	(pc) =	sbr.rel @p1 .LBB2_8-.Ltmp3, $4  }
0xe6: {  	v20 =	vld.idx.msk [tilespmem:v16+s3+$0x0], $0xffff  }
0xe7: {  	v21 =	vld.idx.msk [tilespmem:v17+s3+$0x0], $0xffff  }
0xe8: {  	v15 =	vld.idx.msk [tilespmem:v14+s3+$0x0], $0xffff  }
0xe9: {  	s21 =	sadd.s32 $0x100, s21;
	v14 =	vld.idx.msk [tilespmem:v22+s3+$0x0], $0xffff  }
0xea: {  	v8 =	vld [tilespmem:s22+$0x0]  }
0xeb: {  	v9 =	vld [tilespmem:s22+$0x10]  }
0xec: {  	v12 =	vld [tilespmem:s22+$0xFFFFFF80]  }
0xed: {  	v16 =	vld [tilespmem:s22+$0xFFFFFF90]  }
0xee: {  	v17 =	vld [tilespmem:s22+$0xFFFFFFA0]  }
0xef: {  	v22 =	vld [tilespmem:s22+$0xFFFFFFB0]  }
0xf0: {  	v23 =	vld [tilespmem:s22+$0x20]  }
0xf1: {  	v24 =	vld [tilespmem:s22+$0x30]  }
0xf2: {  	v8 =	vld.idx.msk [tilespmem:v8+s3+$0x0], $0xffff  }
0xf3: {  	v9 =	vld.idx.msk [tilespmem:v9+s3+$0x0], $0xffff  }
0xf4: {  	v13 =	vld.idx.msk [tilespmem:v12+s3+$0x0], $0xffff  }
0xf5: {  	v16 =	vld.idx.msk [tilespmem:v16+s3+$0x0], $0xffff  }
0xf6: {  	v1 =	vmul.f32 v18, v1;
	v2 =	vmul.f32 v19, v2;
	v17 =	vld.idx.msk [tilespmem:v17+s3+$0x0], $0xffff  }
0xf7: {  	v3 =	vmul.f32 v20, v3;
	v4 =	vmul.f32 v21, v4;
	v18 =	vld.idx.msk [tilespmem:v22+s3+$0x0], $0xffff  }
0xf8: {  	v1 =	vmul.f32 v10, v1;
	v2 =	vmul.f32 v11, v2;
	v12 =	vld.idx.msk [tilespmem:v23+s3+$0x0], $0xffff  }
0xf9: {  	s2 =	simm.s32 $0x0;
	s21 =	simm.s32 $0x1ACC0;
	v3 =	vmul.f32 v15, v3;
	v4 =	vmul.f32 v14, v4;
	v14 =	vld.idx.msk [tilespmem:v24+s3+$0x0], $0xffff  }
.LBB2_10:
0xfa: {  	v10 =	vld [tilespmem:s21+$0x0]  }
0xfb: {  	v11 =	vld [tilespmem:s21+$0x10]  }
0xfc: {  	v0 =	vmul.f32 v13, v0;
	v5 =	vmul.f32 v16, v5;
	v15 =	vld [tilespmem:s21+$0xFFFFFF80]  }
0xfd: {  	v6 =	vmul.f32 v17, v6;
	v7 =	vmul.f32 v18, v7;
	v16 =	vld [tilespmem:s21+$0xFFFFFF90]  }
0xfe: {  	v0 =	vmul.f32 v8, v0;
	v5 =	vmul.f32 v9, v5;
	v17 =	vld [tilespmem:s21+$0xFFFFFFA0]  }
0xff: {  	s2 =	sadd.s32 $0x2, s2;
	v6 =	vmul.f32 v12, v6;
	v7 =	vmul.f32 v14, v7;
	v18 =	vld [tilespmem:s21+$0xFFFFFFB0]  }
0x100: {  	p1 =	slt.u32 s2, $0x3E;
	v12 =	vld [tilespmem:s21+$0x20]  }
0x101: {  	v14 =	vld [tilespmem:s21+$0x30]  }
0x102: {  	v8 =	vld.idx.msk [tilespmem:v10+s3+$0x0], $0xffff  }
0x103: {  	v9 =	vld.idx.msk [tilespmem:v11+s3+$0x0], $0xffff  }
0x104: {  	v13 =	vld.idx.msk [tilespmem:v15+s3+$0x0], $0xffff  }
.Ltmp4:
0x105: {  	v16 =	vld.idx.msk [tilespmem:v16+s3+$0x0], $0xffff;
	(pc) =	sbr.rel @p1 .LBB2_10-.Ltmp4, $4  }
0x106: {  	v17 =	vld.idx.msk [tilespmem:v17+s3+$0x0], $0xffff  }
0x107: {  	v18 =	vld.idx.msk [tilespmem:v18+s3+$0x0], $0xffff  }
0x108: {  	v12 =	vld.idx.msk [tilespmem:v12+s3+$0x0], $0xffff  }
0x109: {  	s21 =	sadd.s32 $0x100, s21;
	v14 =	vld.idx.msk [tilespmem:v14+s3+$0x0], $0xffff  }
0x10a: {  	_ =	swait.ge [sflag:s28], $0x2000  }
0x10b: {  	[sflag:s28] =	ssyncset.done $0x0  }
0x10c: {  	s2 =	simm.s32 $0x18780;
	[sflag:s28] =	ssyncadd.s32 $0xFFFFE000  }
0x10d: {  	[tilespmem:s29], [sflag:$0x2] =	stream.strided.gather [hbm4b:s10+s23], $0x2400, s24, s23, $0x38;
	[tilespmem:$0x1E970] =	vst v63  }
0x10e: {  	v10 =	vld [tilespmem:s2+$0x0]  }
0x10f: {  	v11 =	vld [tilespmem:s2+$0x10]  }
0x110: {  	v15 =	vld [tilespmem:s2+$0xFFFFFF80]  }
0x111: {  	v19 =	vld [tilespmem:s2+$0xFFFFFF90]  }
0x112: {  	v20 =	vld [tilespmem:s2+$0xFFFFFFA0]  }
0x113: {  	v21 =	vld [tilespmem:s2+$0xFFFFFFB0]  }
0x114: {  	v22 =	vld [tilespmem:s2+$0x20]  }
0x115: {  	v23 =	vld [tilespmem:s2+$0x30]  }
0x116: {  	v10 =	vld.idx.msk [tilespmem:v10+s3+$0x0], $0xffff  }
0x117: {  	v11 =	vld.idx.msk [tilespmem:v11+s3+$0x0], $0xffff  }
0x118: {  	v15 =	vld.idx.msk [tilespmem:v15+s3+$0x0], $0xffff  }
0x119: {  	v19 =	vld.idx.msk [tilespmem:v19+s3+$0x0], $0xffff  }
0x11a: {  	v0 =	vmul.f32 v13, v0;
	v5 =	vmul.f32 v16, v5;
	v16 =	vld.idx.msk [tilespmem:v20+s3+$0x0], $0xffff  }
0x11b: {  	v6 =	vmul.f32 v17, v6;
	v18 =	vmul.f32 v18, v7;
	v17 =	vld.idx.msk [tilespmem:v21+s3+$0x0], $0xffff  }
0x11c: {  	v0 =	vmul.f32 v8, v0;
	v5 =	vmul.f32 v9, v5;
	v13 =	vld.idx.msk [tilespmem:v22+s3+$0x0], $0xffff  }
0x11d: {  	s21 =	simm.s32 $0x18880;
	v7 =	vmul.f32 v12, v6;
	v6 =	vmul.f32 v14, v18;
	s2 =	simm.s32 $0x0;
	v12 =	vld.idx.msk [tilespmem:v23+s3+$0x0], $0xffff  }
.LBB2_12:
0x11e: {  	v8 =	vld [tilespmem:s21+$0x0]  }
0x11f: {  	v9 =	vld [tilespmem:s21+$0x10]  }
0x120: {  	v1 =	vmul.f32 v15, v1;
	v2 =	vmul.f32 v19, v2;
	v14 =	vld [tilespmem:s21+$0xFFFFFF80]  }
0x121: {  	v3 =	vmul.f32 v16, v3;
	v4 =	vmul.f32 v17, v4;
	v18 =	vld [tilespmem:s21+$0xFFFFFF90]  }
0x122: {  	v1 =	vmul.f32 v10, v1;
	v2 =	vmul.f32 v11, v2;
	v16 =	vld [tilespmem:s21+$0xFFFFFFA0]  }
0x123: {  	s2 =	sadd.s32 $0x2, s2;
	v3 =	vmul.f32 v13, v3;
	v4 =	vmul.f32 v12, v4;
	v17 =	vld [tilespmem:s21+$0xFFFFFFB0]  }
0x124: {  	p1 =	slt.u32 s2, $0x3E;
	v12 =	vld [tilespmem:s21+$0x20]  }
0x125: {  	v20 =	vld [tilespmem:s21+$0x30]  }
0x126: {  	v10 =	vld.idx.msk [tilespmem:v8+s3+$0x0], $0xffff  }
0x127: {  	v11 =	vld.idx.msk [tilespmem:v9+s3+$0x0], $0xffff  }
0x128: {  	v15 =	vld.idx.msk [tilespmem:v14+s3+$0x0], $0xffff  }
.Ltmp5:
0x129: {  	v19 =	vld.idx.msk [tilespmem:v18+s3+$0x0], $0xffff;
	(pc) =	sbr.rel @p1 .LBB2_12-.Ltmp5, $4  }
0x12a: {  	v16 =	vld.idx.msk [tilespmem:v16+s3+$0x0], $0xffff  }
0x12b: {  	v17 =	vld.idx.msk [tilespmem:v17+s3+$0x0], $0xffff  }
0x12c: {  	v13 =	vld.idx.msk [tilespmem:v12+s3+$0x0], $0xffff  }
0x12d: {  	s21 =	sadd.s32 $0x100, s21;
	v12 =	vld.idx.msk [tilespmem:v20+s3+$0x0], $0xffff  }
0x12e: {  	s2 =	simm.s32 $0x187C0  }
0x12f: {  	v8 =	vld [tilespmem:s2+$0x0]  }
0x130: {  	v9 =	vld [tilespmem:s2+$0x10]  }
0x131: {  	v14 =	vld [tilespmem:s2+$0xFFFFFF80]  }
0x132: {  	v18 =	vld [tilespmem:s2+$0xFFFFFF90]  }
0x133: {  	v20 =	vld [tilespmem:s2+$0xFFFFFFA0]  }
0x134: {  	v21 =	vld [tilespmem:s2+$0xFFFFFFB0]  }
0x135: {  	v22 =	vld [tilespmem:s2+$0x20]  }
0x136: {  	v23 =	vld [tilespmem:s2+$0x30]  }
0x137: {  	v8 =	vld.idx.msk [tilespmem:v8+s3+$0x0], $0xffff  }
0x138: {  	v9 =	vld.idx.msk [tilespmem:v9+s3+$0x0], $0xffff  }
0x139: {  	v14 =	vld.idx.msk [tilespmem:v14+s3+$0x0], $0xffff  }
0x13a: {  	v18 =	vld.idx.msk [tilespmem:v18+s3+$0x0], $0xffff  }
0x13b: {  	v1 =	vmul.f32 v15, v1;
	v2 =	vmul.f32 v19, v2;
	v15 =	vld.idx.msk [tilespmem:v20+s3+$0x0], $0xffff  }
0x13c: {  	v3 =	vmul.f32 v16, v3;
	v17 =	vmul.f32 v17, v4;
	v16 =	vld.idx.msk [tilespmem:v21+s3+$0x0], $0xffff  }
0x13d: {  	v4 =	vmul.f32 v10, v1;
	v2 =	vmul.f32 v11, v2;
	v10 =	vld.idx.msk [tilespmem:v22+s3+$0x0], $0xffff  }
0x13e: {  	s21 =	simm.s32 $0x188C0;
	s2 =	simm.s32 $0x0;
	v3 =	vmul.f32 v13, v3;
	v1 =	vmul.f32 v12, v17;
	v11 =	vld.idx.msk [tilespmem:v23+s3+$0x0], $0xffff  }
.LBB2_14:
0x13f: {  	v12 =	vld [tilespmem:s21+$0x0]  }
0x140: {  	v13 =	vld [tilespmem:s21+$0x10]  }
0x141: {  	v0 =	vmul.f32 v14, v0;
	v5 =	vmul.f32 v18, v5;
	v17 =	vld [tilespmem:s21+$0xFFFFFF80]  }
0x142: {  	v7 =	vmul.f32 v15, v7;
	v6 =	vmul.f32 v16, v6;
	v18 =	vld [tilespmem:s21+$0xFFFFFF90]  }
0x143: {  	v0 =	vmul.f32 v8, v0;
	v5 =	vmul.f32 v9, v5;
	v15 =	vld [tilespmem:s21+$0xFFFFFFA0]  }
0x144: {  	s2 =	sadd.s32 $0x2, s2;
	v7 =	vmul.f32 v10, v7;
	v6 =	vmul.f32 v11, v6;
	v16 =	vld [tilespmem:s21+$0xFFFFFFB0]  }
0x145: {  	p1 =	slt.u32 s2, $0x3E;
	v10 =	vld [tilespmem:s21+$0x20]  }
0x146: {  	v11 =	vld [tilespmem:s21+$0x30]  }
0x147: {  	v8 =	vld.idx.msk [tilespmem:v12+s3+$0x0], $0xffff  }
0x148: {  	v9 =	vld.idx.msk [tilespmem:v13+s3+$0x0], $0xffff  }
0x149: {  	v14 =	vld.idx.msk [tilespmem:v17+s3+$0x0], $0xffff  }
.Ltmp6:
0x14a: {  	v18 =	vld.idx.msk [tilespmem:v18+s3+$0x0], $0xffff;
	(pc) =	sbr.rel @p1 .LBB2_14-.Ltmp6, $4  }
0x14b: {  	v15 =	vld.idx.msk [tilespmem:v15+s3+$0x0], $0xffff  }
0x14c: {  	v16 =	vld.idx.msk [tilespmem:v16+s3+$0x0], $0xffff  }
0x14d: {  	v10 =	vld.idx.msk [tilespmem:v10+s3+$0x0], $0xffff  }
0x14e: {  	s21 =	sadd.s32 $0x100, s21;
	v11 =	vld.idx.msk [tilespmem:v11+s3+$0x0], $0xffff  }
0x14f: {  	v0 =	vmul.f32 v14, v0;
	v5 =	vmul.f32 v18, v5  }
0x150: {  	(erf) = vrcp.f32 v4;
	v7 =	vmul.f32 v15, v7  }
0x151: {  	(erf) = vrcp.f32 v2;
	v4 =	vmul.f32 v16, v6  }
0x152: {  	v0 =	vmul.f32 v8, v0;
	(erf) = vrcp.f32 v3  }
0x153: {  	v2 =	vmul.f32 v9, v5;
	(erf) = vrcp.f32 v1  }
0x154: {  	v1 =	vmul.f32 v10, v7;
	(erf) = vrcp.f32 v0  }
0x155: {  	v0 =	vmul.f32 v11, v4;
	(erf) = vrcp.f32 v2  }
0x156: {  	(erf) = vrcp.f32 v1  }
0x157: {  	(erf) = vrcp.f32 v0;
	_ =	sdelay $0x1  }
0x158: {  	v0 =	vpop (erf)  }
0x159: {  	v1 =	vpop (erf);
	v0 =	vsub.f32 $1.000000000e+00, v0  }
0x15a: {  	v2 =	vpop (erf);
	v1 =	vsub.f32 $1.000000000e+00, v1  }
0x15b: {  	v3 =	vpop (erf);
	v0 =	vmax.f32 v0, $9.999999740e-05;
	v2 =	vsub.f32 $1.000000000e+00, v2  }
0x15c: {  	v4 =	vpop (erf);
	v0 =	vmin.f32 v0, $9.999899860e-01;
	v1 =	vmax.f32 v1, $9.999999740e-05;
	v3 =	vsub.f32 $1.000000000e+00, v3  }
0x15d: {  	v5 =	vpop (erf);
	[tilespmem:$0x1CF00] =	vst v0;
	v0 =	vmin.f32 v1, $9.999899860e-01;
	v1 =	vmax.f32 v2, $9.999999740e-05;
	v2 =	vsub.f32 $1.000000000e+00, v4  }
0x15e: {  	v4 =	vpop (erf);
	[tilespmem:$0x1CF10] =	vst v0;
	v0 =	vmin.f32 v1, $9.999899860e-01;
	v1 =	vmax.f32 v3, $9.999999740e-05;
	v3 =	vsub.f32 $1.000000000e+00, v5  }
0x15f: {  	[tilespmem:$0x1CF20] =	vst v0;
	v0 =	vmin.f32 v1, $9.999899860e-01;
	v1 =	vmax.f32 v2, $9.999999740e-05;
	v2 =	vsub.f32 $1.000000000e+00, v4;
	v4 =	vpop (erf)  }
0x160: {  	[tilespmem:$0x1CF30] =	vst v0;
	v0 =	vmin.f32 v1, $9.999899860e-01;
	v1 =	vmax.f32 v3, $9.999999740e-05;
	v3 =	vsub.f32 $1.000000000e+00, v4  }
0x161: {  	[tilespmem:$0x1CF40] =	vst v0;
	v0 =	vmin.f32 v1, $9.999899860e-01;
	v1 =	vmax.f32 v2, $9.999999740e-05  }
0x162: {  	[tilespmem:$0x1CF50] =	vst v0;
	v0 =	vmin.f32 v1, $9.999899860e-01;
	v1 =	vmax.f32 v3, $9.999999740e-05  }
0x163: {  	[tilespmem:$0x1CF60] =	vst v0;
	v0 =	vmin.f32 v1, $9.999899860e-01  }
0x164: {  	[tilespmem:$0x1CF70] =	vst v0  }
0x165: {  	_ =	swait.ge [sflag:s30], $0x2400  }
0x166: {  	[sflag:s30] =	ssyncset.done $0x0  }
0x167: {  	s2 =	simm.s32 $0x1AB80;
	[sflag:s30] =	ssyncadd.s32 $0xFFFFDC00  }
0x168: {  	[tilespmem:s25], [sflag:$0x1] =	stream.strided.gather [hbm4b:s11+s23], $0x2000, s24, s23, $0x38;
	[tilespmem:$0x1E970] =	vst v63  }
0x169: {  	v0 =	vld [tilespmem:s2+$0x0]  }
0x16a: {  	v2 =	vld [tilespmem:s2+$0x10]  }
0x16b: {  	v3 =	vld [tilespmem:s2+$0xFFFFFF80]  }
0x16c: {  	v4 =	vld [tilespmem:s2+$0xFFFFFF90]  }
0x16d: {  	v5 =	vld [tilespmem:s2+$0xFFFFFFA0]  }
0x16e: {  	v6 =	vld [tilespmem:s2+$0xFFFFFFB0]  }
0x16f: {  	v7 =	vld [tilespmem:s2+$0x20]  }
0x170: {  	v8 =	vld [tilespmem:s2+$0x30]  }
0x171: {  	v1 =	vld.idx.msk [tilespmem:v0+s3+$0x0], $0xffff  }
0x172: {  	v2 =	vld.idx.msk [tilespmem:v2+s3+$0x0], $0xffff  }
0x173: {  	v12 =	vld.idx.msk [tilespmem:v3+s3+$0x0], $0xffff  }
0x174: {  	v15 =	vld.idx.msk [tilespmem:v4+s3+$0x0], $0xffff  }
0x175: {  	v11 =	vld.idx.msk [tilespmem:v5+s3+$0x0], $0xffff  }
0x176: {  	v14 =	vld.idx.msk [tilespmem:v6+s3+$0x0], $0xffff  }
0x177: {  	v9 =	vimm.f32 $1.000000000e+00;
	v0 =	vimm.f32 $1.000000000e+00;
	v4 =	vld.idx.msk [tilespmem:v7+s3+$0x0], $0xffff  }
0x178: {  	s21 =	simm.s32 $0x1AC80;
	s2 =	simm.s32 $0x0;
	v3 =	vimm.f32 $1.000000000e+00;
	v10 =	vld.idx.msk [tilespmem:v8+s3+$0x0], $0xffff;
	v7 =	vimm.f32 $1.000000000e+00;
	v8 =	vimm.f32 $1.000000000e+00  }
.LBB2_16:
0x179: {  	v5 =	vld [tilespmem:s21+$0x0]  }
0x17a: {  	v6 =	vld [tilespmem:s21+$0x10]  }
0x17b: {  	v3 =	vmul.f32 v12, v3;
	v7 =	vmul.f32 v15, v7;
	v13 =	vld [tilespmem:s21+$0xFFFFFF80]  }
0x17c: {  	v8 =	vmul.f32 v11, v8;
	v9 =	vmul.f32 v14, v9;
	v15 =	vld [tilespmem:s21+$0xFFFFFF90]  }
0x17d: {  	v3 =	vmul.f32 v1, v3;
	v7 =	vmul.f32 v2, v7;
	v11 =	vld [tilespmem:s21+$0xFFFFFFA0]  }
0x17e: {  	s2 =	sadd.s32 $0x2, s2;
	v8 =	vmul.f32 v4, v8;
	v9 =	vmul.f32 v10, v9;
	v14 =	vld [tilespmem:s21+$0xFFFFFFB0]  }
0x17f: {  	p1 =	slt.u32 s2, $0x46;
	v4 =	vld [tilespmem:s21+$0x20]  }
0x180: {  	v10 =	vld [tilespmem:s21+$0x30]  }
0x181: {  	v1 =	vld.idx.msk [tilespmem:v5+s3+$0x0], $0xffff  }
0x182: {  	v2 =	vld.idx.msk [tilespmem:v6+s3+$0x0], $0xffff  }
0x183: {  	v12 =	vld.idx.msk [tilespmem:v13+s3+$0x0], $0xffff  }
.Ltmp7:
0x184: {  	v15 =	vld.idx.msk [tilespmem:v15+s3+$0x0], $0xffff;
	(pc) =	sbr.rel @p1 .LBB2_16-.Ltmp7, $4  }
0x185: {  	v11 =	vld.idx.msk [tilespmem:v11+s3+$0x0], $0xffff  }
0x186: {  	v14 =	vld.idx.msk [tilespmem:v14+s3+$0x0], $0xffff  }
0x187: {  	v4 =	vld.idx.msk [tilespmem:v4+s3+$0x0], $0xffff  }
0x188: {  	s21 =	sadd.s32 $0x100, s21;
	v10 =	vld.idx.msk [tilespmem:v10+s3+$0x0], $0xffff  }
0x189: {  	s2 =	simm.s32 $0x1ABC0  }
0x18a: {  	v5 =	vld [tilespmem:s2+$0x0]  }
0x18b: {  	v6 =	vld [tilespmem:s2+$0x10]  }
0x18c: {  	v13 =	vld [tilespmem:s2+$0xFFFFFF80]  }
0x18d: {  	v16 =	vld [tilespmem:s2+$0xFFFFFF90]  }
0x18e: {  	v17 =	vld [tilespmem:s2+$0xFFFFFFA0]  }
0x18f: {  	v18 =	vld [tilespmem:s2+$0xFFFFFFB0]  }
0x190: {  	v19 =	vld [tilespmem:s2+$0x20]  }
0x191: {  	v20 =	vld [tilespmem:s2+$0x30]  }
0x192: {  	v5 =	vld.idx.msk [tilespmem:v5+s3+$0x0], $0xffff  }
0x193: {  	v6 =	vld.idx.msk [tilespmem:v6+s3+$0x0], $0xffff  }
0x194: {  	v13 =	vld.idx.msk [tilespmem:v13+s3+$0x0], $0xffff  }
0x195: {  	v3 =	vmul.f32 v12, v3;
	v7 =	vmul.f32 v15, v7;
	v15 =	vld.idx.msk [tilespmem:v16+s3+$0x0], $0xffff  }
0x196: {  	v8 =	vmul.f32 v11, v8;
	v16 =	vld.idx.msk [tilespmem:v17+s3+$0x0], $0xffff  }
0x197: {  	v9 =	vmul.f32 v14, v9;
	v1 =	vmul.f32 v1, v3;
	v17 =	vld.idx.msk [tilespmem:v18+s3+$0x0], $0xffff  }
0x198: {  	v2 =	vmul.f32 v2, v7;
	v7 =	vimm.f32 $1.000000000e+00;
	v3 =	vmul.f32 v4, v8;
	v12 =	vld.idx.msk [tilespmem:v19+s3+$0x0], $0xffff  }
0x199: {  	s21 =	simm.s32 $0x1ACC0;
	s2 =	simm.s32 $0x0;
	v8 =	vimm.f32 $1.000000000e+00;
	v4 =	vmul.f32 v10, v9;
	v9 =	vimm.f32 $1.000000000e+00;
	v14 =	vld.idx.msk [tilespmem:v20+s3+$0x0], $0xffff  }
.LBB2_18:
0x19a: {  	v10 =	vld [tilespmem:s21+$0x0]  }
0x19b: {  	v11 =	vld [tilespmem:s21+$0x10]  }
0x19c: {  	v0 =	vmul.f32 v13, v0;
	v7 =	vmul.f32 v15, v7;
	v18 =	vld [tilespmem:s21+$0xFFFFFF80]  }
0x19d: {  	v8 =	vmul.f32 v16, v8;
	v9 =	vmul.f32 v17, v9;
	v15 =	vld [tilespmem:s21+$0xFFFFFF90]  }
0x19e: {  	v0 =	vmul.f32 v5, v0;
	v7 =	vmul.f32 v6, v7;
	v16 =	vld [tilespmem:s21+$0xFFFFFFA0]  }
0x19f: {  	s2 =	sadd.s32 $0x2, s2;
	v8 =	vmul.f32 v12, v8;
	v9 =	vmul.f32 v14, v9;
	v17 =	vld [tilespmem:s21+$0xFFFFFFB0]  }
0x1a0: {  	p1 =	slt.u32 s2, $0x46;
	v12 =	vld [tilespmem:s21+$0x20]  }
0x1a1: {  	v14 =	vld [tilespmem:s21+$0x30]  }
0x1a2: {  	v5 =	vld.idx.msk [tilespmem:v10+s3+$0x0], $0xffff  }
0x1a3: {  	v6 =	vld.idx.msk [tilespmem:v11+s3+$0x0], $0xffff  }
0x1a4: {  	v13 =	vld.idx.msk [tilespmem:v18+s3+$0x0], $0xffff  }
.Ltmp8:
0x1a5: {  	v15 =	vld.idx.msk [tilespmem:v15+s3+$0x0], $0xffff;
	(pc) =	sbr.rel @p1 .LBB2_18-.Ltmp8, $4  }
0x1a6: {  	v16 =	vld.idx.msk [tilespmem:v16+s3+$0x0], $0xffff  }
0x1a7: {  	v17 =	vld.idx.msk [tilespmem:v17+s3+$0x0], $0xffff  }
0x1a8: {  	v12 =	vld.idx.msk [tilespmem:v12+s3+$0x0], $0xffff  }
0x1a9: {  	s21 =	sadd.s32 $0x100, s21;
	v14 =	vld.idx.msk [tilespmem:v14+s3+$0x0], $0xffff  }
0x1aa: {  	_ =	swait.ge [sflag:s28], $0x2000  }
0x1ab: {  	[sflag:s28] =	ssyncset.done $0x0  }
0x1ac: {  	s2 =	simm.s32 $0x18780;
	[sflag:s28] =	ssyncadd.s32 $0xFFFFE000  }
0x1ad: {  	[tilespmem:s29], [sflag:$0x2] =	stream.strided.gather [hbm4b:s12+s23], $0x2000, s24, s23, $0x38;
	[tilespmem:$0x1E970] =	vst v63  }
0x1ae: {  	v10 =	vld [tilespmem:s2+$0x0]  }
0x1af: {  	v11 =	vld [tilespmem:s2+$0x10]  }
0x1b0: {  	v18 =	vld [tilespmem:s2+$0xFFFFFF80]  }
0x1b1: {  	v19 =	vld [tilespmem:s2+$0xFFFFFF90]  }
0x1b2: {  	v20 =	vld [tilespmem:s2+$0xFFFFFFA0]  }
0x1b3: {  	v21 =	vld [tilespmem:s2+$0xFFFFFFB0]  }
0x1b4: {  	v22 =	vld [tilespmem:s2+$0x20]  }
0x1b5: {  	v23 =	vld [tilespmem:s2+$0x30]  }
0x1b6: {  	v10 =	vld.idx.msk [tilespmem:v10+s3+$0x0], $0xffff  }
0x1b7: {  	v11 =	vld.idx.msk [tilespmem:v11+s3+$0x0], $0xffff  }
0x1b8: {  	v18 =	vld.idx.msk [tilespmem:v18+s3+$0x0], $0xffff  }
0x1b9: {  	v19 =	vld.idx.msk [tilespmem:v19+s3+$0x0], $0xffff  }
0x1ba: {  	v0 =	vmul.f32 v13, v0;
	v7 =	vmul.f32 v15, v7;
	v20 =	vld.idx.msk [tilespmem:v20+s3+$0x0], $0xffff  }
0x1bb: {  	v8 =	vmul.f32 v16, v8;
	v9 =	vmul.f32 v17, v9;
	v21 =	vld.idx.msk [tilespmem:v21+s3+$0x0], $0xffff  }
0x1bc: {  	v0 =	vmul.f32 v5, v0;
	v5 =	vmul.f32 v6, v7;
	v13 =	vld.idx.msk [tilespmem:v22+s3+$0x0], $0xffff  }
0x1bd: {  	s21 =	simm.s32 $0x18880;
	v6 =	vmul.f32 v12, v8;
	v7 =	vmul.f32 v14, v9;
	s2 =	simm.s32 $0x0;
	v17 =	vld.idx.msk [tilespmem:v23+s3+$0x0], $0xffff  }
.LBB2_20:
0x1be: {  	v8 =	vld [tilespmem:s21+$0x0]  }
0x1bf: {  	v9 =	vld [tilespmem:s21+$0x10]  }
0x1c0: {  	v1 =	vmul.f32 v18, v1;
	v2 =	vmul.f32 v19, v2;
	v12 =	vld [tilespmem:s21+$0xFFFFFF80]  }
0x1c1: {  	v3 =	vmul.f32 v20, v3;
	v4 =	vmul.f32 v21, v4;
	v14 =	vld [tilespmem:s21+$0xFFFFFF90]  }
0x1c2: {  	v1 =	vmul.f32 v10, v1;
	v2 =	vmul.f32 v11, v2;
	v15 =	vld [tilespmem:s21+$0xFFFFFFA0]  }
0x1c3: {  	s2 =	sadd.s32 $0x2, s2;
	v3 =	vmul.f32 v13, v3;
	v4 =	vmul.f32 v17, v4;
	v16 =	vld [tilespmem:s21+$0xFFFFFFB0]  }
0x1c4: {  	p1 =	slt.u32 s2, $0x3E;
	v13 =	vld [tilespmem:s21+$0x20]  }
0x1c5: {  	v17 =	vld [tilespmem:s21+$0x30]  }
0x1c6: {  	v10 =	vld.idx.msk [tilespmem:v8+s3+$0x0], $0xffff  }
0x1c7: {  	v11 =	vld.idx.msk [tilespmem:v9+s3+$0x0], $0xffff  }
0x1c8: {  	v18 =	vld.idx.msk [tilespmem:v12+s3+$0x0], $0xffff  }
.Ltmp9:
0x1c9: {  	v19 =	vld.idx.msk [tilespmem:v14+s3+$0x0], $0xffff;
	(pc) =	sbr.rel @p1 .LBB2_20-.Ltmp9, $4  }
0x1ca: {  	v20 =	vld.idx.msk [tilespmem:v15+s3+$0x0], $0xffff  }
0x1cb: {  	v21 =	vld.idx.msk [tilespmem:v16+s3+$0x0], $0xffff  }
0x1cc: {  	v13 =	vld.idx.msk [tilespmem:v13+s3+$0x0], $0xffff  }
0x1cd: {  	s21 =	sadd.s32 $0x100, s21;
	v17 =	vld.idx.msk [tilespmem:v17+s3+$0x0], $0xffff  }
0x1ce: {  	s2 =	simm.s32 $0x187C0  }
0x1cf: {  	v8 =	vld [tilespmem:s2+$0x0]  }
0x1d0: {  	v9 =	vld [tilespmem:s2+$0x10]  }
0x1d1: {  	v12 =	vld [tilespmem:s2+$0xFFFFFF80]  }
0x1d2: {  	v15 =	vld [tilespmem:s2+$0xFFFFFF90]  }
0x1d3: {  	v16 =	vld [tilespmem:s2+$0xFFFFFFA0]  }
0x1d4: {  	v22 =	vld [tilespmem:s2+$0xFFFFFFB0]  }
0x1d5: {  	v23 =	vld [tilespmem:s2+$0x20]  }
0x1d6: {  	v24 =	vld [tilespmem:s2+$0x30]  }
0x1d7: {  	v8 =	vld.idx.msk [tilespmem:v8+s3+$0x0], $0xffff  }
0x1d8: {  	v9 =	vld.idx.msk [tilespmem:v9+s3+$0x0], $0xffff  }
0x1d9: {  	v14 =	vld.idx.msk [tilespmem:v12+s3+$0x0], $0xffff  }
0x1da: {  	v15 =	vld.idx.msk [tilespmem:v15+s3+$0x0], $0xffff  }
0x1db: {  	v1 =	vmul.f32 v18, v1;
	v2 =	vmul.f32 v19, v2;
	v16 =	vld.idx.msk [tilespmem:v16+s3+$0x0], $0xffff  }
0x1dc: {  	v3 =	vmul.f32 v20, v3;
	v4 =	vmul.f32 v21, v4;
	v18 =	vld.idx.msk [tilespmem:v22+s3+$0x0], $0xffff  }
0x1dd: {  	v1 =	vmul.f32 v10, v1;
	v2 =	vmul.f32 v11, v2;
	v12 =	vld.idx.msk [tilespmem:v23+s3+$0x0], $0xffff  }
0x1de: {  	s21 =	simm.s32 $0x188C0;
	s2 =	simm.s32 $0x0;
	v3 =	vmul.f32 v13, v3;
	v4 =	vmul.f32 v17, v4;
	v13 =	vld.idx.msk [tilespmem:v24+s3+$0x0], $0xffff  }
.LBB2_22:
0x1df: {  	v10 =	vld [tilespmem:s21+$0x0]  }
0x1e0: {  	v11 =	vld [tilespmem:s21+$0x10]  }
0x1e1: {  	v0 =	vmul.f32 v14, v0;
	v5 =	vmul.f32 v15, v5;
	v17 =	vld [tilespmem:s21+$0xFFFFFF80]  }
0x1e2: {  	v6 =	vmul.f32 v16, v6;
	v7 =	vmul.f32 v18, v7;
	v15 =	vld [tilespmem:s21+$0xFFFFFF90]  }
0x1e3: {  	v0 =	vmul.f32 v8, v0;
	v5 =	vmul.f32 v9, v5;
	v16 =	vld [tilespmem:s21+$0xFFFFFFA0]  }
0x1e4: {  	s2 =	sadd.s32 $0x2, s2;
	v6 =	vmul.f32 v12, v6;
	v7 =	vmul.f32 v13, v7;
	v18 =	vld [tilespmem:s21+$0xFFFFFFB0]  }
0x1e5: {  	p1 =	slt.u32 s2, $0x3E;
	v12 =	vld [tilespmem:s21+$0x20]  }
0x1e6: {  	v13 =	vld [tilespmem:s21+$0x30]  }
0x1e7: {  	v8 =	vld.idx.msk [tilespmem:v10+s3+$0x0], $0xffff  }
0x1e8: {  	v9 =	vld.idx.msk [tilespmem:v11+s3+$0x0], $0xffff  }
0x1e9: {  	v14 =	vld.idx.msk [tilespmem:v17+s3+$0x0], $0xffff  }
.Ltmp10:
0x1ea: {  	v15 =	vld.idx.msk [tilespmem:v15+s3+$0x0], $0xffff;
	(pc) =	sbr.rel @p1 .LBB2_22-.Ltmp10, $4  }
0x1eb: {  	v16 =	vld.idx.msk [tilespmem:v16+s3+$0x0], $0xffff  }
0x1ec: {  	v18 =	vld.idx.msk [tilespmem:v18+s3+$0x0], $0xffff  }
0x1ed: {  	v12 =	vld.idx.msk [tilespmem:v12+s3+$0x0], $0xffff  }
0x1ee: {  	s21 =	sadd.s32 $0x100, s21;
	v13 =	vld.idx.msk [tilespmem:v13+s3+$0x0], $0xffff  }
0x1ef: {  	_ =	swait.ge [sflag:s30], $0x2000  }
0x1f0: {  	[sflag:s30] =	ssyncset.done $0x0  }
0x1f1: {  	s2 =	simm.s32 $0x1AB80;
	[sflag:s30] =	ssyncadd.s32 $0xFFFFE000  }
0x1f2: {  	[tilespmem:s25], [sflag:$0x1] =	stream.strided.gather [hbm4b:s13+s23], $0x2400, s24, s23, $0x38;
	[tilespmem:$0x1E970] =	vst v63  }
0x1f3: {  	v10 =	vld [tilespmem:s2+$0x0]  }
0x1f4: {  	v11 =	vld [tilespmem:s2+$0x10]  }
0x1f5: {  	v17 =	vld [tilespmem:s2+$0xFFFFFF80]  }
0x1f6: {  	v19 =	vld [tilespmem:s2+$0xFFFFFF90]  }
0x1f7: {  	v20 =	vld [tilespmem:s2+$0xFFFFFFA0]  }
0x1f8: {  	v21 =	vld [tilespmem:s2+$0xFFFFFFB0]  }
0x1f9: {  	v22 =	vld [tilespmem:s2+$0x20]  }
0x1fa: {  	v23 =	vld [tilespmem:s2+$0x30]  }
0x1fb: {  	v10 =	vld.idx.msk [tilespmem:v10+s3+$0x0], $0xffff  }
0x1fc: {  	v11 =	vld.idx.msk [tilespmem:v11+s3+$0x0], $0xffff  }
0x1fd: {  	v17 =	vld.idx.msk [tilespmem:v17+s3+$0x0], $0xffff  }
0x1fe: {  	v19 =	vld.idx.msk [tilespmem:v19+s3+$0x0], $0xffff  }
0x1ff: {  	v0 =	vmul.f32 v14, v0;
	v5 =	vmul.f32 v15, v5;
	v15 =	vld.idx.msk [tilespmem:v20+s3+$0x0], $0xffff  }
0x200: {  	v6 =	vmul.f32 v16, v6;
	v18 =	vmul.f32 v18, v7;
	v16 =	vld.idx.msk [tilespmem:v21+s3+$0x0], $0xffff  }
0x201: {  	v0 =	vmul.f32 v8, v0;
	v5 =	vmul.f32 v9, v5;
	v14 =	vld.idx.msk [tilespmem:v22+s3+$0x0], $0xffff  }
0x202: {  	s21 =	simm.s32 $0x1AC80;
	v7 =	vmul.f32 v12, v6;
	v6 =	vmul.f32 v13, v18;
	s2 =	simm.s32 $0x0;
	v12 =	vld.idx.msk [tilespmem:v23+s3+$0x0], $0xffff  }
.LBB2_24:
0x203: {  	v8 =	vld [tilespmem:s21+$0x0]  }
0x204: {  	v9 =	vld [tilespmem:s21+$0x10]  }
0x205: {  	v1 =	vmul.f32 v17, v1;
	v2 =	vmul.f32 v19, v2;
	v13 =	vld [tilespmem:s21+$0xFFFFFF80]  }
0x206: {  	v3 =	vmul.f32 v15, v3;
	v4 =	vmul.f32 v16, v4;
	v18 =	vld [tilespmem:s21+$0xFFFFFF90]  }
0x207: {  	v1 =	vmul.f32 v10, v1;
	v2 =	vmul.f32 v11, v2;
	v15 =	vld [tilespmem:s21+$0xFFFFFFA0]  }
0x208: {  	s2 =	sadd.s32 $0x2, s2;
	v3 =	vmul.f32 v14, v3;
	v4 =	vmul.f32 v12, v4;
	v16 =	vld [tilespmem:s21+$0xFFFFFFB0]  }
0x209: {  	p1 =	slt.u32 s2, $0x3E;
	v12 =	vld [tilespmem:s21+$0x20]  }
0x20a: {  	v20 =	vld [tilespmem:s21+$0x30]  }
0x20b: {  	v10 =	vld.idx.msk [tilespmem:v8+s3+$0x0], $0xffff  }
0x20c: {  	v11 =	vld.idx.msk [tilespmem:v9+s3+$0x0], $0xffff  }
0x20d: {  	v17 =	vld.idx.msk [tilespmem:v13+s3+$0x0], $0xffff  }
.Ltmp11:
0x20e: {  	v19 =	vld.idx.msk [tilespmem:v18+s3+$0x0], $0xffff;
	(pc) =	sbr.rel @p1 .LBB2_24-.Ltmp11, $4  }
0x20f: {  	v15 =	vld.idx.msk [tilespmem:v15+s3+$0x0], $0xffff  }
0x210: {  	v16 =	vld.idx.msk [tilespmem:v16+s3+$0x0], $0xffff  }
0x211: {  	v14 =	vld.idx.msk [tilespmem:v12+s3+$0x0], $0xffff  }
0x212: {  	s21 =	sadd.s32 $0x100, s21;
	v12 =	vld.idx.msk [tilespmem:v20+s3+$0x0], $0xffff  }
0x213: {  	s2 =	simm.s32 $0x1ABC0  }
0x214: {  	v8 =	vld [tilespmem:s2+$0x0]  }
0x215: {  	v9 =	vld [tilespmem:s2+$0x10]  }
0x216: {  	v13 =	vld [tilespmem:s2+$0xFFFFFF80]  }
0x217: {  	v18 =	vld [tilespmem:s2+$0xFFFFFF90]  }
0x218: {  	v20 =	vld [tilespmem:s2+$0xFFFFFFA0]  }
0x219: {  	v21 =	vld [tilespmem:s2+$0xFFFFFFB0]  }
0x21a: {  	v22 =	vld [tilespmem:s2+$0x20]  }
0x21b: {  	v23 =	vld [tilespmem:s2+$0x30]  }
0x21c: {  	v8 =	vld.idx.msk [tilespmem:v8+s3+$0x0], $0xffff  }
0x21d: {  	v9 =	vld.idx.msk [tilespmem:v9+s3+$0x0], $0xffff  }
0x21e: {  	v13 =	vld.idx.msk [tilespmem:v13+s3+$0x0], $0xffff  }
0x21f: {  	v18 =	vld.idx.msk [tilespmem:v18+s3+$0x0], $0xffff  }
0x220: {  	v1 =	vmul.f32 v17, v1;
	v2 =	vmul.f32 v19, v2;
	v17 =	vld.idx.msk [tilespmem:v20+s3+$0x0], $0xffff  }
0x221: {  	v3 =	vmul.f32 v15, v3;
	v16 =	vmul.f32 v16, v4;
	v15 =	vld.idx.msk [tilespmem:v21+s3+$0x0], $0xffff  }
0x222: {  	v4 =	vmul.f32 v10, v1;
	v2 =	vmul.f32 v11, v2;
	v10 =	vld.idx.msk [tilespmem:v22+s3+$0x0], $0xffff  }
0x223: {  	s21 =	simm.s32 $0x1ACC0;
	s2 =	simm.s32 $0x0;
	v3 =	vmul.f32 v14, v3;
	v1 =	vmul.f32 v12, v16;
	v11 =	vld.idx.msk [tilespmem:v23+s3+$0x0], $0xffff  }
.LBB2_26:
0x224: {  	v12 =	vld [tilespmem:s21+$0x0]  }
0x225: {  	v14 =	vld [tilespmem:s21+$0x10]  }
0x226: {  	v0 =	vmul.f32 v13, v0;
	v5 =	vmul.f32 v18, v5;
	v16 =	vld [tilespmem:s21+$0xFFFFFF80]  }
0x227: {  	v7 =	vmul.f32 v17, v7;
	v6 =	vmul.f32 v15, v6;
	v18 =	vld [tilespmem:s21+$0xFFFFFF90]  }
0x228: {  	v0 =	vmul.f32 v8, v0;
	v5 =	vmul.f32 v9, v5;
	v15 =	vld [tilespmem:s21+$0xFFFFFFA0]  }
0x229: {  	s2 =	sadd.s32 $0x2, s2;
	v7 =	vmul.f32 v10, v7;
	v6 =	vmul.f32 v11, v6;
	v19 =	vld [tilespmem:s21+$0xFFFFFFB0]  }
0x22a: {  	p1 =	slt.u32 s2, $0x3E;
	v10 =	vld [tilespmem:s21+$0x20]  }
0x22b: {  	v11 =	vld [tilespmem:s21+$0x30]  }
0x22c: {  	v8 =	vld.idx.msk [tilespmem:v12+s3+$0x0], $0xffff  }
0x22d: {  	v9 =	vld.idx.msk [tilespmem:v14+s3+$0x0], $0xffff  }
0x22e: {  	v13 =	vld.idx.msk [tilespmem:v16+s3+$0x0], $0xffff  }
.Ltmp12:
0x22f: {  	v18 =	vld.idx.msk [tilespmem:v18+s3+$0x0], $0xffff;
	(pc) =	sbr.rel @p1 .LBB2_26-.Ltmp12, $4  }
0x230: {  	v17 =	vld.idx.msk [tilespmem:v15+s3+$0x0], $0xffff  }
0x231: {  	v15 =	vld.idx.msk [tilespmem:v19+s3+$0x0], $0xffff  }
0x232: {  	v10 =	vld.idx.msk [tilespmem:v10+s3+$0x0], $0xffff  }
0x233: {  	s21 =	sadd.s32 $0x100, s21;
	v11 =	vld.idx.msk [tilespmem:v11+s3+$0x0], $0xffff  }
0x234: {  	v0 =	vmul.f32 v13, v0;
	v5 =	vmul.f32 v18, v5  }
0x235: {  	(erf) = vrcp.f32 v4;
	v7 =	vmul.f32 v17, v7  }
0x236: {  	(erf) = vrcp.f32 v2;
	v4 =	vmul.f32 v15, v6  }
0x237: {  	v0 =	vmul.f32 v8, v0;
	(erf) = vrcp.f32 v3  }
0x238: {  	v2 =	vmul.f32 v9, v5;
	(erf) = vrcp.f32 v1  }
0x239: {  	v1 =	vmul.f32 v10, v7;
	(erf) = vrcp.f32 v0  }
0x23a: {  	v0 =	vmul.f32 v11, v4;
	(erf) = vrcp.f32 v2  }
0x23b: {  	(erf) = vrcp.f32 v1  }
0x23c: {  	(erf) = vrcp.f32 v0;
	_ =	sdelay $0x1  }
0x23d: {  	v0 =	vpop (erf)  }
0x23e: {  	v1 =	vpop (erf);
	v0 =	vsub.f32 $1.000000000e+00, v0  }
0x23f: {  	v2 =	vpop (erf);
	v1 =	vsub.f32 $1.000000000e+00, v1  }
0x240: {  	v3 =	vpop (erf);
	v0 =	vmax.f32 v0, $9.999999740e-05;
	v2 =	vsub.f32 $1.000000000e+00, v2  }
0x241: {  	v4 =	vpop (erf);
	v0 =	vmin.f32 v0, $9.999899860e-01;
	v1 =	vmax.f32 v1, $9.999999740e-05;
	v3 =	vsub.f32 $1.000000000e+00, v3  }
0x242: {  	v5 =	vpop (erf);
	[tilespmem:$0x1CF80] =	vst v0;
	v0 =	vmin.f32 v1, $9.999899860e-01;
	v1 =	vmax.f32 v2, $9.999999740e-05;
	v2 =	vsub.f32 $1.000000000e+00, v4  }
0x243: {  	v4 =	vpop (erf);
	[tilespmem:$0x1CF90] =	vst v0;
	v0 =	vmin.f32 v1, $9.999899860e-01;
	v1 =	vmax.f32 v3, $9.999999740e-05;
	v3 =	vsub.f32 $1.000000000e+00, v5  }
0x244: {  	[tilespmem:$0x1CFA0] =	vst v0;
	v0 =	vmin.f32 v1, $9.999899860e-01;
	v1 =	vmax.f32 v2, $9.999999740e-05;
	v2 =	vsub.f32 $1.000000000e+00, v4;
	v4 =	vpop (erf)  }
0x245: {  	[tilespmem:$0x1CFB0] =	vst v0;
	v0 =	vmin.f32 v1, $9.999899860e-01;
	v1 =	vmax.f32 v3, $9.999999740e-05;
	v3 =	vsub.f32 $1.000000000e+00, v4  }
0x246: {  	[tilespmem:$0x1CFC0] =	vst v0;
	v0 =	vmin.f32 v1, $9.999899860e-01;
	v1 =	vmax.f32 v2, $9.999999740e-05  }
0x247: {  	[tilespmem:$0x1CFD0] =	vst v0;
	v0 =	vmin.f32 v1, $9.999899860e-01;
	v1 =	vmax.f32 v3, $9.999999740e-05  }
0x248: {  	[tilespmem:$0x1CFE0] =	vst v0;
	v0 =	vmin.f32 v1, $9.999899860e-01  }
0x249: {  	[tilespmem:$0x1CFF0] =	vst v0  }
0x24a: {  	_ =	swait.ge [sflag:s28], $0x2400  }
0x24b: {  	[sflag:s28] =	ssyncset.done $0x0  }
0x24c: {  	s2 =	simm.s32 $0x18780;
	[sflag:s28] =	ssyncadd.s32 $0xFFFFDC00  }
0x24d: {  	[tilespmem:s29], [sflag:$0x2] =	stream.strided.gather [hbm4b:s14+s23], $0x2000, s24, s23, $0x38;
	[tilespmem:$0x1E970] =	vst v63  }
0x24e: {  	v0 =	vld [tilespmem:s2+$0x0]  }
0x24f: {  	v2 =	vld [tilespmem:s2+$0x10]  }
0x250: {  	v3 =	vld [tilespmem:s2+$0xFFFFFF80]  }
0x251: {  	v4 =	vld [tilespmem:s2+$0xFFFFFF90]  }
0x252: {  	v5 =	vld [tilespmem:s2+$0xFFFFFFA0]  }
0x253: {  	v6 =	vld [tilespmem:s2+$0xFFFFFFB0]  }
0x254: {  	v7 =	vld [tilespmem:s2+$0x20]  }
0x255: {  	v8 =	vld [tilespmem:s2+$0x30]  }
0x256: {  	v1 =	vld.idx.msk [tilespmem:v0+s3+$0x0], $0xffff  }
0x257: {  	v2 =	vld.idx.msk [tilespmem:v2+s3+$0x0], $0xffff  }
0x258: {  	v12 =	vld.idx.msk [tilespmem:v3+s3+$0x0], $0xffff  }
0x259: {  	v15 =	vld.idx.msk [tilespmem:v4+s3+$0x0], $0xffff  }
0x25a: {  	v11 =	vld.idx.msk [tilespmem:v5+s3+$0x0], $0xffff  }
0x25b: {  	v14 =	vld.idx.msk [tilespmem:v6+s3+$0x0], $0xffff  }
0x25c: {  	v9 =	vimm.f32 $1.000000000e+00;
	v0 =	vimm.f32 $1.000000000e+00;
	v4 =	vld.idx.msk [tilespmem:v7+s3+$0x0], $0xffff  }
0x25d: {  	s21 =	simm.s32 $0x18880;
	s2 =	simm.s32 $0x0;
	v3 =	vimm.f32 $1.000000000e+00;
	v10 =	vld.idx.msk [tilespmem:v8+s3+$0x0], $0xffff;
	v7 =	vimm.f32 $1.000000000e+00;
	v8 =	vimm.f32 $1.000000000e+00  }
.LBB2_28:
0x25e: {  	v5 =	vld [tilespmem:s21+$0x0]  }
0x25f: {  	v6 =	vld [tilespmem:s21+$0x10]  }
0x260: {  	v3 =	vmul.f32 v12, v3;
	v7 =	vmul.f32 v15, v7;
	v13 =	vld [tilespmem:s21+$0xFFFFFF80]  }
0x261: {  	v8 =	vmul.f32 v11, v8;
	v9 =	vmul.f32 v14, v9;
	v15 =	vld [tilespmem:s21+$0xFFFFFF90]  }
0x262: {  	v3 =	vmul.f32 v1, v3;
	v7 =	vmul.f32 v2, v7;
	v11 =	vld [tilespmem:s21+$0xFFFFFFA0]  }
0x263: {  	s2 =	sadd.s32 $0x2, s2;
	v8 =	vmul.f32 v4, v8;
	v9 =	vmul.f32 v10, v9;
	v14 =	vld [tilespmem:s21+$0xFFFFFFB0]  }
0x264: {  	p1 =	slt.u32 s2, $0x46;
	v4 =	vld [tilespmem:s21+$0x20]  }
0x265: {  	v10 =	vld [tilespmem:s21+$0x30]  }
0x266: {  	v1 =	vld.idx.msk [tilespmem:v5+s3+$0x0], $0xffff  }
0x267: {  	v2 =	vld.idx.msk [tilespmem:v6+s3+$0x0], $0xffff  }
0x268: {  	v12 =	vld.idx.msk [tilespmem:v13+s3+$0x0], $0xffff  }
.Ltmp13:
0x269: {  	v15 =	vld.idx.msk [tilespmem:v15+s3+$0x0], $0xffff;
	(pc) =	sbr.rel @p1 .LBB2_28-.Ltmp13, $4  }
0x26a: {  	v11 =	vld.idx.msk [tilespmem:v11+s3+$0x0], $0xffff  }
0x26b: {  	v14 =	vld.idx.msk [tilespmem:v14+s3+$0x0], $0xffff  }
0x26c: {  	v4 =	vld.idx.msk [tilespmem:v4+s3+$0x0], $0xffff  }
0x26d: {  	s21 =	sadd.s32 $0x100, s21;
	v10 =	vld.idx.msk [tilespmem:v10+s3+$0x0], $0xffff  }
0x26e: {  	s2 =	simm.s32 $0x187C0  }
0x26f: {  	v5 =	vld [tilespmem:s2+$0x0]  }
0x270: {  	v6 =	vld [tilespmem:s2+$0x10]  }
0x271: {  	v13 =	vld [tilespmem:s2+$0xFFFFFF80]  }
0x272: {  	v16 =	vld [tilespmem:s2+$0xFFFFFF90]  }
0x273: {  	v17 =	vld [tilespmem:s2+$0xFFFFFFA0]  }
0x274: {  	v18 =	vld [tilespmem:s2+$0xFFFFFFB0]  }
0x275: {  	v19 =	vld [tilespmem:s2+$0x20]  }
0x276: {  	v20 =	vld [tilespmem:s2+$0x30]  }
0x277: {  	v5 =	vld.idx.msk [tilespmem:v5+s3+$0x0], $0xffff  }
0x278: {  	v6 =	vld.idx.msk [tilespmem:v6+s3+$0x0], $0xffff  }
0x279: {  	v13 =	vld.idx.msk [tilespmem:v13+s3+$0x0], $0xffff  }
0x27a: {  	v3 =	vmul.f32 v12, v3;
	v7 =	vmul.f32 v15, v7;
	v15 =	vld.idx.msk [tilespmem:v16+s3+$0x0], $0xffff  }
0x27b: {  	v8 =	vmul.f32 v11, v8;
	v16 =	vld.idx.msk [tilespmem:v17+s3+$0x0], $0xffff  }
0x27c: {  	v9 =	vmul.f32 v14, v9;
	v1 =	vmul.f32 v1, v3;
	v17 =	vld.idx.msk [tilespmem:v18+s3+$0x0], $0xffff  }
0x27d: {  	v2 =	vmul.f32 v2, v7;
	v7 =	vimm.f32 $1.000000000e+00;
	v3 =	vmul.f32 v4, v8;
	v12 =	vld.idx.msk [tilespmem:v19+s3+$0x0], $0xffff  }
0x27e: {  	s21 =	simm.s32 $0x188C0;
	s2 =	simm.s32 $0x0;
	v8 =	vimm.f32 $1.000000000e+00;
	v4 =	vmul.f32 v10, v9;
	v9 =	vimm.f32 $1.000000000e+00;
	v14 =	vld.idx.msk [tilespmem:v20+s3+$0x0], $0xffff  }
.LBB2_30:
0x27f: {  	v10 =	vld [tilespmem:s21+$0x0]  }
0x280: {  	v11 =	vld [tilespmem:s21+$0x10]  }
0x281: {  	v0 =	vmul.f32 v13, v0;
	v7 =	vmul.f32 v15, v7;
	v18 =	vld [tilespmem:s21+$0xFFFFFF80]  }
0x282: {  	v8 =	vmul.f32 v16, v8;
	v9 =	vmul.f32 v17, v9;
	v15 =	vld [tilespmem:s21+$0xFFFFFF90]  }
0x283: {  	v0 =	vmul.f32 v5, v0;
	v7 =	vmul.f32 v6, v7;
	v16 =	vld [tilespmem:s21+$0xFFFFFFA0]  }
0x284: {  	s2 =	sadd.s32 $0x2, s2;
	v8 =	vmul.f32 v12, v8;
	v9 =	vmul.f32 v14, v9;
	v17 =	vld [tilespmem:s21+$0xFFFFFFB0]  }
0x285: {  	p1 =	slt.u32 s2, $0x46;
	v12 =	vld [tilespmem:s21+$0x20]  }
0x286: {  	v14 =	vld [tilespmem:s21+$0x30]  }
0x287: {  	v5 =	vld.idx.msk [tilespmem:v10+s3+$0x0], $0xffff  }
0x288: {  	v6 =	vld.idx.msk [tilespmem:v11+s3+$0x0], $0xffff  }
0x289: {  	v13 =	vld.idx.msk [tilespmem:v18+s3+$0x0], $0xffff  }
.Ltmp14:
0x28a: {  	v15 =	vld.idx.msk [tilespmem:v15+s3+$0x0], $0xffff;
	(pc) =	sbr.rel @p1 .LBB2_30-.Ltmp14, $4  }
0x28b: {  	v16 =	vld.idx.msk [tilespmem:v16+s3+$0x0], $0xffff  }
0x28c: {  	v17 =	vld.idx.msk [tilespmem:v17+s3+$0x0], $0xffff  }
0x28d: {  	v12 =	vld.idx.msk [tilespmem:v12+s3+$0x0], $0xffff  }
0x28e: {  	s21 =	sadd.s32 $0x100, s21;
	v14 =	vld.idx.msk [tilespmem:v14+s3+$0x0], $0xffff  }
0x28f: {  	_ =	swait.ge [sflag:s30], $0x2000  }
0x290: {  	[sflag:s30] =	ssyncset.done $0x0  }
0x291: {  	s2 =	simm.s32 $0x1AB80;
	[sflag:s30] =	ssyncadd.s32 $0xFFFFE000  }
0x292: {  	[tilespmem:s25], [sflag:$0x1] =	stream.strided.gather [hbm4b:s15+s23], $0x2000, s24, s23, $0x38;
	[tilespmem:$0x1E970] =	vst v63  }
0x293: {  	v10 =	vld [tilespmem:s2+$0x0]  }
0x294: {  	v11 =	vld [tilespmem:s2+$0x10]  }
0x295: {  	v18 =	vld [tilespmem:s2+$0xFFFFFF80]  }
0x296: {  	v19 =	vld [tilespmem:s2+$0xFFFFFF90]  }
0x297: {  	v20 =	vld [tilespmem:s2+$0xFFFFFFA0]  }
0x298: {  	v21 =	vld [tilespmem:s2+$0xFFFFFFB0]  }
0x299: {  	v22 =	vld [tilespmem:s2+$0x20]  }
0x29a: {  	v23 =	vld [tilespmem:s2+$0x30]  }
0x29b: {  	v10 =	vld.idx.msk [tilespmem:v10+s3+$0x0], $0xffff  }
0x29c: {  	v11 =	vld.idx.msk [tilespmem:v11+s3+$0x0], $0xffff  }
0x29d: {  	v18 =	vld.idx.msk [tilespmem:v18+s3+$0x0], $0xffff  }
0x29e: {  	v19 =	vld.idx.msk [tilespmem:v19+s3+$0x0], $0xffff  }
0x29f: {  	v0 =	vmul.f32 v13, v0;
	v7 =	vmul.f32 v15, v7;
	v20 =	vld.idx.msk [tilespmem:v20+s3+$0x0], $0xffff  }
0x2a0: {  	v8 =	vmul.f32 v16, v8;
	v9 =	vmul.f32 v17, v9;
	v21 =	vld.idx.msk [tilespmem:v21+s3+$0x0], $0xffff  }
0x2a1: {  	v0 =	vmul.f32 v5, v0;
	v5 =	vmul.f32 v6, v7;
	v13 =	vld.idx.msk [tilespmem:v22+s3+$0x0], $0xffff  }
0x2a2: {  	s21 =	simm.s32 $0x1AC80;
	v6 =	vmul.f32 v12, v8;
	v7 =	vmul.f32 v14, v9;
	s2 =	simm.s32 $0x0;
	v17 =	vld.idx.msk [tilespmem:v23+s3+$0x0], $0xffff  }
.LBB2_32:
0x2a3: {  	v8 =	vld [tilespmem:s21+$0x0]  }
0x2a4: {  	v9 =	vld [tilespmem:s21+$0x10]  }
0x2a5: {  	v1 =	vmul.f32 v18, v1;
	v2 =	vmul.f32 v19, v2;
	v12 =	vld [tilespmem:s21+$0xFFFFFF80]  }
0x2a6: {  	v3 =	vmul.f32 v20, v3;
	v4 =	vmul.f32 v21, v4;
	v14 =	vld [tilespmem:s21+$0xFFFFFF90]  }
0x2a7: {  	v1 =	vmul.f32 v10, v1;
	v2 =	vmul.f32 v11, v2;
	v15 =	vld [tilespmem:s21+$0xFFFFFFA0]  }
0x2a8: {  	s2 =	sadd.s32 $0x2, s2;
	v3 =	vmul.f32 v13, v3;
	v4 =	vmul.f32 v17, v4;
	v16 =	vld [tilespmem:s21+$0xFFFFFFB0]  }
0x2a9: {  	p1 =	slt.u32 s2, $0x3E;
	v13 =	vld [tilespmem:s21+$0x20]  }
0x2aa: {  	v17 =	vld [tilespmem:s21+$0x30]  }
0x2ab: {  	v10 =	vld.idx.msk [tilespmem:v8+s3+$0x0], $0xffff  }
0x2ac: {  	v11 =	vld.idx.msk [tilespmem:v9+s3+$0x0], $0xffff  }
0x2ad: {  	v18 =	vld.idx.msk [tilespmem:v12+s3+$0x0], $0xffff  }
.Ltmp15:
0x2ae: {  	v19 =	vld.idx.msk [tilespmem:v14+s3+$0x0], $0xffff;
	(pc) =	sbr.rel @p1 .LBB2_32-.Ltmp15, $4  }
0x2af: {  	v20 =	vld.idx.msk [tilespmem:v15+s3+$0x0], $0xffff  }
0x2b0: {  	v21 =	vld.idx.msk [tilespmem:v16+s3+$0x0], $0xffff  }
0x2b1: {  	v13 =	vld.idx.msk [tilespmem:v13+s3+$0x0], $0xffff  }
0x2b2: {  	s21 =	sadd.s32 $0x100, s21;
	v17 =	vld.idx.msk [tilespmem:v17+s3+$0x0], $0xffff  }
0x2b3: {  	s2 =	simm.s32 $0x1ABC0  }
0x2b4: {  	v8 =	vld [tilespmem:s2+$0x0]  }
0x2b5: {  	v9 =	vld [tilespmem:s2+$0x10]  }
0x2b6: {  	v12 =	vld [tilespmem:s2+$0xFFFFFF80]  }
0x2b7: {  	v15 =	vld [tilespmem:s2+$0xFFFFFF90]  }
0x2b8: {  	v16 =	vld [tilespmem:s2+$0xFFFFFFA0]  }
0x2b9: {  	v22 =	vld [tilespmem:s2+$0xFFFFFFB0]  }
0x2ba: {  	v23 =	vld [tilespmem:s2+$0x20]  }
0x2bb: {  	v24 =	vld [tilespmem:s2+$0x30]  }
0x2bc: {  	v8 =	vld.idx.msk [tilespmem:v8+s3+$0x0], $0xffff  }
0x2bd: {  	v9 =	vld.idx.msk [tilespmem:v9+s3+$0x0], $0xffff  }
0x2be: {  	v14 =	vld.idx.msk [tilespmem:v12+s3+$0x0], $0xffff  }
0x2bf: {  	v15 =	vld.idx.msk [tilespmem:v15+s3+$0x0], $0xffff  }
0x2c0: {  	v1 =	vmul.f32 v18, v1;
	v2 =	vmul.f32 v19, v2;
	v16 =	vld.idx.msk [tilespmem:v16+s3+$0x0], $0xffff  }
0x2c1: {  	v3 =	vmul.f32 v20, v3;
	v4 =	vmul.f32 v21, v4;
	v18 =	vld.idx.msk [tilespmem:v22+s3+$0x0], $0xffff  }
0x2c2: {  	v1 =	vmul.f32 v10, v1;
	v2 =	vmul.f32 v11, v2;
	v12 =	vld.idx.msk [tilespmem:v23+s3+$0x0], $0xffff  }
0x2c3: {  	s21 =	simm.s32 $0x1ACC0;
	s2 =	simm.s32 $0x0;
	v3 =	vmul.f32 v13, v3;
	v4 =	vmul.f32 v17, v4;
	v13 =	vld.idx.msk [tilespmem:v24+s3+$0x0], $0xffff  }
.LBB2_34:
0x2c4: {  	v10 =	vld [tilespmem:s21+$0x0]  }
0x2c5: {  	v11 =	vld [tilespmem:s21+$0x10]  }
0x2c6: {  	v0 =	vmul.f32 v14, v0;
	v5 =	vmul.f32 v15, v5;
	v17 =	vld [tilespmem:s21+$0xFFFFFF80]  }
0x2c7: {  	v6 =	vmul.f32 v16, v6;
	v7 =	vmul.f32 v18, v7;
	v15 =	vld [tilespmem:s21+$0xFFFFFF90]  }
0x2c8: {  	v0 =	vmul.f32 v8, v0;
	v5 =	vmul.f32 v9, v5;
	v16 =	vld [tilespmem:s21+$0xFFFFFFA0]  }
0x2c9: {  	s2 =	sadd.s32 $0x2, s2;
	v6 =	vmul.f32 v12, v6;
	v7 =	vmul.f32 v13, v7;
	v18 =	vld [tilespmem:s21+$0xFFFFFFB0]  }
0x2ca: {  	p1 =	slt.u32 s2, $0x3E;
	v12 =	vld [tilespmem:s21+$0x20]  }
0x2cb: {  	v13 =	vld [tilespmem:s21+$0x30]  }
0x2cc: {  	v8 =	vld.idx.msk [tilespmem:v10+s3+$0x0], $0xffff  }
0x2cd: {  	v9 =	vld.idx.msk [tilespmem:v11+s3+$0x0], $0xffff  }
0x2ce: {  	v14 =	vld.idx.msk [tilespmem:v17+s3+$0x0], $0xffff  }
.Ltmp16:
0x2cf: {  	v15 =	vld.idx.msk [tilespmem:v15+s3+$0x0], $0xffff;
	(pc) =	sbr.rel @p1 .LBB2_34-.Ltmp16, $4  }
0x2d0: {  	v16 =	vld.idx.msk [tilespmem:v16+s3+$0x0], $0xffff  }
0x2d1: {  	v18 =	vld.idx.msk [tilespmem:v18+s3+$0x0], $0xffff  }
0x2d2: {  	v12 =	vld.idx.msk [tilespmem:v12+s3+$0x0], $0xffff  }
0x2d3: {  	s21 =	sadd.s32 $0x100, s21;
	v13 =	vld.idx.msk [tilespmem:v13+s3+$0x0], $0xffff  }
0x2d4: {  	_ =	swait.ge [sflag:s28], $0x2000  }
0x2d5: {  	[sflag:s28] =	ssyncset.done $0x0  }
0x2d6: {  	s2 =	simm.s32 $0x18780;
	[sflag:s28] =	ssyncadd.s32 $0xFFFFE000  }
0x2d7: {  	[tilespmem:s29], [sflag:$0x2] =	stream.strided.gather [hbm4b:s16+s23], $0x2400, s24, s23, $0x38;
	[tilespmem:$0x1E970] =	vst v63  }
0x2d8: {  	v10 =	vld [tilespmem:s2+$0x0]  }
0x2d9: {  	v11 =	vld [tilespmem:s2+$0x10]  }
0x2da: {  	v17 =	vld [tilespmem:s2+$0xFFFFFF80]  }
0x2db: {  	v19 =	vld [tilespmem:s2+$0xFFFFFF90]  }
0x2dc: {  	v20 =	vld [tilespmem:s2+$0xFFFFFFA0]  }
0x2dd: {  	v21 =	vld [tilespmem:s2+$0xFFFFFFB0]  }
0x2de: {  	v22 =	vld [tilespmem:s2+$0x20]  }
0x2df: {  	v23 =	vld [tilespmem:s2+$0x30]  }
0x2e0: {  	v10 =	vld.idx.msk [tilespmem:v10+s3+$0x0], $0xffff  }
0x2e1: {  	v11 =	vld.idx.msk [tilespmem:v11+s3+$0x0], $0xffff  }
0x2e2: {  	v17 =	vld.idx.msk [tilespmem:v17+s3+$0x0], $0xffff  }
0x2e3: {  	v19 =	vld.idx.msk [tilespmem:v19+s3+$0x0], $0xffff  }
0x2e4: {  	v0 =	vmul.f32 v14, v0;
	v5 =	vmul.f32 v15, v5;
	v15 =	vld.idx.msk [tilespmem:v20+s3+$0x0], $0xffff  }
0x2e5: {  	v6 =	vmul.f32 v16, v6;
	v18 =	vmul.f32 v18, v7;
	v16 =	vld.idx.msk [tilespmem:v21+s3+$0x0], $0xffff  }
0x2e6: {  	v0 =	vmul.f32 v8, v0;
	v5 =	vmul.f32 v9, v5;
	v14 =	vld.idx.msk [tilespmem:v22+s3+$0x0], $0xffff  }
0x2e7: {  	s21 =	simm.s32 $0x18880;
	v7 =	vmul.f32 v12, v6;
	v6 =	vmul.f32 v13, v18;
	s2 =	simm.s32 $0x0;
	v12 =	vld.idx.msk [tilespmem:v23+s3+$0x0], $0xffff  }
.LBB2_36:
0x2e8: {  	v8 =	vld [tilespmem:s21+$0x0]  }
0x2e9: {  	v9 =	vld [tilespmem:s21+$0x10]  }
0x2ea: {  	v1 =	vmul.f32 v17, v1;
	v2 =	vmul.f32 v19, v2;
	v13 =	vld [tilespmem:s21+$0xFFFFFF80]  }
0x2eb: {  	v3 =	vmul.f32 v15, v3;
	v4 =	vmul.f32 v16, v4;
	v18 =	vld [tilespmem:s21+$0xFFFFFF90]  }
0x2ec: {  	v1 =	vmul.f32 v10, v1;
	v2 =	vmul.f32 v11, v2;
	v15 =	vld [tilespmem:s21+$0xFFFFFFA0]  }
0x2ed: {  	s2 =	sadd.s32 $0x2, s2;
	v3 =	vmul.f32 v14, v3;
	v4 =	vmul.f32 v12, v4;
	v16 =	vld [tilespmem:s21+$0xFFFFFFB0]  }
0x2ee: {  	p1 =	slt.u32 s2, $0x3E;
	v12 =	vld [tilespmem:s21+$0x20]  }
0x2ef: {  	v20 =	vld [tilespmem:s21+$0x30]  }
0x2f0: {  	v10 =	vld.idx.msk [tilespmem:v8+s3+$0x0], $0xffff  }
0x2f1: {  	v11 =	vld.idx.msk [tilespmem:v9+s3+$0x0], $0xffff  }
0x2f2: {  	v17 =	vld.idx.msk [tilespmem:v13+s3+$0x0], $0xffff  }
.Ltmp17:
0x2f3: {  	v19 =	vld.idx.msk [tilespmem:v18+s3+$0x0], $0xffff;
	(pc) =	sbr.rel @p1 .LBB2_36-.Ltmp17, $4  }
0x2f4: {  	v15 =	vld.idx.msk [tilespmem:v15+s3+$0x0], $0xffff  }
0x2f5: {  	v16 =	vld.idx.msk [tilespmem:v16+s3+$0x0], $0xffff  }
0x2f6: {  	v14 =	vld.idx.msk [tilespmem:v12+s3+$0x0], $0xffff  }
0x2f7: {  	s21 =	sadd.s32 $0x100, s21;
	v12 =	vld.idx.msk [tilespmem:v20+s3+$0x0], $0xffff  }
0x2f8: {  	s2 =	simm.s32 $0x187C0  }
0x2f9: {  	v8 =	vld [tilespmem:s2+$0x0]  }
0x2fa: {  	v9 =	vld [tilespmem:s2+$0x10]  }
0x2fb: {  	v13 =	vld [tilespmem:s2+$0xFFFFFF80]  }
0x2fc: {  	v18 =	vld [tilespmem:s2+$0xFFFFFF90]  }
0x2fd: {  	v20 =	vld [tilespmem:s2+$0xFFFFFFA0]  }
0x2fe: {  	v21 =	vld [tilespmem:s2+$0xFFFFFFB0]  }
0x2ff: {  	v22 =	vld [tilespmem:s2+$0x20]  }
0x300: {  	v23 =	vld [tilespmem:s2+$0x30]  }
0x301: {  	v8 =	vld.idx.msk [tilespmem:v8+s3+$0x0], $0xffff  }
0x302: {  	v9 =	vld.idx.msk [tilespmem:v9+s3+$0x0], $0xffff  }
0x303: {  	v13 =	vld.idx.msk [tilespmem:v13+s3+$0x0], $0xffff  }
0x304: {  	v18 =	vld.idx.msk [tilespmem:v18+s3+$0x0], $0xffff  }
0x305: {  	v1 =	vmul.f32 v17, v1;
	v2 =	vmul.f32 v19, v2;
	v17 =	vld.idx.msk [tilespmem:v20+s3+$0x0], $0xffff  }
0x306: {  	v3 =	vmul.f32 v15, v3;
	v16 =	vmul.f32 v16, v4;
	v15 =	vld.idx.msk [tilespmem:v21+s3+$0x0], $0xffff  }
0x307: {  	v4 =	vmul.f32 v10, v1;
	v2 =	vmul.f32 v11, v2;
	v10 =	vld.idx.msk [tilespmem:v22+s3+$0x0], $0xffff  }
0x308: {  	s21 =	simm.s32 $0x188C0;
	s2 =	simm.s32 $0x0;
	v3 =	vmul.f32 v14, v3;
	v1 =	vmul.f32 v12, v16;
	v11 =	vld.idx.msk [tilespmem:v23+s3+$0x0], $0xffff  }
.LBB2_38:
0x309: {  	v12 =	vld [tilespmem:s21+$0x0]  }
0x30a: {  	v14 =	vld [tilespmem:s21+$0x10]  }
0x30b: {  	v0 =	vmul.f32 v13, v0;
	v5 =	vmul.f32 v18, v5;
	v16 =	vld [tilespmem:s21+$0xFFFFFF80]  }
0x30c: {  	v7 =	vmul.f32 v17, v7;
	v6 =	vmul.f32 v15, v6;
	v18 =	vld [tilespmem:s21+$0xFFFFFF90]  }
0x30d: {  	v0 =	vmul.f32 v8, v0;
	v5 =	vmul.f32 v9, v5;
	v15 =	vld [tilespmem:s21+$0xFFFFFFA0]  }
0x30e: {  	s2 =	sadd.s32 $0x2, s2;
	v7 =	vmul.f32 v10, v7;
	v6 =	vmul.f32 v11, v6;
	v19 =	vld [tilespmem:s21+$0xFFFFFFB0]  }
0x30f: {  	p1 =	slt.u32 s2, $0x3E;
	v10 =	vld [tilespmem:s21+$0x20]  }
0x310: {  	v11 =	vld [tilespmem:s21+$0x30]  }
0x311: {  	v8 =	vld.idx.msk [tilespmem:v12+s3+$0x0], $0xffff  }
0x312: {  	v9 =	vld.idx.msk [tilespmem:v14+s3+$0x0], $0xffff  }
0x313: {  	v13 =	vld.idx.msk [tilespmem:v16+s3+$0x0], $0xffff  }
.Ltmp18:
0x314: {  	v18 =	vld.idx.msk [tilespmem:v18+s3+$0x0], $0xffff;
	(pc) =	sbr.rel @p1 .LBB2_38-.Ltmp18, $4  }
0x315: {  	v17 =	vld.idx.msk [tilespmem:v15+s3+$0x0], $0xffff  }
0x316: {  	v15 =	vld.idx.msk [tilespmem:v19+s3+$0x0], $0xffff  }
0x317: {  	v10 =	vld.idx.msk [tilespmem:v10+s3+$0x0], $0xffff  }
0x318: {  	s21 =	sadd.s32 $0x100, s21;
	v11 =	vld.idx.msk [tilespmem:v11+s3+$0x0], $0xffff  }
0x319: {  	v0 =	vmul.f32 v13, v0;
	v5 =	vmul.f32 v18, v5  }
0x31a: {  	(erf) = vrcp.f32 v4;
	v7 =	vmul.f32 v17, v7  }
0x31b: {  	(erf) = vrcp.f32 v2;
	v4 =	vmul.f32 v15, v6  }
0x31c: {  	v0 =	vmul.f32 v8, v0;
	(erf) = vrcp.f32 v3  }
0x31d: {  	v2 =	vmul.f32 v9, v5;
	(erf) = vrcp.f32 v1  }
0x31e: {  	v1 =	vmul.f32 v10, v7;
	(erf) = vrcp.f32 v0  }
0x31f: {  	v0 =	vmul.f32 v11, v4;
	(erf) = vrcp.f32 v2  }
0x320: {  	(erf) = vrcp.f32 v1  }
0x321: {  	(erf) = vrcp.f32 v0;
	_ =	sdelay $0x1  }
0x322: {  	v0 =	vpop (erf)  }
0x323: {  	v1 =	vpop (erf);
	v0 =	vsub.f32 $1.000000000e+00, v0  }
0x324: {  	v2 =	vpop (erf);
	v1 =	vsub.f32 $1.000000000e+00, v1  }
0x325: {  	v3 =	vpop (erf);
	v0 =	vmax.f32 v0, $9.999999740e-05;
	v2 =	vsub.f32 $1.000000000e+00, v2  }
0x326: {  	v4 =	vpop (erf);
	v0 =	vmin.f32 v0, $9.999899860e-01;
	v1 =	vmax.f32 v1, $9.999999740e-05;
	v3 =	vsub.f32 $1.000000000e+00, v3  }
0x327: {  	v5 =	vpop (erf);
	[tilespmem:$0x1D000] =	vst v0;
	v0 =	vmin.f32 v1, $9.999899860e-01;
	v1 =	vmax.f32 v2, $9.999999740e-05;
	v2 =	vsub.f32 $1.000000000e+00, v4  }
0x328: {  	v4 =	vpop (erf);
	[tilespmem:$0x1D010] =	vst v0;
	v0 =	vmin.f32 v1, $9.999899860e-01;
	v1 =	vmax.f32 v3, $9.999999740e-05;
	v3 =	vsub.f32 $1.000000000e+00, v5  }
0x329: {  	[tilespmem:$0x1D020] =	vst v0;
	v0 =	vmin.f32 v1, $9.999899860e-01;
	v1 =	vmax.f32 v2, $9.999999740e-05;
	v2 =	vsub.f32 $1.000000000e+00, v4;
	v4 =	vpop (erf)  }
0x32a: {  	[tilespmem:$0x1D030] =	vst v0;
	v0 =	vmin.f32 v1, $9.999899860e-01;
	v1 =	vmax.f32 v3, $9.999999740e-05;
	v3 =	vsub.f32 $1.000000000e+00, v4  }
0x32b: {  	[tilespmem:$0x1D040] =	vst v0;
	v0 =	vmin.f32 v1, $9.999899860e-01;
	v1 =	vmax.f32 v2, $9.999999740e-05  }
0x32c: {  	[tilespmem:$0x1D050] =	vst v0;
	v0 =	vmin.f32 v1, $9.999899860e-01;
	v1 =	vmax.f32 v3, $9.999999740e-05  }
0x32d: {  	[tilespmem:$0x1D060] =	vst v0;
	v0 =	vmin.f32 v1, $9.999899860e-01  }
0x32e: {  	[tilespmem:$0x1D070] =	vst v0  }
0x32f: {  	_ =	swait.ge [sflag:s30], $0x2400  }
0x330: {  	[sflag:s30] =	ssyncset.done $0x0  }
0x331: {  	s2 =	simm.s32 $0x1AB80;
	[sflag:s30] =	ssyncadd.s32 $0xFFFFDC00  }
0x332: {  	[tilespmem:s25], [sflag:$0x1] =	stream.strided.gather [hbm4b:s17+s23], $0x2000, s24, s23, $0x38;
	[tilespmem:$0x1E970] =	vst v63  }
0x333: {  	v0 =	vld [tilespmem:s2+$0x0]  }
0x334: {  	v2 =	vld [tilespmem:s2+$0x10]  }
0x335: {  	v3 =	vld [tilespmem:s2+$0xFFFFFF80]  }
0x336: {  	v4 =	vld [tilespmem:s2+$0xFFFFFF90]  }
0x337: {  	v5 =	vld [tilespmem:s2+$0xFFFFFFA0]  }
0x338: {  	v6 =	vld [tilespmem:s2+$0xFFFFFFB0]  }
0x339: {  	v7 =	vld [tilespmem:s2+$0x20]  }
0x33a: {  	v8 =	vld [tilespmem:s2+$0x30]  }
0x33b: {  	v1 =	vld.idx.msk [tilespmem:v0+s3+$0x0], $0xffff  }
0x33c: {  	v2 =	vld.idx.msk [tilespmem:v2+s3+$0x0], $0xffff  }
0x33d: {  	v12 =	vld.idx.msk [tilespmem:v3+s3+$0x0], $0xffff  }
0x33e: {  	v15 =	vld.idx.msk [tilespmem:v4+s3+$0x0], $0xffff  }
0x33f: {  	v11 =	vld.idx.msk [tilespmem:v5+s3+$0x0], $0xffff  }
0x340: {  	v14 =	vld.idx.msk [tilespmem:v6+s3+$0x0], $0xffff  }
0x341: {  	v9 =	vimm.f32 $1.000000000e+00;
	v0 =	vimm.f32 $1.000000000e+00;
	v4 =	vld.idx.msk [tilespmem:v7+s3+$0x0], $0xffff  }
0x342: {  	s21 =	simm.s32 $0x1AC80;
	s2 =	simm.s32 $0x0;
	v3 =	vimm.f32 $1.000000000e+00;
	v10 =	vld.idx.msk [tilespmem:v8+s3+$0x0], $0xffff;
	v7 =	vimm.f32 $1.000000000e+00;
	v8 =	vimm.f32 $1.000000000e+00  }
.LBB2_40:
0x343: {  	v5 =	vld [tilespmem:s21+$0x0]  }
0x344: {  	v6 =	vld [tilespmem:s21+$0x10]  }
0x345: {  	v3 =	vmul.f32 v12, v3;
	v7 =	vmul.f32 v15, v7;
	v13 =	vld [tilespmem:s21+$0xFFFFFF80]  }
0x346: {  	v8 =	vmul.f32 v11, v8;
	v9 =	vmul.f32 v14, v9;
	v15 =	vld [tilespmem:s21+$0xFFFFFF90]  }
0x347: {  	v3 =	vmul.f32 v1, v3;
	v7 =	vmul.f32 v2, v7;
	v11 =	vld [tilespmem:s21+$0xFFFFFFA0]  }
0x348: {  	s2 =	sadd.s32 $0x2, s2;
	v8 =	vmul.f32 v4, v8;
	v9 =	vmul.f32 v10, v9;
	v14 =	vld [tilespmem:s21+$0xFFFFFFB0]  }
0x349: {  	p1 =	slt.u32 s2, $0x46;
	v4 =	vld [tilespmem:s21+$0x20]  }
0x34a: {  	v10 =	vld [tilespmem:s21+$0x30]  }
0x34b: {  	v1 =	vld.idx.msk [tilespmem:v5+s3+$0x0], $0xffff  }
0x34c: {  	v2 =	vld.idx.msk [tilespmem:v6+s3+$0x0], $0xffff  }
0x34d: {  	v12 =	vld.idx.msk [tilespmem:v13+s3+$0x0], $0xffff  }
.Ltmp19:
0x34e: {  	v15 =	vld.idx.msk [tilespmem:v15+s3+$0x0], $0xffff;
	(pc) =	sbr.rel @p1 .LBB2_40-.Ltmp19, $4  }
0x34f: {  	v11 =	vld.idx.msk [tilespmem:v11+s3+$0x0], $0xffff  }
0x350: {  	v14 =	vld.idx.msk [tilespmem:v14+s3+$0x0], $0xffff  }
0x351: {  	v4 =	vld.idx.msk [tilespmem:v4+s3+$0x0], $0xffff  }
0x352: {  	s21 =	sadd.s32 $0x100, s21;
	v10 =	vld.idx.msk [tilespmem:v10+s3+$0x0], $0xffff  }
0x353: {  	s2 =	simm.s32 $0x1ABC0  }
0x354: {  	v5 =	vld [tilespmem:s2+$0x0]  }
0x355: {  	v6 =	vld [tilespmem:s2+$0x10]  }
0x356: {  	v13 =	vld [tilespmem:s2+$0xFFFFFF80]  }
0x357: {  	v16 =	vld [tilespmem:s2+$0xFFFFFF90]  }
0x358: {  	v17 =	vld [tilespmem:s2+$0xFFFFFFA0]  }
0x359: {  	v18 =	vld [tilespmem:s2+$0xFFFFFFB0]  }
0x35a: {  	v19 =	vld [tilespmem:s2+$0x20]  }
0x35b: {  	v20 =	vld [tilespmem:s2+$0x30]  }
0x35c: {  	v5 =	vld.idx.msk [tilespmem:v5+s3+$0x0], $0xffff  }
0x35d: {  	v6 =	vld.idx.msk [tilespmem:v6+s3+$0x0], $0xffff  }
0x35e: {  	v13 =	vld.idx.msk [tilespmem:v13+s3+$0x0], $0xffff  }
0x35f: {  	v3 =	vmul.f32 v12, v3;
	v7 =	vmul.f32 v15, v7;
	v15 =	vld.idx.msk [tilespmem:v16+s3+$0x0], $0xffff  }
0x360: {  	v8 =	vmul.f32 v11, v8;
	v16 =	vld.idx.msk [tilespmem:v17+s3+$0x0], $0xffff  }
0x361: {  	v9 =	vmul.f32 v14, v9;
	v1 =	vmul.f32 v1, v3;
	v17 =	vld.idx.msk [tilespmem:v18+s3+$0x0], $0xffff  }
0x362: {  	v2 =	vmul.f32 v2, v7;
	v7 =	vimm.f32 $1.000000000e+00;
	v3 =	vmul.f32 v4, v8;
	v12 =	vld.idx.msk [tilespmem:v19+s3+$0x0], $0xffff  }
0x363: {  	s21 =	simm.s32 $0x1ACC0;
	s2 =	simm.s32 $0x0;
	v8 =	vimm.f32 $1.000000000e+00;
	v4 =	vmul.f32 v10, v9;
	v9 =	vimm.f32 $1.000000000e+00;
	v14 =	vld.idx.msk [tilespmem:v20+s3+$0x0], $0xffff  }
.LBB2_42:
0x364: {  	v10 =	vld [tilespmem:s21+$0x0]  }
0x365: {  	v11 =	vld [tilespmem:s21+$0x10]  }
0x366: {  	v0 =	vmul.f32 v13, v0;
	v7 =	vmul.f32 v15, v7;
	v18 =	vld [tilespmem:s21+$0xFFFFFF80]  }
0x367: {  	v8 =	vmul.f32 v16, v8;
	v9 =	vmul.f32 v17, v9;
	v15 =	vld [tilespmem:s21+$0xFFFFFF90]  }
0x368: {  	v0 =	vmul.f32 v5, v0;
	v7 =	vmul.f32 v6, v7;
	v16 =	vld [tilespmem:s21+$0xFFFFFFA0]  }
0x369: {  	s2 =	sadd.s32 $0x2, s2;
	v8 =	vmul.f32 v12, v8;
	v9 =	vmul.f32 v14, v9;
	v17 =	vld [tilespmem:s21+$0xFFFFFFB0]  }
0x36a: {  	p1 =	slt.u32 s2, $0x46;
	v12 =	vld [tilespmem:s21+$0x20]  }
0x36b: {  	v14 =	vld [tilespmem:s21+$0x30]  }
0x36c: {  	v5 =	vld.idx.msk [tilespmem:v10+s3+$0x0], $0xffff  }
0x36d: {  	v6 =	vld.idx.msk [tilespmem:v11+s3+$0x0], $0xffff  }
0x36e: {  	v13 =	vld.idx.msk [tilespmem:v18+s3+$0x0], $0xffff  }
.Ltmp20:
0x36f: {  	v15 =	vld.idx.msk [tilespmem:v15+s3+$0x0], $0xffff;
	(pc) =	sbr.rel @p1 .LBB2_42-.Ltmp20, $4  }
0x370: {  	v16 =	vld.idx.msk [tilespmem:v16+s3+$0x0], $0xffff  }
0x371: {  	v17 =	vld.idx.msk [tilespmem:v17+s3+$0x0], $0xffff  }
0x372: {  	v12 =	vld.idx.msk [tilespmem:v12+s3+$0x0], $0xffff  }
0x373: {  	s21 =	sadd.s32 $0x100, s21;
	v14 =	vld.idx.msk [tilespmem:v14+s3+$0x0], $0xffff  }
0x374: {  	_ =	swait.ge [sflag:s28], $0x2000  }
0x375: {  	[sflag:s28] =	ssyncset.done $0x0  }
0x376: {  	s2 =	simm.s32 $0x18780;
	[sflag:s28] =	ssyncadd.s32 $0xFFFFE000  }
0x377: {  	[tilespmem:s29], [sflag:$0x2] =	stream.strided.gather [hbm4b:s18+s23], $0x2000, s24, s23, $0x38;
	[tilespmem:$0x1E970] =	vst v63  }
0x378: {  	v10 =	vld [tilespmem:s2+$0x0]  }
0x379: {  	v11 =	vld [tilespmem:s2+$0x10]  }
0x37a: {  	v18 =	vld [tilespmem:s2+$0xFFFFFF80]  }
0x37b: {  	v19 =	vld [tilespmem:s2+$0xFFFFFF90]  }
0x37c: {  	v20 =	vld [tilespmem:s2+$0xFFFFFFA0]  }
0x37d: {  	v21 =	vld [tilespmem:s2+$0xFFFFFFB0]  }
0x37e: {  	v22 =	vld [tilespmem:s2+$0x20]  }
0x37f: {  	v23 =	vld [tilespmem:s2+$0x30]  }
0x380: {  	v10 =	vld.idx.msk [tilespmem:v10+s3+$0x0], $0xffff  }
0x381: {  	v11 =	vld.idx.msk [tilespmem:v11+s3+$0x0], $0xffff  }
0x382: {  	v18 =	vld.idx.msk [tilespmem:v18+s3+$0x0], $0xffff  }
0x383: {  	v19 =	vld.idx.msk [tilespmem:v19+s3+$0x0], $0xffff  }
0x384: {  	v0 =	vmul.f32 v13, v0;
	v7 =	vmul.f32 v15, v7;
	v20 =	vld.idx.msk [tilespmem:v20+s3+$0x0], $0xffff  }
0x385: {  	v8 =	vmul.f32 v16, v8;
	v9 =	vmul.f32 v17, v9;
	v21 =	vld.idx.msk [tilespmem:v21+s3+$0x0], $0xffff  }
0x386: {  	v0 =	vmul.f32 v5, v0;
	v5 =	vmul.f32 v6, v7;
	v13 =	vld.idx.msk [tilespmem:v22+s3+$0x0], $0xffff  }
0x387: {  	s21 =	simm.s32 $0x18880;
	v6 =	vmul.f32 v12, v8;
	v7 =	vmul.f32 v14, v9;
	s2 =	simm.s32 $0x0;
	v15 =	vld.idx.msk [tilespmem:v23+s3+$0x0], $0xffff  }
.LBB2_44:
0x388: {  	v8 =	vld [tilespmem:s21+$0x0]  }
0x389: {  	v9 =	vld [tilespmem:s21+$0x10]  }
0x38a: {  	v1 =	vmul.f32 v18, v1;
	v2 =	vmul.f32 v19, v2;
	v12 =	vld [tilespmem:s21+$0xFFFFFF80]  }
0x38b: {  	v3 =	vmul.f32 v20, v3;
	v4 =	vmul.f32 v21, v4;
	v14 =	vld [tilespmem:s21+$0xFFFFFF90]  }
0x38c: {  	v1 =	vmul.f32 v10, v1;
	v2 =	vmul.f32 v11, v2;
	v16 =	vld [tilespmem:s21+$0xFFFFFFA0]  }
0x38d: {  	s2 =	sadd.s32 $0x2, s2;
	v3 =	vmul.f32 v13, v3;
	v4 =	vmul.f32 v15, v4;
	v17 =	vld [tilespmem:s21+$0xFFFFFFB0]  }
0x38e: {  	p1 =	slt.u32 s2, $0x3E;
	v13 =	vld [tilespmem:s21+$0x20]  }
0x38f: {  	v15 =	vld [tilespmem:s21+$0x30]  }
0x390: {  	v10 =	vld.idx.msk [tilespmem:v8+s3+$0x0], $0xffff  }
0x391: {  	v11 =	vld.idx.msk [tilespmem:v9+s3+$0x0], $0xffff  }
0x392: {  	v18 =	vld.idx.msk [tilespmem:v12+s3+$0x0], $0xffff  }
.Ltmp21:
0x393: {  	v19 =	vld.idx.msk [tilespmem:v14+s3+$0x0], $0xffff;
	(pc) =	sbr.rel @p1 .LBB2_44-.Ltmp21, $4  }
0x394: {  	v20 =	vld.idx.msk [tilespmem:v16+s3+$0x0], $0xffff  }
0x395: {  	v21 =	vld.idx.msk [tilespmem:v17+s3+$0x0], $0xffff  }
0x396: {  	v13 =	vld.idx.msk [tilespmem:v13+s3+$0x0], $0xffff  }
0x397: {  	s21 =	sadd.s32 $0x100, s21;
	v15 =	vld.idx.msk [tilespmem:v15+s3+$0x0], $0xffff  }
0x398: {  	s2 =	simm.s32 $0x187C0  }
0x399: {  	v8 =	vld [tilespmem:s2+$0x0]  }
0x39a: {  	v9 =	vld [tilespmem:s2+$0x10]  }
0x39b: {  	v12 =	vld [tilespmem:s2+$0xFFFFFF80]  }
0x39c: {  	v16 =	vld [tilespmem:s2+$0xFFFFFF90]  }
0x39d: {  	v17 =	vld [tilespmem:s2+$0xFFFFFFA0]  }
0x39e: {  	v22 =	vld [tilespmem:s2+$0xFFFFFFB0]  }
0x39f: {  	v23 =	vld [tilespmem:s2+$0x20]  }
0x3a0: {  	v24 =	vld [tilespmem:s2+$0x30]  }
0x3a1: {  	v8 =	vld.idx.msk [tilespmem:v8+s3+$0x0], $0xffff  }
0x3a2: {  	v9 =	vld.idx.msk [tilespmem:v9+s3+$0x0], $0xffff  }
0x3a3: {  	v14 =	vld.idx.msk [tilespmem:v12+s3+$0x0], $0xffff  }
0x3a4: {  	v16 =	vld.idx.msk [tilespmem:v16+s3+$0x0], $0xffff  }
0x3a5: {  	v1 =	vmul.f32 v18, v1;
	v2 =	vmul.f32 v19, v2;
	v17 =	vld.idx.msk [tilespmem:v17+s3+$0x0], $0xffff  }
0x3a6: {  	v3 =	vmul.f32 v20, v3;
	v4 =	vmul.f32 v21, v4;
	v19 =	vld.idx.msk [tilespmem:v22+s3+$0x0], $0xffff  }
0x3a7: {  	v1 =	vmul.f32 v10, v1;
	v2 =	vmul.f32 v11, v2;
	v12 =	vld.idx.msk [tilespmem:v23+s3+$0x0], $0xffff  }
0x3a8: {  	s21 =	simm.s32 $0x188C0;
	s2 =	simm.s32 $0x0;
	v3 =	vmul.f32 v13, v3;
	v4 =	vmul.f32 v15, v4;
	v15 =	vld.idx.msk [tilespmem:v24+s3+$0x0], $0xffff  }
.LBB2_46:
0x3a9: {  	v10 =	vld [tilespmem:s21+$0x0]  }
0x3aa: {  	v11 =	vld [tilespmem:s21+$0x10]  }
0x3ab: {  	v0 =	vmul.f32 v14, v0;
	v5 =	vmul.f32 v16, v5;
	v13 =	vld [tilespmem:s21+$0xFFFFFF80]  }
0x3ac: {  	v6 =	vmul.f32 v17, v6;
	v7 =	vmul.f32 v19, v7;
	v16 =	vld [tilespmem:s21+$0xFFFFFF90]  }
0x3ad: {  	v0 =	vmul.f32 v8, v0;
	v5 =	vmul.f32 v9, v5;
	v17 =	vld [tilespmem:s21+$0xFFFFFFA0]  }
0x3ae: {  	s2 =	sadd.s32 $0x2, s2;
	v6 =	vmul.f32 v12, v6;
	v7 =	vmul.f32 v15, v7;
	v18 =	vld [tilespmem:s21+$0xFFFFFFB0]  }
0x3af: {  	p1 =	slt.u32 s2, $0x3E;
	v12 =	vld [tilespmem:s21+$0x20]  }
0x3b0: {  	v15 =	vld [tilespmem:s21+$0x30]  }
0x3b1: {  	v8 =	vld.idx.msk [tilespmem:v10+s3+$0x0], $0xffff  }
0x3b2: {  	v9 =	vld.idx.msk [tilespmem:v11+s3+$0x0], $0xffff  }
0x3b3: {  	v14 =	vld.idx.msk [tilespmem:v13+s3+$0x0], $0xffff  }
.Ltmp22:
0x3b4: {  	v16 =	vld.idx.msk [tilespmem:v16+s3+$0x0], $0xffff;
	(pc) =	sbr.rel @p1 .LBB2_46-.Ltmp22, $4  }
0x3b5: {  	v17 =	vld.idx.msk [tilespmem:v17+s3+$0x0], $0xffff  }
0x3b6: {  	v19 =	vld.idx.msk [tilespmem:v18+s3+$0x0], $0xffff  }
0x3b7: {  	v12 =	vld.idx.msk [tilespmem:v12+s3+$0x0], $0xffff  }
0x3b8: {  	s21 =	sadd.s32 $0x100, s21;
	v15 =	vld.idx.msk [tilespmem:v15+s3+$0x0], $0xffff  }
0x3b9: {  	_ =	swait.ge [sflag:s30], $0x2000  }
0x3ba: {  	[sflag:s30] =	ssyncset.done $0x0  }
0x3bb: {  	s2 =	simm.s32 $0x1AB80;
	[sflag:s30] =	ssyncadd.s32 $0xFFFFE000  }
0x3bc: {  	v10 =	vld [tilespmem:s2+$0x0]  }
0x3bd: {  	v11 =	vld [tilespmem:s2+$0x10]  }
0x3be: {  	v13 =	vld [tilespmem:s2+$0xFFFFFF80]  }
0x3bf: {  	v20 =	vld [tilespmem:s2+$0xFFFFFF90]  }
0x3c0: {  	v21 =	vld [tilespmem:s2+$0xFFFFFFA0]  }
0x3c1: {  	v22 =	vld [tilespmem:s2+$0xFFFFFFB0]  }
0x3c2: {  	v23 =	vld [tilespmem:s2+$0x20]  }
0x3c3: {  	v24 =	vld [tilespmem:s2+$0x30]  }
0x3c4: {  	v10 =	vld.idx.msk [tilespmem:v10+s3+$0x0], $0xffff  }
0x3c5: {  	v11 =	vld.idx.msk [tilespmem:v11+s3+$0x0], $0xffff  }
0x3c6: {  	v18 =	vld.idx.msk [tilespmem:v13+s3+$0x0], $0xffff  }
0x3c7: {  	v20 =	vld.idx.msk [tilespmem:v20+s3+$0x0], $0xffff  }
0x3c8: {  	v0 =	vmul.f32 v14, v0;
	v5 =	vmul.f32 v16, v5;
	v14 =	vld.idx.msk [tilespmem:v21+s3+$0x0], $0xffff  }
0x3c9: {  	v6 =	vmul.f32 v17, v6;
	v17 =	vmul.f32 v19, v7;
	v16 =	vld.idx.msk [tilespmem:v22+s3+$0x0], $0xffff  }
0x3ca: {  	v0 =	vmul.f32 v8, v0;
	v5 =	vmul.f32 v9, v5;
	v13 =	vld.idx.msk [tilespmem:v23+s3+$0x0], $0xffff  }
0x3cb: {  	s21 =	simm.s32 $0x1AC80;
	v7 =	vmul.f32 v12, v6;
	s2 =	simm.s32 $0x0;
	v6 =	vmul.f32 v15, v17;
	v12 =	vld.idx.msk [tilespmem:v24+s3+$0x0], $0xffff  }
.LBB2_48:
0x3cc: {  	v8 =	vld [tilespmem:s21+$0x0]  }
0x3cd: {  	v9 =	vld [tilespmem:s21+$0x10]  }
0x3ce: {  	v1 =	vmul.f32 v18, v1;
	v2 =	vmul.f32 v20, v2;
	v15 =	vld [tilespmem:s21+$0xFFFFFF80]  }
0x3cf: {  	v3 =	vmul.f32 v14, v3;
	v4 =	vmul.f32 v16, v4;
	v17 =	vld [tilespmem:s21+$0xFFFFFF90]  }
0x3d0: {  	v1 =	vmul.f32 v10, v1;
	v2 =	vmul.f32 v11, v2;
	v14 =	vld [tilespmem:s21+$0xFFFFFFA0]  }
0x3d1: {  	s2 =	sadd.s32 $0x2, s2;
	v3 =	vmul.f32 v13, v3;
	v4 =	vmul.f32 v12, v4;
	v16 =	vld [tilespmem:s21+$0xFFFFFFB0]  }
0x3d2: {  	p1 =	slt.u32 s2, $0x3E;
	v12 =	vld [tilespmem:s21+$0x20]  }
0x3d3: {  	v19 =	vld [tilespmem:s21+$0x30]  }
0x3d4: {  	v10 =	vld.idx.msk [tilespmem:v8+s3+$0x0], $0xffff  }
0x3d5: {  	v11 =	vld.idx.msk [tilespmem:v9+s3+$0x0], $0xffff  }
0x3d6: {  	v18 =	vld.idx.msk [tilespmem:v15+s3+$0x0], $0xffff  }
.Ltmp23:
0x3d7: {  	v20 =	vld.idx.msk [tilespmem:v17+s3+$0x0], $0xffff;
	(pc) =	sbr.rel @p1 .LBB2_48-.Ltmp23, $4  }
0x3d8: {  	v14 =	vld.idx.msk [tilespmem:v14+s3+$0x0], $0xffff  }
0x3d9: {  	v16 =	vld.idx.msk [tilespmem:v16+s3+$0x0], $0xffff  }
0x3da: {  	v13 =	vld.idx.msk [tilespmem:v12+s3+$0x0], $0xffff  }
0x3db: {  	s21 =	sadd.s32 $0x100, s21;
	v12 =	vld.idx.msk [tilespmem:v19+s3+$0x0], $0xffff  }
0x3dc: {  	s2 =	simm.s32 $0x1ABC0  }
0x3dd: {  	v8 =	vld [tilespmem:s2+$0x0]  }
0x3de: {  	v9 =	vld [tilespmem:s2+$0x10]  }
0x3df: {  	v15 =	vld [tilespmem:s2+$0xFFFFFF80]  }
0x3e0: {  	v17 =	vld [tilespmem:s2+$0xFFFFFF90]  }
0x3e1: {  	v19 =	vld [tilespmem:s2+$0xFFFFFFA0]  }
0x3e2: {  	v21 =	vld [tilespmem:s2+$0xFFFFFFB0]  }
0x3e3: {  	v22 =	vld [tilespmem:s2+$0x20]  }
0x3e4: {  	v23 =	vld [tilespmem:s2+$0x30]  }
0x3e5: {  	v8 =	vld.idx.msk [tilespmem:v8+s3+$0x0], $0xffff  }
0x3e6: {  	v9 =	vld.idx.msk [tilespmem:v9+s3+$0x0], $0xffff  }
0x3e7: {  	v15 =	vld.idx.msk [tilespmem:v15+s3+$0x0], $0xffff  }
0x3e8: {  	v17 =	vld.idx.msk [tilespmem:v17+s3+$0x0], $0xffff  }
0x3e9: {  	v1 =	vmul.f32 v18, v1;
	v2 =	vmul.f32 v20, v2;
	v18 =	vld.idx.msk [tilespmem:v19+s3+$0x0], $0xffff  }
0x3ea: {  	v3 =	vmul.f32 v14, v3;
	v16 =	vmul.f32 v16, v4;
	v14 =	vld.idx.msk [tilespmem:v21+s3+$0x0], $0xffff  }
0x3eb: {  	v4 =	vmul.f32 v10, v1;
	v2 =	vmul.f32 v11, v2;
	v10 =	vld.idx.msk [tilespmem:v22+s3+$0x0], $0xffff  }
0x3ec: {  	s21 =	simm.s32 $0x1ACC0;
	s2 =	simm.s32 $0x0;
	v3 =	vmul.f32 v13, v3;
	v1 =	vmul.f32 v12, v16;
	v11 =	vld.idx.msk [tilespmem:v23+s3+$0x0], $0xffff  }
.LBB2_50:
0x3ed: {  	v12 =	vld [tilespmem:s21+$0x0]  }
0x3ee: {  	v13 =	vld [tilespmem:s21+$0x10]  }
0x3ef: {  	v0 =	vmul.f32 v15, v0;
	v5 =	vmul.f32 v17, v5;
	v16 =	vld [tilespmem:s21+$0xFFFFFF80]  }
0x3f0: {  	v7 =	vmul.f32 v18, v7;
	v6 =	vmul.f32 v14, v6;
	v17 =	vld [tilespmem:s21+$0xFFFFFF90]  }
0x3f1: {  	v0 =	vmul.f32 v8, v0;
	v5 =	vmul.f32 v9, v5;
	v14 =	vld [tilespmem:s21+$0xFFFFFFA0]  }
0x3f2: {  	s2 =	sadd.s32 $0x2, s2;
	v7 =	vmul.f32 v10, v7;
	v6 =	vmul.f32 v11, v6;
	v19 =	vld [tilespmem:s21+$0xFFFFFFB0]  }
0x3f3: {  	p1 =	slt.u32 s2, $0x3E;
	v10 =	vld [tilespmem:s21+$0x20]  }
0x3f4: {  	v11 =	vld [tilespmem:s21+$0x30]  }
0x3f5: {  	v8 =	vld.idx.msk [tilespmem:v12+s3+$0x0], $0xffff  }
0x3f6: {  	v9 =	vld.idx.msk [tilespmem:v13+s3+$0x0], $0xffff  }
0x3f7: {  	v15 =	vld.idx.msk [tilespmem:v16+s3+$0x0], $0xffff  }
.Ltmp24:
0x3f8: {  	v17 =	vld.idx.msk [tilespmem:v17+s3+$0x0], $0xffff;
	(pc) =	sbr.rel @p1 .LBB2_50-.Ltmp24, $4  }
0x3f9: {  	v18 =	vld.idx.msk [tilespmem:v14+s3+$0x0], $0xffff  }
0x3fa: {  	v14 =	vld.idx.msk [tilespmem:v19+s3+$0x0], $0xffff  }
0x3fb: {  	v10 =	vld.idx.msk [tilespmem:v10+s3+$0x0], $0xffff  }
0x3fc: {  	s21 =	sadd.s32 $0x100, s21;
	v11 =	vld.idx.msk [tilespmem:v11+s3+$0x0], $0xffff  }
0x3fd: {  	v0 =	vmul.f32 v15, v0;
	v5 =	vmul.f32 v17, v5  }
0x3fe: {  	(erf) = vrcp.f32 v4;
	v7 =	vmul.f32 v18, v7  }
0x3ff: {  	(erf) = vrcp.f32 v2;
	v35 =	vmul.f32 v14, v6  }
0x400: {  	v0 =	vmul.f32 v8, v0;
	(erf) = vrcp.f32 v3  }
0x401: {  	v36 =	vmul.f32 v9, v5;
	(erf) = vrcp.f32 v1  }
0x402: {  	v37 =	vmul.f32 v10, v7;
	(erf) = vrcp.f32 v0  }
0x403: {  	v38 =	vmul.f32 v11, v35;
	(erf) = vrcp.f32 v36  }
0x404: {  	(erf) = vrcp.f32 v37  }
0x405: {  	(erf) = vrcp.f32 v38;
	_ =	sdelay $0x1  }
0x406: {  	v39 =	vpop (erf)  }
0x407: {  	v40 =	vpop (erf);
	v0 =	vsub.f32 $1.000000000e+00, v39  }
0x408: {  	v41 =	vpop (erf);
	v1 =	vsub.f32 $1.000000000e+00, v40  }
0x409: {  	v42 =	vpop (erf);
	v0 =	vmax.f32 v0, $9.999999740e-05;
	v2 =	vsub.f32 $1.000000000e+00, v41  }
0x40a: {  	v43 =	vpop (erf);
	v0 =	vmin.f32 v0, $9.999899860e-01;
	v1 =	vmax.f32 v1, $9.999999740e-05;
	v3 =	vsub.f32 $1.000000000e+00, v42  }
0x40b: {  	v44 =	vpop (erf);
	[tilespmem:$0x1D080] =	vst v0;
	v45 =	vmin.f32 v1, $9.999899860e-01;
	v46 =	vmax.f32 v2, $9.999999740e-05;
	v47 =	vsub.f32 $1.000000000e+00, v43  }
0x40c: {  	v48 =	vpop (erf);
	[tilespmem:$0x1D090] =	vst v45;
	v49 =	vmin.f32 v46, $9.999899860e-01;
	v50 =	vmax.f32 v3, $9.999999740e-05;
	v51 =	vsub.f32 $1.000000000e+00, v44  }
0x40d: {  	[tilespmem:$0x1D0A0] =	vst v49;
	v52 =	vmin.f32 v50, $9.999899860e-01;
	v53 =	vmax.f32 v47, $9.999999740e-05;
	v54 =	vsub.f32 $1.000000000e+00, v48;
	v55 =	vpop (erf)  }
0x40e: {  	[tilespmem:$0x1D0B0] =	vst v52;
	v56 =	vmin.f32 v53, $9.999899860e-01;
	v57 =	vmax.f32 v51, $9.999999740e-05;
	v58 =	vsub.f32 $1.000000000e+00, v55  }
0x40f: {  	[tilespmem:$0x1D0C0] =	vst v56;
	v59 =	vmin.f32 v57, $9.999899860e-01;
	v60 =	vmax.f32 v54, $9.999999740e-05  }
0x410: {  	s0 =	sadd.s32 $0x1, s0;
	[tilespmem:$0x1D0D0] =	vst v59;
	v61 =	vmin.f32 v60, $9.999899860e-01;
	v62 =	vmax.f32 v58, $9.999999740e-05  }
0x411: {  	p1 =	sne.s32 s0, s20;
	[tilespmem:$0x1D0E0] =	vst v61;
	v63 =	vmin.f32 v62, $9.999899860e-01  }
.Ltmp25:
0x412: {  	s2 =	simm.s32 $0x1CF00;
	[tilespmem:$0x1D0F0] =	vst v63;
	(pc) =	sbr.rel @p1 .LBB2_1-.Ltmp25, $4  }
0x413: {  	[hbm4b:s19+s3] =	stream.linear.scatter [tilespmem:s2], [sflag:$0x3], $0x200, $0x38;
	[tilespmem:$0x1E970] =	vst v63  }
0x414: {  	_ =	swait.ge [sflag:s26], $0x200  }
0x415: {  	[sflag:s26] =	ssyncset.done $0x0  }
0x416: {  	[sflag:s26] =	ssyncadd.s32 $0xFFFFFE00  }
0x417: {  	_ =	sfence.sel $0x180000  }
0x418: {  	[bflag:$0x0] =	sbarrier.arrive $0xFFFF  }
0x419: {  	_ =	strace $0x90000047  }
0x41a: {  	s0 =	stileid.u32;
	[bflag:$0x2] =	sbarrier.arrive $0xFFFF  }
0x41b: {  	p0 =	sne.s32 s0, $0x0;
	s0 =	rddreg [dreg:$0x4]  }
0x41c: {  	s0 =	sadd.s32 @!p0 $0x100000, s0  }
0x41d: {  	[sflag:s0] =	ssyncadd.tile.s32 @!p0 $0x1;
	_ =	shalt  }
.Lfunc_end2:
_tile_overlayer_lowered:
.L_overlay_start_2:
0x41e: {  	(tag) =	ssettag $0x2  }
0x41f: {  	s0 =	rddreg [dreg:$0x0];
	s2 =	stileid.u32  }
0x420: {  	s1 =	rddreg [dreg:$0x1];
	p0 =	sne.s32 s2, $0x0  }
0x421: {  	s3 =	rddreg [dreg:$0x2];
	[bflag:$0x3] =	sbarrier.arrive $0xFFFF;
	s2 =	simm.s32 @!p0 $0x1C03  }
0x422: {  	[timem:s3], [sflag:s2] =	dma.local @!p0 [hbm:s0], s1  }
0x423: {  	s0 =	simm.s32 @!p0 $0x3  }
0x424: {  	_ =	swait.ge @!p0 [sflag:s0], s1  }
0x425: {  	s1 =	ssub.s32 @!p0 $0x0, s1;
	[sflag:s0] =	ssyncset.done @!p0 $0x0  }
0x426: {  	[sflag:s0] =	ssyncadd.s32 @!p0 s1  }
0x427: {  	[bflag:$0x3] =	sbarrier.arrive $0xFFFF  }
0x428: {  	_ =	shalt  }

</sc_bundles>
